<compile_context>
chip_gen: v7x
topology: tpu7x:2x2x1
jax: 0.10.2.dev20260603
libtpu: 0.0.44.dev20260713+nightly
codegen_flags: <defaults>
</compile_context>

<pallas_src>
import functools

import jax
import jax.numpy as jnp
from jax import lax
from jax.experimental import pallas as pl
from jax.experimental.pallas import tpu as pltpu
from jax.experimental.pallas import tpu_sc as plsc

N = 10000
E = 320000
D = 16
B = 16384

NC = 2
NS = 16
NW = NC * NS
CHUNK = 128
W128 = 128

NCH = E // CHUNK
WCH = NCH // NW
XCH = NCH - NW * WCH
SLAB = 88
XROW = SLAB
VROWS = 96
ASTART_MAX = ((NCH - SLAB) // 8) * 8

NDEG = 10240

PCH = B // (NW * CHUNK)

MMROWS = 400

_mesh = plsc.VectorSubcoreMesh(
    core_axis_name="c", subcore_axis_name="s", num_cores=NC, num_subcores=NS
)


def _slab_base(wid):
    start = wid * WCH
    astart = jnp.minimum((start // 8) * 8, ASTART_MAX)
    return astart, start - astart


_DEG_KW = dict(
    out_type=jax.ShapeDtypeStruct((NC, NDEG), jnp.float32),
    mesh=_mesh,
    scratch_types=[
        pltpu.VMEM((VROWS, CHUNK), jnp.int32),
        pltpu.VMEM((CHUNK,), jnp.float32),
        pltpu.VMEM_SHARED((NDEG,), jnp.float32),
    ],
)


def _deg_body(edges_hbm, ones_hbm, zeros_hbm, deg_out, dst_v, ones_v, shared_deg):
    cid = lax.axis_index("c")
    sid = lax.axis_index("s")
    wid = cid * NS + sid
    astart, base = _slab_base(wid)

    @pl.when(sid == 0)
    def _():
        pltpu.sync_copy(zeros_hbm, shared_deg)

    pltpu.sync_copy(ones_hbm, ones_v)
    pltpu.sync_copy(edges_hbm.at[1, pl.ds(astart, SLAB)],
                    dst_v.at[pl.ds(0, SLAB)])

    @pl.when(wid < XCH)
    def _():
        pltpu.sync_copy(edges_hbm.at[1, pl.ds(NW * WCH, XCH)],
                        dst_v.at[pl.ds(XROW, XCH)])

    plsc.subcore_barrier()

    @pl.loop(0, WCH)
    def _(k):
        pltpu.sync_copy(ones_v, shared_deg.at[dst_v.at[base + k]], add=True)

    @pl.when(wid < XCH)
    def _():
        pltpu.sync_copy(ones_v, shared_deg.at[dst_v.at[XROW + wid]], add=True)

    plsc.subcore_barrier()

    @pl.when(sid == 0)
    def _():
        pltpu.sync_copy(shared_deg, deg_out.at[cid])


HALF0 = 40
HALF1 = WCH - HALF0
SLAB2 = 48
XROW2 = SLAB2
VROWS2 = 56
ASTART2_MAX = ((NCH - SLAB2) // 8) * 8

_EDGE_KW = dict(
    out_type=jax.ShapeDtypeStruct((NC, N, W128), jnp.float32),
    mesh=_mesh,
    scratch_types=[
        pltpu.VMEM((VROWS2, CHUNK), jnp.int32),
        pltpu.VMEM((VROWS2, CHUNK), jnp.int32),
        pltpu.VMEM((CHUNK, W128), jnp.float32),
        pltpu.VMEM((CHUNK, W128), jnp.float32),
        pltpu.VMEM_SHARED((N, W128), jnp.float32),
        pltpu.SemaphoreType.DMA,
        pltpu.SemaphoreType.DMA,
    ],
)


def _make_edge_body(off, cnt, with_extras):
    def body(y_hbm, edges_hbm, init_hbm, acc_out,
             src_v, dst_v, r0, r1, shared_acc, g0, g1):
        cid = lax.axis_index("c")
        sid = lax.axis_index("s")
        wid = cid * NS + sid
        start = wid * WCH + off
        astart = jnp.minimum((start // 8) * 8, ASTART2_MAX)
        base = start - astart

        @pl.when(sid == 0)
        def _():
            pltpu.sync_copy(init_hbm.at[cid], shared_acc)

        pltpu.sync_copy(edges_hbm.at[0, pl.ds(astart, SLAB2)],
                        src_v.at[pl.ds(0, SLAB2)])
        pltpu.sync_copy(edges_hbm.at[1, pl.ds(astart, SLAB2)],
                        dst_v.at[pl.ds(0, SLAB2)])

        if with_extras:
            @pl.when(wid < XCH)
            def _():
                pltpu.sync_copy(edges_hbm.at[0, pl.ds(NW * WCH, XCH)],
                                src_v.at[pl.ds(XROW2, XCH)])
                pltpu.sync_copy(edges_hbm.at[1, pl.ds(NW * WCH, XCH)],
                                dst_v.at[pl.ds(XROW2, XCH)])

        plsc.subcore_barrier()

        pltpu.async_copy(y_hbm.at[src_v.at[base]], r0, g0)

        @pl.loop(0, cnt // 2)
        def _(j):
            c0 = base + 2 * j
            c1 = base + 2 * j + 1
            pltpu.make_async_copy(y_hbm.at[src_v.at[c0]], r0, g0).wait()
            pltpu.async_copy(y_hbm.at[src_v.at[c1]], r1, g1)
            pltpu.sync_copy(r0, shared_acc.at[dst_v.at[c0]], add=True)
            pltpu.make_async_copy(y_hbm.at[src_v.at[c1]], r1, g1).wait()

            @pl.when(j < cnt // 2 - 1)
            def _():
                pltpu.async_copy(y_hbm.at[src_v.at[c0 + 2]], r0, g0)

            pltpu.sync_copy(r1, shared_acc.at[dst_v.at[c1]], add=True)

        if with_extras:
            @pl.when(wid < XCH)
            def _():
                pltpu.sync_copy(y_hbm.at[src_v.at[XROW2 + wid]], r0)
                pltpu.sync_copy(r0, shared_acc.at[dst_v.at[XROW2 + wid]],
                                add=True)

        plsc.subcore_barrier()

        @pl.when(sid == 0)
        def _():
            pltpu.sync_copy(shared_acc, acc_out.at[cid])

    return body


_edge_body0 = _make_edge_body(0, HALF0, False)
_edge_body1 = _make_edge_body(HALF0, HALF1, True)


STG = 640

_PAIR_KW = dict(
    out_type=(jax.ShapeDtypeStruct((B, W128), jnp.float32),
              jax.ShapeDtypeStruct((B, W128), jnp.float32)),
    mesh=_mesh,
    scratch_types=[
        pltpu.VMEM((PCH, CHUNK), jnp.int32),
        pltpu.VMEM((PCH, CHUNK), jnp.int32),
        pltpu.VMEM((CHUNK, W128), jnp.float32),
        pltpu.VMEM((CHUNK, W128), jnp.float32),
        pltpu.VMEM_SHARED((N, W128), jnp.float32),
        pltpu.SemaphoreType.DMA,
        pltpu.SemaphoreType.DMA,
    ],
)


def _pair_gather_body(ext_hbm, ia_hbm, ib_hbm, out_a, out_b,
                      ia_v, ib_v, r0, r1, shared_ext, w0, w1):
    cid = lax.axis_index("c")
    sid = lax.axis_index("s")
    wid = cid * NS + sid

    @pl.when(sid < NS - 1)
    def _():
        pltpu.sync_copy(ext_hbm.at[pl.ds(sid * STG, STG)],
                        shared_ext.at[pl.ds(sid * STG, STG)])

    @pl.when(sid == NS - 1)
    def _():
        pltpu.sync_copy(ext_hbm.at[pl.ds((NS - 1) * STG, N - (NS - 1) * STG)],
                        shared_ext.at[pl.ds((NS - 1) * STG, N - (NS - 1) * STG)])

    pltpu.sync_copy(ia_hbm.at[wid], ia_v)
    pltpu.sync_copy(ib_hbm.at[wid], ib_v)
    plsc.subcore_barrier()

    work = [(ia_v, out_a, k) for k in range(PCH)] +            [(ib_v, out_b, k) for k in range(PCH)]
    bufs = (r0, r1)
    sems = (w0, w1)
    for t, (idx_v, out, k) in enumerate(work):
        r, w = bufs[t % 2], sems[t % 2]
        if t >= 2:
            p_idx, p_out, p_k = work[t - 2]
            pltpu.make_async_copy(
                r, p_out.at[pl.ds(wid * (PCH * CHUNK) + p_k * CHUNK, CHUNK)],
                w).wait()
        pltpu.sync_copy(shared_ext.at[idx_v.at[k]], r)
        pltpu.async_copy(
            r, out.at[pl.ds(wid * (PCH * CHUNK) + k * CHUNK, CHUNK)], w)
    for t in (len(work) - 2, len(work) - 1):
        idx_v, out, k = work[t]
        pltpu.make_async_copy(
            bufs[t % 2],
            out.at[pl.ds(wid * (PCH * CHUNK) + k * CHUNK, CHUNK)],
            sems[t % 2]).wait()


_deg_kernel = pl.kernel(_deg_body, **_DEG_KW)
_edge_kernel0 = pl.kernel(_edge_body0, **_EDGE_KW)
_edge_kernel1 = pl.kernel(_edge_body1, **_EDGE_KW)
_pair_gather_kernel = pl.kernel(_pair_gather_body, **_PAIR_KW)


def _mm_body(a_ref, w_ref, x_ref):
    x_ref[...] = jnp.dot(a_ref[...], w_ref[...],
                         preferred_element_type=jnp.float32)


def _xw(features, gcn_weight):
    return pl.pallas_call(
        _mm_body,
        grid=(N // MMROWS,),
        in_specs=[
            pl.BlockSpec((MMROWS, N), lambda i: (i, 0)),
            pl.BlockSpec((N, D), lambda i: (0, 0)),
        ],
        out_specs=pl.BlockSpec((MMROWS, D), lambda i: (i, 0)),
        out_shape=jax.ShapeDtypeStruct((N, D), jnp.float32),
    )(features, gcn_weight)


def _y_body(x_ref, dgt_ref, y_ref):
    deg = dgt_ref[:, 0:1] + dgt_ref[:, 1:2] + 1.0
    y_ref[:, 0:D] = x_ref[...] * lax.rsqrt(deg)
    y_ref[:, D:W128] = jnp.zeros((N, W128 - D), jnp.float32)


def _make_y(x, deg_t):
    return pl.pallas_call(
        _y_body,
        in_specs=[
            pl.BlockSpec((N, D), lambda: (0, 0)),
            pl.BlockSpec((N, NC), lambda: (0, 0)),
        ],
        out_specs=pl.BlockSpec((N, W128), lambda: (0, 0)),
        out_shape=jax.ShapeDtypeStruct((N, W128), jnp.float32),
    )(x, deg_t)


def _ext_body(acc_ref, y_ref, dgt_ref, bias_ref, lin_ref, ext_ref):
    deg = dgt_ref[:, 0:1] + dgt_ref[:, 1:2] + 1.0
    dinv = lax.rsqrt(deg)
    acc = acc_ref[0, :, 0:D] + acc_ref[1, :, 0:D] + y_ref[:, 0:D]
    ext_ref[:, 0:D] = acc * dinv + bias_ref[...]
    ext_ref[:, D:2 * D] = jnp.broadcast_to(lin_ref[...], (N, D))
    ext_ref[:, 2 * D:W128] = jnp.zeros((N, W128 - 2 * D), jnp.float32)


def _make_ext(acc_parts, y, deg_t, bias, lin_table):
    return pl.pallas_call(
        _ext_body,
        in_specs=[
            pl.BlockSpec((NC, N, W128), lambda: (0, 0, 0)),
            pl.BlockSpec((N, W128), lambda: (0, 0)),
            pl.BlockSpec((N, NC), lambda: (0, 0)),
            pl.BlockSpec((1, D), lambda: (0, 0)),
            pl.BlockSpec((N, 1), lambda: (0, 0)),
        ],
        out_specs=pl.BlockSpec((N, W128), lambda: (0, 0)),
        out_shape=jax.ShapeDtypeStruct((N, W128), jnp.float32),
    )(acc_parts, y, deg_t, bias, lin_table)


def _fm_body(a_ref, b_ref, lb_ref, o_ref):
    a = a_ref[:, 0:D]
    b = b_ref[:, 0:D]
    fm = jnp.sum(a * b, axis=1, keepdims=True)
    lin = a_ref[:, D:D + 1] + b_ref[:, D:D + 1]
    o_ref[...] = fm + lin + lb_ref[...]


def _fm(rows_a, rows_b, lin_bias):
    return pl.pallas_call(
        _fm_body,
        in_specs=[
            pl.BlockSpec((B, W128), lambda: (0, 0)),
            pl.BlockSpec((B, W128), lambda: (0, 0)),
            pl.BlockSpec((1, 1), lambda: (0, 0)),
        ],
        out_specs=pl.BlockSpec((B, 1), lambda: (0, 0)),
        out_shape=jax.ShapeDtypeStruct((B, 1), jnp.float32),
    )(rows_a, rows_b, lin_bias)


def kernel(features, gcn_weight, gcn_bias, lin_table, lin_bias,
           interaction_pairs, edge_index):
    edges3 = edge_index.reshape(2, NCH, CHUNK)
    idx_a = interaction_pairs[:, 0].reshape(NW, PCH, CHUNK)
    idx_b = interaction_pairs[:, 1].reshape(NW, PCH, CHUNK)

    ones128 = jnp.ones((CHUNK,), jnp.float32)
    zeros_deg = jnp.zeros((NDEG,), jnp.float32)
    zeros_acc = jnp.zeros((NC, N, W128), jnp.float32)

    deg_parts = _deg_kernel(edges3, ones128, zeros_deg)
    deg_t = deg_parts.T

    x = _xw(features, gcn_weight)
    y = _make_y(x, deg_t[:N])

    acc_half = _edge_kernel0(y, edges3, zeros_acc)
    acc_parts = _edge_kernel1(y, edges3, acc_half)

    ext = _make_ext(acc_parts, y, deg_t[:N], gcn_bias.reshape(1, D), lin_table)

    rows_a, rows_b = _pair_gather_kernel(ext, idx_a, idx_b)

    out = _fm(rows_a, rows_b, lin_bias.reshape(1, 1))
    return out.reshape(B)

# --- scband reference (transcript-rebuilt; emitter-appended) ---
"""Pipeline reference for scband-factorization-machine-model-with-gcn-29738353557516 (READ-ONLY COPY).

The authoritative reference and input builder live on the scoring server;
editing this copy changes nothing except your own understanding.
"""

import jax, jax.numpy as jnp
import numpy as np

N = 10000
E = 320000
D = 16
B = 16384

def setup_inputs(seed: int = 0) -> dict:
    key = jax.random.key(seed)
    ks = jax.random.split(key, 6)
    features = jax.random.normal(ks[0], (N, N), dtype=jnp.float32)
    edge_index = jax.random.randint(ks[1], (2, E), 0, N, dtype=jnp.int32)
    interaction_pairs = jax.random.randint(ks[2], (B, 2), 0, N, dtype=jnp.int32)
    gcn_weight = jax.random.normal(ks[3], (N, D), dtype=jnp.float32) * (1.0 / np.sqrt(N))
    gcn_bias = jnp.zeros((D,), dtype=jnp.float32)
    lin_table = jax.random.normal(ks[4], (N, 1), dtype=jnp.float32) * 0.01
    lin_bias = jnp.zeros((1,), dtype=jnp.float32)
    return {
        'features': features,
        'gcn_weight': gcn_weight,
        'gcn_bias': gcn_bias,
        'lin_table': lin_table,
        'lin_bias': lin_bias,
        'interaction_pairs': interaction_pairs,
        'edge_index': edge_index,
    }


def _gcn_conv(features, edge_index, W, b):
    # GCNConv: add self-loops, symmetric deg^-1/2 normalization, scatter-add aggregation
    n = features.shape[0]
    loop = jnp.arange(n, dtype=edge_index.dtype)
    src = jnp.concatenate([edge_index[0], loop])
    dst = jnp.concatenate([edge_index[1], loop])
    x = features @ W                                   # [N, D]
    deg = jnp.zeros((n,), jnp.float32).at[dst].add(1.0)
    dinv = 1.0 / jnp.sqrt(deg)                          # deg >= 1 due to self loops
    norm = dinv[src] * dinv[dst]                        # [E+N]
    msgs = norm[:, None] * x[src]                       # gather
    out = jnp.zeros((n, x.shape[1]), jnp.float32).at[dst].add(msgs)  # scatter-add
    return out + b


def reference(features, gcn_weight, gcn_bias, lin_table, lin_bias, interaction_pairs, edge_index):
    # GraphModel: GCN over all nodes, then gather rows at interaction_pairs
    node_emb = _gcn_conv(features, edge_index, gcn_weight, gcn_bias)  # [N, D]
    emb = node_emb[interaction_pairs]                                 # [B, 2, D]
    # FM_operation(reduce_sum=True)
    square_of_sum = jnp.sum(emb, axis=1) ** 2                         # [B, D]
    sum_of_square = jnp.sum(emb ** 2, axis=1)                         # [B, D]
    fm = 0.5 * jnp.sum(square_of_sum - sum_of_square, axis=1, keepdims=True)  # [B, 1]
    # FeaturesLinear
    lin = jnp.sum(lin_table[interaction_pairs], axis=1) + lin_bias    # [B, 1]
    return jnp.squeeze(lin + fm, axis=1)                              # [B]

if __name__ == "__main__":
    import jax
    _d = setup_inputs()
    print(jax.jit(kernel)(*tuple(_d.values())))

</pallas_src>

<mosaic_0001>
#map = affine_map<(d0, d1) -> (0, 0, 0)>
#map1 = affine_map<(d0, d1) -> (0)>
#map2 = affine_map<(d0, d1) -> (0, 0)>
module attributes {stable_mosaic.version = 14 : i64} {
  func.func @_deg_body(%arg0: i32, %arg1: i32, %arg2: memref<2x2500x128xi32, #tpu.memory_space<hbm>>, %arg3: memref<128xf32, #tpu.memory_space<hbm>>, %arg4: memref<10240xf32, #tpu.memory_space<hbm>>, %arg5: memref<2x10240xf32, #tpu.memory_space<hbm>>, %arg6: memref<96x128xi32, #tpu.memory_space<vmem>>, %arg7: memref<128xf32, #tpu.memory_space<vmem>>, %arg8: memref<10240xf32, #tpu.memory_space<vmem_shared>>) attributes {dimension_semantics = [#tpu.dimension_semantics<core_parallel>, #tpu.dimension_semantics<subcore_parallel>], iteration_bounds = array<i64: 2, 16>, scalar_prefetch = 0 : i64, scratch_operands = 3 : i64, tpu.core_type = #tpu.core_type<sc_vector_subcore>, window_params = [{transform_indices = #map}, {transform_indices = #map1}, {transform_indices = #map1}, {transform_indices = #map2}]} {
    %mul3A = arith.constant 16 : i32
    %mul3A_0 = arith.muli %arg0, %mul3A : i32
    %add3A = arith.addi %mul3A_0, %arg1 : i32
    %mul3A_1 = arith.constant 78 : i32
    %mul3A_2 = arith.muli %add3A, %mul3A_1 : i32
    %jit3A = arith.constant 8 : i32
    %div3A = arith.divsi %mul3A_2, %jit3A : i32
    %sign3A = arith.constant 0 : i32
    %sign3A_3 = arith.cmpi sgt, %mul3A_2, %sign3A : i32
    %sign3A_4 = arith.extui %sign3A_3 : i1 to i32
    %sign3A_5 = arith.constant 0 : i32
    %sign3A_6 = arith.cmpi slt, %mul3A_2, %sign3A_5 : i32
    %sign3A_7 = arith.extui %sign3A_6 : i1 to i32
    %sign3A_8 = arith.subi %sign3A_4, %sign3A_7 : i32
    %sign3A_9 = arith.constant 0 : i32
    %sign3A_10 = arith.cmpi sgt, %jit3A, %sign3A_9 : i32
    %sign3A_11 = arith.extui %sign3A_10 : i1 to i32
    %sign3A_12 = arith.constant 0 : i32
    %sign3A_13 = arith.cmpi slt, %jit3A, %sign3A_12 : i32
    %sign3A_14 = arith.extui %sign3A_13 : i1 to i32
    %sign3A_15 = arith.subi %sign3A_11, %sign3A_14 : i32
    %ne3A = arith.cmpi ne, %sign3A_8, %sign3A_15 : i32
    %rem3A = arith.remsi %mul3A_2, %jit3A : i32
    %ne3A_16 = arith.constant 0 : i32
    %ne3A_17 = arith.cmpi ne, %rem3A, %ne3A_16 : i32
    %and3A = arith.andi %ne3A, %ne3A_17 : i1
    %sub3A = arith.constant 1 : i32
    %sub3A_18 = arith.subi %div3A, %sub3A : i32
    %select_n3A = arith.select %and3A, %sub3A_18, %div3A : i32
    %mul3A_19 = arith.constant 8 : i32
    %mul3A_20 = arith.muli %select_n3A, %mul3A_19 : i32
    %min3A = arith.constant 2408 : i32
    %min3A_21 = arith.minsi %mul3A_20, %min3A : i32
    %sub3A_22 = arith.subi %mul3A_2, %min3A_21 : i32
    %eq3A = arith.constant 0 : i32
    %eq3A_23 = arith.cmpi eq, %arg1, %eq3A : i32
    %convert_element_type3A = arith.extui %eq3A_23 : i1 to i32
    %cond3A = arith.constant 0 : i32
    %cond3A_24 = arith.cmpi ne, %convert_element_type3A, %cond3A : i32
    scf.if %cond3A_24 {
      "tpu.region"() ({
        %run_scoped3A_44 = tpu.sem_alloc : memref<!tpu.dma_semaphore, #tpu.memory_space<semaphore_mem>>
        tpu.enqueue_dma source(%arg4 : memref<10240xf32, #tpu.memory_space<hbm>>) target(%arg8 : memref<10240xf32, #tpu.memory_space<vmem_shared>>) target_semaphore(%run_scoped3A_44 : memref<!tpu.dma_semaphore, #tpu.memory_space<semaphore_mem>>)
        tpu.wait_dma2 semaphore(%run_scoped3A_44 : memref<!tpu.dma_semaphore, #tpu.memory_space<semaphore_mem>>) src(%arg4 : memref<10240xf32, #tpu.memory_space<hbm>>) dst(%arg8 : memref<10240xf32, #tpu.memory_space<vmem_shared>>)
        tpu.yield
      }) : () -> ()
    } else {
    }
    "tpu.region"() ({
      %run_scoped3A_44 = tpu.sem_alloc : memref<!tpu.dma_semaphore, #tpu.memory_space<semaphore_mem>>
      tpu.enqueue_dma source(%arg3 : memref<128xf32, #tpu.memory_space<hbm>>) target(%arg7 : memref<128xf32, #tpu.memory_space<vmem>>) target_semaphore(%run_scoped3A_44 : memref<!tpu.dma_semaphore, #tpu.memory_space<semaphore_mem>>)
      tpu.wait_dma2 semaphore(%run_scoped3A_44 : memref<!tpu.dma_semaphore, #tpu.memory_space<semaphore_mem>>) src(%arg3 : memref<128xf32, #tpu.memory_space<hbm>>) dst(%arg7 : memref<128xf32, #tpu.memory_space<vmem>>)
      tpu.yield
    }) : () -> ()
    %run_scoped3A = arith.constant 1 : i32
    "tpu.region"() ({
      %run_scoped3A_44 = tpu.sem_alloc : memref<!tpu.dma_semaphore, #tpu.memory_space<semaphore_mem>>
      %dma_start3A = arith.constant 0 : i32
      %dma_start3A_45 = arith.constant 0 : i32
      %dma_start3A_46 = tpu.memref_slice %arg6[%dma_start3A, %dma_start3A_45] : memref<96x128xi32, #tpu.memory_space<vmem>> -> memref<88x128xi32, #tpu.memory_space<vmem>>
      %dma_start3A_47 = arith.constant 0 : i32
      %dma_start3A_48 = tpu.memref_slice %arg2[%run_scoped3A, %min3A_21, %dma_start3A_47] : memref<2x2500x128xi32, #tpu.memory_space<hbm>> -> memref<1x88x128xi32, #tpu.memory_space<hbm>>
      %dma_start3A_49 = tpu.memref_squeeze %dma_start3A_48 : memref<1x88x128xi32, #tpu.memory_space<hbm>> -> memref<88x128xi32, #tpu.memory_space<hbm>>
      %dma_start3A_50 = arith.constant 0 : i32
      %dma_start3A_51 = arith.constant 0 : i32
      %dma_start3A_52 = tpu.memref_slice %arg6[%dma_start3A_50, %dma_start3A_51] : memref<96x128xi32, #tpu.memory_space<vmem>> -> memref<88x128xi32, #tpu.memory_space<vmem>>
      %dma_start3A_53 = arith.constant 0 : i32
      %dma_start3A_54 = tpu.memref_slice %arg2[%run_scoped3A, %min3A_21, %dma_start3A_53] : memref<2x2500x128xi32, #tpu.memory_space<hbm>> -> memref<1x88x128xi32, #tpu.memory_space<hbm>>
      %dma_start3A_55 = tpu.memref_squeeze %dma_start3A_54 : memref<1x88x128xi32, #tpu.memory_space<hbm>> -> memref<88x128xi32, #tpu.memory_space<hbm>>
      tpu.enqueue_dma source(%dma_start3A_55 : memref<88x128xi32, #tpu.memory_space<hbm>>) target(%dma_start3A_52 : memref<88x128xi32, #tpu.memory_space<vmem>>) target_semaphore(%run_scoped3A_44 : memref<!tpu.dma_semaphore, #tpu.memory_space<semaphore_mem>>)
      %dma_wait3A = arith.constant 0 : i32
      %dma_wait3A_56 = arith.constant 0 : i32
      %dma_wait3A_57 = tpu.memref_slice %arg6[%dma_wait3A, %dma_wait3A_56] : memref<96x128xi32, #tpu.memory_space<vmem>> -> memref<88x128xi32, #tpu.memory_space<vmem>>
      %dma_wait3A_58 = arith.constant 0 : i32
      %dma_wait3A_59 = tpu.memref_slice %arg2[%run_scoped3A, %min3A_21, %dma_wait3A_58] : memref<2x2500x128xi32, #tpu.memory_space<hbm>> -> memref<1x88x128xi32, #tpu.memory_space<hbm>>
      %dma_wait3A_60 = tpu.memref_squeeze %dma_wait3A_59 : memref<1x88x128xi32, #tpu.memory_space<hbm>> -> memref<88x128xi32, #tpu.memory_space<hbm>>
      %dma_wait3A_61 = arith.constant 0 : i32
      %dma_wait3A_62 = arith.constant 0 : i32
      %dma_wait3A_63 = tpu.memref_slice %arg6[%dma_wait3A_61, %dma_wait3A_62] : memref<96x128xi32, #tpu.memory_space<vmem>> -> memref<88x128xi32, #tpu.memory_space<vmem>>
      %dma_wait3A_64 = arith.constant 0 : i32
      %dma_wait3A_65 = tpu.memref_slice %arg2[%run_scoped3A, %min3A_21, %dma_wait3A_64] : memref<2x2500x128xi32, #tpu.memory_space<hbm>> -> memref<1x88x128xi32, #tpu.memory_space<hbm>>
      %dma_wait3A_66 = tpu.memref_squeeze %dma_wait3A_65 : memref<1x88x128xi32, #tpu.memory_space<hbm>> -> memref<88x128xi32, #tpu.memory_space<hbm>>
      tpu.wait_dma2 semaphore(%run_scoped3A_44 : memref<!tpu.dma_semaphore, #tpu.memory_space<semaphore_mem>>) src(%dma_wait3A_66 : memref<88x128xi32, #tpu.memory_space<hbm>>) dst(%dma_wait3A_63 : memref<88x128xi32, #tpu.memory_space<vmem>>)
      tpu.yield
    }) : () -> ()
    %lt3A = arith.constant 4 : i32
    %lt3A_25 = arith.cmpi slt, %add3A, %lt3A : i32
    %convert_element_type3A_26 = arith.extui %lt3A_25 : i1 to i32
    %cond3A_27 = arith.constant 0 : i32
    %cond3A_28 = arith.cmpi ne, %convert_element_type3A_26, %cond3A_27 : i32
    scf.if %cond3A_28 {
      %run_scoped3A_44 = arith.constant 1 : i32
      "tpu.region"() ({
        %run_scoped3A_45 = tpu.sem_alloc : memref<!tpu.dma_semaphore, #tpu.memory_space<semaphore_mem>>
        %dma_start3A = arith.constant 88 : i32
        %dma_start3A_46 = arith.constant 0 : i32
        %dma_start3A_47 = tpu.memref_slice %arg6[%dma_start3A, %dma_start3A_46] : memref<96x128xi32, #tpu.memory_space<vmem>> -> memref<4x128xi32, #tpu.memory_space<vmem>>
        %dma_start3A_48 = arith.constant 2496 : i32
        %dma_start3A_49 = arith.constant 0 : i32
        %dma_start3A_50 = tpu.memref_slice %arg2[%run_scoped3A_44, %dma_start3A_48, %dma_start3A_49] : memref<2x2500x128xi32, #tpu.memory_space<hbm>> -> memref<1x4x128xi32, #tpu.memory_space<hbm>>
        %dma_start3A_51 = tpu.memref_squeeze %dma_start3A_50 : memref<1x4x128xi32, #tpu.memory_space<hbm>> -> memref<4x128xi32, #tpu.memory_space<hbm>>
        %dma_start3A_52 = arith.constant 88 : i32
        %dma_start3A_53 = arith.constant 0 : i32
        %dma_start3A_54 = tpu.memref_slice %arg6[%dma_start3A_52, %dma_start3A_53] : memref<96x128xi32, #tpu.memory_space<vmem>> -> memref<4x128xi32, #tpu.memory_space<vmem>>
        %dma_start3A_55 = arith.constant 2496 : i32
        %dma_start3A_56 = arith.constant 0 : i32
        %dma_start3A_57 = tpu.memref_slice %arg2[%run_scoped3A_44, %dma_start3A_55, %dma_start3A_56] : memref<2x2500x128xi32, #tpu.memory_space<hbm>> -> memref<1x4x128xi32, #tpu.memory_space<hbm>>
        %dma_start3A_58 = tpu.memref_squeeze %dma_start3A_57 : memref<1x4x128xi32, #tpu.memory_space<hbm>> -> memref<4x128xi32, #tpu.memory_space<hbm>>
        tpu.enqueue_dma source(%dma_start3A_58 : memref<4x128xi32, #tpu.memory_space<hbm>>) target(%dma_start3A_54 : memref<4x128xi32, #tpu.memory_space<vmem>>) target_semaphore(%run_scoped3A_45 : memref<!tpu.dma_semaphore, #tpu.memory_space<semaphore_mem>>)
        %dma_wait3A = arith.constant 88 : i32
        %dma_wait3A_59 = arith.constant 0 : i32
        %dma_wait3A_60 = tpu.memref_slice %arg6[%dma_wait3A, %dma_wait3A_59] : memref<96x128xi32, #tpu.memory_space<vmem>> -> memref<4x128xi32, #tpu.memory_space<vmem>>
        %dma_wait3A_61 = arith.constant 2496 : i32
        %dma_wait3A_62 = arith.constant 0 : i32
        %dma_wait3A_63 = tpu.memref_slice %arg2[%run_scoped3A_44, %dma_wait3A_61, %dma_wait3A_62] : memref<2x2500x128xi32, #tpu.memory_space<hbm>> -> memref<1x4x128xi32, #tpu.memory_space<hbm>>
        %dma_wait3A_64 = tpu.memref_squeeze %dma_wait3A_63 : memref<1x4x128xi32, #tpu.memory_space<hbm>> -> memref<4x128xi32, #tpu.memory_space<hbm>>
        %dma_wait3A_65 = arith.constant 88 : i32
        %dma_wait3A_66 = arith.constant 0 : i32
        %dma_wait3A_67 = tpu.memref_slice %arg6[%dma_wait3A_65, %dma_wait3A_66] : memref<96x128xi32, #tpu.memory_space<vmem>> -> memref<4x128xi32, #tpu.memory_space<vmem>>
        %dma_wait3A_68 = arith.constant 2496 : i32
        %dma_wait3A_69 = arith.constant 0 : i32
        %dma_wait3A_70 = tpu.memref_slice %arg2[%run_scoped3A_44, %dma_wait3A_68, %dma_wait3A_69] : memref<2x2500x128xi32, #tpu.memory_space<hbm>> -> memref<1x4x128xi32, #tpu.memory_space<hbm>>
        %dma_wait3A_71 = tpu.memref_squeeze %dma_wait3A_70 : memref<1x4x128xi32, #tpu.memory_space<hbm>> -> memref<4x128xi32, #tpu.memory_space<hbm>>
        tpu.wait_dma2 semaphore(%run_scoped3A_45 : memref<!tpu.dma_semaphore, #tpu.memory_space<semaphore_mem>>) src(%dma_wait3A_71 : memref<4x128xi32, #tpu.memory_space<hbm>>) dst(%dma_wait3A_67 : memref<4x128xi32, #tpu.memory_space<vmem>>)
        tpu.yield
      }) : () -> ()
    } else {
    }
    %barrier3A = arith.constant 0 : index
    tpu.barrier barrier_id(%barrier3A)
    %scan3A = arith.constant 0 : i32
    %scan3A_29 = arith.constant 78 : i32
    %scan3A_30 = arith.addi %scan3A, %scan3A_29 : i32
    %scan3A_31 = arith.constant 1 : i32
    scf.for %scan3A_44 = %scan3A to %scan3A_30 step %scan3A_31  : i32 {
      %mul3A_45 = arith.constant 1 : i32
      %mul3A_46 = arith.muli %scan3A_44, %mul3A_45 : i32
      %add3A_47 = arith.constant 0 : i32
      %add3A_48 = arith.addi %add3A_47, %mul3A_46 : i32
      %add3A_49 = arith.addi %sub3A_22, %add3A_48 : i32
      "tpu.region"() ({
        %run_scoped3A_50 = tpu.sem_alloc : memref<!tpu.dma_semaphore, #tpu.memory_space<semaphore_mem>>
        %dma_start3A = arith.constant 0 : i32
        %dma_start3A_51 = tpu.memref_slice %arg6[%add3A_49, %dma_start3A] : memref<96x128xi32, #tpu.memory_space<vmem>> -> memref<1x128xi32, #tpu.memory_space<vmem>>
        %dma_start3A_52 = tpu.memref_squeeze %dma_start3A_51 : memref<1x128xi32, #tpu.memory_space<vmem>> -> memref<128xi32, #tpu.memory_space<vmem>>
        %dma_start3A_53 = arith.constant 0 : i32
        %dma_start3A_54 = tpu.memref_slice %arg8[%dma_start3A_53] : memref<10240xf32, #tpu.memory_space<vmem_shared>> -> memref<10240xf32, #tpu.memory_space<vmem_shared>>
        tpu.enqueue_indirect_dma source(%arg7 : memref<128xf32, #tpu.memory_space<vmem>>) target(%dma_start3A_54 : memref<10240xf32, #tpu.memory_space<vmem_shared>>) offsets(%dma_start3A_52 : memref<128xi32, #tpu.memory_space<vmem>>) semaphore(%run_scoped3A_50 : memref<!tpu.dma_semaphore, #tpu.memory_space<semaphore_mem>>) {add = true}
        %dma_wait3A = arith.constant 0 : i32
        %dma_wait3A_55 = tpu.memref_slice %arg6[%add3A_49, %dma_wait3A] : memref<96x128xi32, #tpu.memory_space<vmem>> -> memref<1x128xi32, #tpu.memory_space<vmem>>
        %dma_wait3A_56 = tpu.memref_squeeze %dma_wait3A_55 : memref<1x128xi32, #tpu.memory_space<vmem>> -> memref<128xi32, #tpu.memory_space<vmem>>
        %dma_wait3A_57 = arith.constant 0 : i32
        %dma_wait3A_58 = tpu.memref_slice %arg8[%dma_wait3A_57] : memref<10240xf32, #tpu.memory_space<vmem_shared>> -> memref<10240xf32, #tpu.memory_space<vmem_shared>>
        tpu.wait_indirect_dma semaphore(%run_scoped3A_50 : memref<!tpu.dma_semaphore, #tpu.memory_space<semaphore_mem>>) src(%arg7 : memref<128xf32, #tpu.memory_space<vmem>>) dst(%dma_wait3A_58 : memref<10240xf32, #tpu.memory_space<vmem_shared>>)
        tpu.yield
      }) : () -> ()
    }
    %scan3A_32 = arith.constant 78 : i32
    %lt3A_33 = arith.constant 4 : i32
    %lt3A_34 = arith.cmpi slt, %add3A, %lt3A_33 : i32
    %convert_element_type3A_35 = arith.extui %lt3A_34 : i1 to i32
    %cond3A_36 = arith.constant 0 : i32
    %cond3A_37 = arith.cmpi ne, %convert_element_type3A_35, %cond3A_36 : i32
    scf.if %cond3A_37 {
      %add3A_44 = arith.constant 88 : i32
      %add3A_45 = arith.addi %add3A_44, %add3A : i32
      "tpu.region"() ({
        %run_scoped3A_46 = tpu.sem_alloc : memref<!tpu.dma_semaphore, #tpu.memory_space<semaphore_mem>>
        %dma_start3A = arith.constant 0 : i32
        %dma_start3A_47 = tpu.memref_slice %arg6[%add3A_45, %dma_start3A] : memref<96x128xi32, #tpu.memory_space<vmem>> -> memref<1x128xi32, #tpu.memory_space<vmem>>
        %dma_start3A_48 = tpu.memref_squeeze %dma_start3A_47 : memref<1x128xi32, #tpu.memory_space<vmem>> -> memref<128xi32, #tpu.memory_space<vmem>>
        %dma_start3A_49 = arith.constant 0 : i32
        %dma_start3A_50 = tpu.memref_slice %arg8[%dma_start3A_49] : memref<10240xf32, #tpu.memory_space<vmem_shared>> -> memref<10240xf32, #tpu.memory_space<vmem_shared>>
        tpu.enqueue_indirect_dma source(%arg7 : memref<128xf32, #tpu.memory_space<vmem>>) target(%dma_start3A_50 : memref<10240xf32, #tpu.memory_space<vmem_shared>>) offsets(%dma_start3A_48 : memref<128xi32, #tpu.memory_space<vmem>>) semaphore(%run_scoped3A_46 : memref<!tpu.dma_semaphore, #tpu.memory_space<semaphore_mem>>) {add = true}
        %dma_wait3A = arith.constant 0 : i32
        %dma_wait3A_51 = tpu.memref_slice %arg6[%add3A_45, %dma_wait3A] : memref<96x128xi32, #tpu.memory_space<vmem>> -> memref<1x128xi32, #tpu.memory_space<vmem>>
        %dma_wait3A_52 = tpu.memref_squeeze %dma_wait3A_51 : memref<1x128xi32, #tpu.memory_space<vmem>> -> memref<128xi32, #tpu.memory_space<vmem>>
        %dma_wait3A_53 = arith.constant 0 : i32
        %dma_wait3A_54 = tpu.memref_slice %arg8[%dma_wait3A_53] : memref<10240xf32, #tpu.memory_space<vmem_shared>> -> memref<10240xf32, #tpu.memory_space<vmem_shared>>
        tpu.wait_indirect_dma semaphore(%run_scoped3A_46 : memref<!tpu.dma_semaphore, #tpu.memory_space<semaphore_mem>>) src(%arg7 : memref<128xf32, #tpu.memory_space<vmem>>) dst(%dma_wait3A_54 : memref<10240xf32, #tpu.memory_space<vmem_shared>>)
        tpu.yield
      }) : () -> ()
    } else {
    }
    %barrier3A_38 = arith.constant 0 : index
    tpu.barrier barrier_id(%barrier3A_38)
    %eq3A_39 = arith.constant 0 : i32
    %eq3A_40 = arith.cmpi eq, %arg1, %eq3A_39 : i32
    %convert_element_type3A_41 = arith.extui %eq3A_40 : i1 to i32
    %cond3A_42 = arith.constant 0 : i32
    %cond3A_43 = arith.cmpi ne, %convert_element_type3A_41, %cond3A_42 : i32
    scf.if %cond3A_43 {
      "tpu.region"() ({
        %run_scoped3A_44 = tpu.sem_alloc : memref<!tpu.dma_semaphore, #tpu.memory_space<semaphore_mem>>
        %dma_start3A = arith.constant 0 : i32
        %dma_start3A_45 = tpu.memref_slice %arg5[%arg0, %dma_start3A] : memref<2x10240xf32, #tpu.memory_space<hbm>> -> memref<1x10240xf32, #tpu.memory_space<hbm>>
        %dma_start3A_46 = tpu.memref_squeeze %dma_start3A_45 : memref<1x10240xf32, #tpu.memory_space<hbm>> -> memref<10240xf32, #tpu.memory_space<hbm>>
        tpu.enqueue_dma source(%arg8 : memref<10240xf32, #tpu.memory_space<vmem_shared>>) target(%dma_start3A_46 : memref<10240xf32, #tpu.memory_space<hbm>>) target_semaphore(%run_scoped3A_44 : memref<!tpu.dma_semaphore, #tpu.memory_space<semaphore_mem>>)
        %dma_wait3A = arith.constant 0 : i32
        %dma_wait3A_47 = tpu.memref_slice %arg5[%arg0, %dma_wait3A] : memref<2x10240xf32, #tpu.memory_space<hbm>> -> memref<1x10240xf32, #tpu.memory_space<hbm>>
        %dma_wait3A_48 = tpu.memref_squeeze %dma_wait3A_47 : memref<1x10240xf32, #tpu.memory_space<hbm>> -> memref<10240xf32, #tpu.memory_space<hbm>>
        tpu.wait_dma2 semaphore(%run_scoped3A_44 : memref<!tpu.dma_semaphore, #tpu.memory_space<semaphore_mem>>) src(%arg8 : memref<10240xf32, #tpu.memory_space<vmem_shared>>) dst(%dma_wait3A_48 : memref<10240xf32, #tpu.memory_space<hbm>>)
        tpu.yield
      }) : () -> ()
    } else {
    }
    return
  }
}

#map = affine_map<(d0, d1) -> (0, 0)>
#map1 = affine_map<(d0, d1) -> (0, 0, 0)>
module attributes {stable_mosaic.version = 14 : i64} {
  func.func @body(%arg0: i32, %arg1: i32, %arg2: memref<10000x128xf32, #tpu.memory_space<hbm>>, %arg3: memref<2x2500x128xi32, #tpu.memory_space<hbm>>, %arg4: memref<2x10000x128xf32, #tpu.memory_space<hbm>>, %arg5: memref<2x10000x128xf32, #tpu.memory_space<hbm>>, %arg6: memref<56x128xi32, #tpu.memory_space<vmem>>, %arg7: memref<56x128xi32, #tpu.memory_space<vmem>>, %arg8: memref<128x128xf32, #tpu.memory_space<vmem>>, %arg9: memref<128x128xf32, #tpu.memory_space<vmem>>, %arg10: memref<10000x128xf32, #tpu.memory_space<vmem_shared>>, %arg11: memref<!tpu.dma_semaphore, #tpu.memory_space<semaphore_mem>>, %arg12: memref<!tpu.dma_semaphore, #tpu.memory_space<semaphore_mem>>) attributes {dimension_semantics = [#tpu.dimension_semantics<core_parallel>, #tpu.dimension_semantics<subcore_parallel>], iteration_bounds = array<i64: 2, 16>, scalar_prefetch = 0 : i64, scratch_operands = 7 : i64, tpu.core_type = #tpu.core_type<sc_vector_subcore>, window_params = [{transform_indices = #map}, {transform_indices = #map1}, {transform_indices = #map1}, {transform_indices = #map1}]} {
    %mul3A = arith.constant 16 : i32
    %mul3A_0 = arith.muli %arg0, %mul3A : i32
    %add3A = arith.addi %mul3A_0, %arg1 : i32
    %mul3A_1 = arith.constant 78 : i32
    %mul3A_2 = arith.muli %add3A, %mul3A_1 : i32
    %add3A_3 = arith.constant 0 : i32
    %add3A_4 = arith.addi %mul3A_2, %add3A_3 : i32
    %jit3A = arith.constant 8 : i32
    %div3A = arith.divsi %add3A_4, %jit3A : i32
    %sign3A = arith.constant 0 : i32
    %sign3A_5 = arith.cmpi sgt, %add3A_4, %sign3A : i32
    %sign3A_6 = arith.extui %sign3A_5 : i1 to i32
    %sign3A_7 = arith.constant 0 : i32
    %sign3A_8 = arith.cmpi slt, %add3A_4, %sign3A_7 : i32
    %sign3A_9 = arith.extui %sign3A_8 : i1 to i32
    %sign3A_10 = arith.subi %sign3A_6, %sign3A_9 : i32
    %sign3A_11 = arith.constant 0 : i32
    %sign3A_12 = arith.cmpi sgt, %jit3A, %sign3A_11 : i32
    %sign3A_13 = arith.extui %sign3A_12 : i1 to i32
    %sign3A_14 = arith.constant 0 : i32
    %sign3A_15 = arith.cmpi slt, %jit3A, %sign3A_14 : i32
    %sign3A_16 = arith.extui %sign3A_15 : i1 to i32
    %sign3A_17 = arith.subi %sign3A_13, %sign3A_16 : i32
    %ne3A = arith.cmpi ne, %sign3A_10, %sign3A_17 : i32
    %rem3A = arith.remsi %add3A_4, %jit3A : i32
    %ne3A_18 = arith.constant 0 : i32
    %ne3A_19 = arith.cmpi ne, %rem3A, %ne3A_18 : i32
    %and3A = arith.andi %ne3A, %ne3A_19 : i1
    %sub3A = arith.constant 1 : i32
    %sub3A_20 = arith.subi %div3A, %sub3A : i32
    %select_n3A = arith.select %and3A, %sub3A_20, %div3A : i32
    %mul3A_21 = arith.constant 8 : i32
    %mul3A_22 = arith.muli %select_n3A, %mul3A_21 : i32
    %min3A = arith.constant 2448 : i32
    %min3A_23 = arith.minsi %mul3A_22, %min3A : i32
    %sub3A_24 = arith.subi %add3A_4, %min3A_23 : i32
    %eq3A = arith.constant 0 : i32
    %eq3A_25 = arith.cmpi eq, %arg1, %eq3A : i32
    %convert_element_type3A = arith.extui %eq3A_25 : i1 to i32
    %cond3A = arith.constant 0 : i32
    %cond3A_26 = arith.cmpi ne, %convert_element_type3A, %cond3A : i32
    scf.if %cond3A_26 {
      "tpu.region"() ({
        %run_scoped3A_43 = tpu.sem_alloc : memref<!tpu.dma_semaphore, #tpu.memory_space<semaphore_mem>>
        %dma_start3A_44 = arith.constant 0 : i32
        %dma_start3A_45 = arith.constant 0 : i32
        %dma_start3A_46 = tpu.memref_slice %arg4[%arg0, %dma_start3A_44, %dma_start3A_45] : memref<2x10000x128xf32, #tpu.memory_space<hbm>> -> memref<1x10000x128xf32, #tpu.memory_space<hbm>>
        %dma_start3A_47 = tpu.memref_squeeze %dma_start3A_46 : memref<1x10000x128xf32, #tpu.memory_space<hbm>> -> memref<10000x128xf32, #tpu.memory_space<hbm>>
        tpu.enqueue_dma source(%dma_start3A_47 : memref<10000x128xf32, #tpu.memory_space<hbm>>) target(%arg10 : memref<10000x128xf32, #tpu.memory_space<vmem_shared>>) target_semaphore(%run_scoped3A_43 : memref<!tpu.dma_semaphore, #tpu.memory_space<semaphore_mem>>)
        %dma_wait3A = arith.constant 0 : i32
        %dma_wait3A_48 = arith.constant 0 : i32
        %dma_wait3A_49 = tpu.memref_slice %arg4[%arg0, %dma_wait3A, %dma_wait3A_48] : memref<2x10000x128xf32, #tpu.memory_space<hbm>> -> memref<1x10000x128xf32, #tpu.memory_space<hbm>>
        %dma_wait3A_50 = tpu.memref_squeeze %dma_wait3A_49 : memref<1x10000x128xf32, #tpu.memory_space<hbm>> -> memref<10000x128xf32, #tpu.memory_space<hbm>>
        tpu.wait_dma2 semaphore(%run_scoped3A_43 : memref<!tpu.dma_semaphore, #tpu.memory_space<semaphore_mem>>) src(%dma_wait3A_50 : memref<10000x128xf32, #tpu.memory_space<hbm>>) dst(%arg10 : memref<10000x128xf32, #tpu.memory_space<vmem_shared>>)
        tpu.yield
      }) : () -> ()
    } else {
    }
    %run_scoped3A = arith.constant 0 : i32
    "tpu.region"() ({
      %run_scoped3A_43 = tpu.sem_alloc : memref<!tpu.dma_semaphore, #tpu.memory_space<semaphore_mem>>
      %dma_start3A_44 = arith.constant 0 : i32
      %dma_start3A_45 = arith.constant 0 : i32
      %dma_start3A_46 = tpu.memref_slice %arg6[%dma_start3A_44, %dma_start3A_45] : memref<56x128xi32, #tpu.memory_space<vmem>> -> memref<48x128xi32, #tpu.memory_space<vmem>>
      %dma_start3A_47 = arith.constant 0 : i32
      %dma_start3A_48 = tpu.memref_slice %arg3[%run_scoped3A, %min3A_23, %dma_start3A_47] : memref<2x2500x128xi32, #tpu.memory_space<hbm>> -> memref<1x48x128xi32, #tpu.memory_space<hbm>>
      %dma_start3A_49 = tpu.memref_squeeze %dma_start3A_48 : memref<1x48x128xi32, #tpu.memory_space<hbm>> -> memref<48x128xi32, #tpu.memory_space<hbm>>
      %dma_start3A_50 = arith.constant 0 : i32
      %dma_start3A_51 = arith.constant 0 : i32
      %dma_start3A_52 = tpu.memref_slice %arg6[%dma_start3A_50, %dma_start3A_51] : memref<56x128xi32, #tpu.memory_space<vmem>> -> memref<48x128xi32, #tpu.memory_space<vmem>>
      %dma_start3A_53 = arith.constant 0 : i32
      %dma_start3A_54 = tpu.memref_slice %arg3[%run_scoped3A, %min3A_23, %dma_start3A_53] : memref<2x2500x128xi32, #tpu.memory_space<hbm>> -> memref<1x48x128xi32, #tpu.memory_space<hbm>>
      %dma_start3A_55 = tpu.memref_squeeze %dma_start3A_54 : memref<1x48x128xi32, #tpu.memory_space<hbm>> -> memref<48x128xi32, #tpu.memory_space<hbm>>
      tpu.enqueue_dma source(%dma_start3A_55 : memref<48x128xi32, #tpu.memory_space<hbm>>) target(%dma_start3A_52 : memref<48x128xi32, #tpu.memory_space<vmem>>) target_semaphore(%run_scoped3A_43 : memref<!tpu.dma_semaphore, #tpu.memory_space<semaphore_mem>>)
      %dma_wait3A = arith.constant 0 : i32
      %dma_wait3A_56 = arith.constant 0 : i32
      %dma_wait3A_57 = tpu.memref_slice %arg6[%dma_wait3A, %dma_wait3A_56] : memref<56x128xi32, #tpu.memory_space<vmem>> -> memref<48x128xi32, #tpu.memory_space<vmem>>
      %dma_wait3A_58 = arith.constant 0 : i32
      %dma_wait3A_59 = tpu.memref_slice %arg3[%run_scoped3A, %min3A_23, %dma_wait3A_58] : memref<2x2500x128xi32, #tpu.memory_space<hbm>> -> memref<1x48x128xi32, #tpu.memory_space<hbm>>
      %dma_wait3A_60 = tpu.memref_squeeze %dma_wait3A_59 : memref<1x48x128xi32, #tpu.memory_space<hbm>> -> memref<48x128xi32, #tpu.memory_space<hbm>>
      %dma_wait3A_61 = arith.constant 0 : i32
      %dma_wait3A_62 = arith.constant 0 : i32
      %dma_wait3A_63 = tpu.memref_slice %arg6[%dma_wait3A_61, %dma_wait3A_62] : memref<56x128xi32, #tpu.memory_space<vmem>> -> memref<48x128xi32, #tpu.memory_space<vmem>>
      %dma_wait3A_64 = arith.constant 0 : i32
      %dma_wait3A_65 = tpu.memref_slice %arg3[%run_scoped3A, %min3A_23, %dma_wait3A_64] : memref<2x2500x128xi32, #tpu.memory_space<hbm>> -> memref<1x48x128xi32, #tpu.memory_space<hbm>>
      %dma_wait3A_66 = tpu.memref_squeeze %dma_wait3A_65 : memref<1x48x128xi32, #tpu.memory_space<hbm>> -> memref<48x128xi32, #tpu.memory_space<hbm>>
      tpu.wait_dma2 semaphore(%run_scoped3A_43 : memref<!tpu.dma_semaphore, #tpu.memory_space<semaphore_mem>>) src(%dma_wait3A_66 : memref<48x128xi32, #tpu.memory_space<hbm>>) dst(%dma_wait3A_63 : memref<48x128xi32, #tpu.memory_space<vmem>>)
      tpu.yield
    }) : () -> ()
    %run_scoped3A_27 = arith.constant 1 : i32
    "tpu.region"() ({
      %run_scoped3A_43 = tpu.sem_alloc : memref<!tpu.dma_semaphore, #tpu.memory_space<semaphore_mem>>
      %dma_start3A_44 = arith.constant 0 : i32
      %dma_start3A_45 = arith.constant 0 : i32
      %dma_start3A_46 = tpu.memref_slice %arg7[%dma_start3A_44, %dma_start3A_45] : memref<56x128xi32, #tpu.memory_space<vmem>> -> memref<48x128xi32, #tpu.memory_space<vmem>>
      %dma_start3A_47 = arith.constant 0 : i32
      %dma_start3A_48 = tpu.memref_slice %arg3[%run_scoped3A_27, %min3A_23, %dma_start3A_47] : memref<2x2500x128xi32, #tpu.memory_space<hbm>> -> memref<1x48x128xi32, #tpu.memory_space<hbm>>
      %dma_start3A_49 = tpu.memref_squeeze %dma_start3A_48 : memref<1x48x128xi32, #tpu.memory_space<hbm>> -> memref<48x128xi32, #tpu.memory_space<hbm>>
      %dma_start3A_50 = arith.constant 0 : i32
      %dma_start3A_51 = arith.constant 0 : i32
      %dma_start3A_52 = tpu.memref_slice %arg7[%dma_start3A_50, %dma_start3A_51] : memref<56x128xi32, #tpu.memory_space<vmem>> -> memref<48x128xi32, #tpu.memory_space<vmem>>
      %dma_start3A_53 = arith.constant 0 : i32
      %dma_start3A_54 = tpu.memref_slice %arg3[%run_scoped3A_27, %min3A_23, %dma_start3A_53] : memref<2x2500x128xi32, #tpu.memory_space<hbm>> -> memref<1x48x128xi32, #tpu.memory_space<hbm>>
      %dma_start3A_55 = tpu.memref_squeeze %dma_start3A_54 : memref<1x48x128xi32, #tpu.memory_space<hbm>> -> memref<48x128xi32, #tpu.memory_space<hbm>>
      tpu.enqueue_dma source(%dma_start3A_55 : memref<48x128xi32, #tpu.memory_space<hbm>>) target(%dma_start3A_52 : memref<48x128xi32, #tpu.memory_space<vmem>>) target_semaphore(%run_scoped3A_43 : memref<!tpu.dma_semaphore, #tpu.memory_space<semaphore_mem>>)
      %dma_wait3A = arith.constant 0 : i32
      %dma_wait3A_56 = arith.constant 0 : i32
      %dma_wait3A_57 = tpu.memref_slice %arg7[%dma_wait3A, %dma_wait3A_56] : memref<56x128xi32, #tpu.memory_space<vmem>> -> memref<48x128xi32, #tpu.memory_space<vmem>>
      %dma_wait3A_58 = arith.constant 0 : i32
      %dma_wait3A_59 = tpu.memref_slice %arg3[%run_scoped3A_27, %min3A_23, %dma_wait3A_58] : memref<2x2500x128xi32, #tpu.memory_space<hbm>> -> memref<1x48x128xi32, #tpu.memory_space<hbm>>
      %dma_wait3A_60 = tpu.memref_squeeze %dma_wait3A_59 : memref<1x48x128xi32, #tpu.memory_space<hbm>> -> memref<48x128xi32, #tpu.memory_space<hbm>>
      %dma_wait3A_61 = arith.constant 0 : i32
      %dma_wait3A_62 = arith.constant 0 : i32
      %dma_wait3A_63 = tpu.memref_slice %arg7[%dma_wait3A_61, %dma_wait3A_62] : memref<56x128xi32, #tpu.memory_space<vmem>> -> memref<48x128xi32, #tpu.memory_space<vmem>>
      %dma_wait3A_64 = arith.constant 0 : i32
      %dma_wait3A_65 = tpu.memref_slice %arg3[%run_scoped3A_27, %min3A_23, %dma_wait3A_64] : memref<2x2500x128xi32, #tpu.memory_space<hbm>> -> memref<1x48x128xi32, #tpu.memory_space<hbm>>
      %dma_wait3A_66 = tpu.memref_squeeze %dma_wait3A_65 : memref<1x48x128xi32, #tpu.memory_space<hbm>> -> memref<48x128xi32, #tpu.memory_space<hbm>>
      tpu.wait_dma2 semaphore(%run_scoped3A_43 : memref<!tpu.dma_semaphore, #tpu.memory_space<semaphore_mem>>) src(%dma_wait3A_66 : memref<48x128xi32, #tpu.memory_space<hbm>>) dst(%dma_wait3A_63 : memref<48x128xi32, #tpu.memory_space<vmem>>)
      tpu.yield
    }) : () -> ()
    %barrier3A = arith.constant 0 : index
    tpu.barrier barrier_id(%barrier3A)
    %dma_start3A = arith.constant 0 : i32
    %dma_start3A_28 = tpu.memref_slice %arg6[%sub3A_24, %dma_start3A] : memref<56x128xi32, #tpu.memory_space<vmem>> -> memref<1x128xi32, #tpu.memory_space<vmem>>
    %dma_start3A_29 = tpu.memref_squeeze %dma_start3A_28 : memref<1x128xi32, #tpu.memory_space<vmem>> -> memref<128xi32, #tpu.memory_space<vmem>>
    %dma_start3A_30 = arith.constant 0 : i32
    %dma_start3A_31 = arith.constant 0 : i32
    %dma_start3A_32 = tpu.memref_slice %arg2[%dma_start3A_30, %dma_start3A_31] : memref<10000x128xf32, #tpu.memory_space<hbm>> -> memref<10000x128xf32, #tpu.memory_space<hbm>>
    tpu.enqueue_indirect_dma source(%dma_start3A_32 : memref<10000x128xf32, #tpu.memory_space<hbm>>) target(%arg8 : memref<128x128xf32, #tpu.memory_space<vmem>>) offsets(%dma_start3A_29 : memref<128xi32, #tpu.memory_space<vmem>>) semaphore(%arg11 : memref<!tpu.dma_semaphore, #tpu.memory_space<semaphore_mem>>)
    %scan3A = arith.constant 0 : i32
    %scan3A_33 = arith.constant 20 : i32
    %scan3A_34 = arith.addi %scan3A, %scan3A_33 : i32
    %scan3A_35 = arith.constant 1 : i32
    scf.for %scan3A_43 = %scan3A to %scan3A_34 step %scan3A_35  : i32 {
      %mul3A_44 = arith.constant 1 : i32
      %mul3A_45 = arith.muli %scan3A_43, %mul3A_44 : i32
      %add3A_46 = arith.constant 0 : i32
      %add3A_47 = arith.addi %add3A_46, %mul3A_45 : i32
      %mul3A_48 = arith.constant 2 : i32
      %mul3A_49 = arith.muli %mul3A_48, %add3A_47 : i32
      %add3A_50 = arith.addi %sub3A_24, %mul3A_49 : i32
      %mul3A_51 = arith.constant 2 : i32
      %mul3A_52 = arith.muli %mul3A_51, %add3A_47 : i32
      %add3A_53 = arith.addi %sub3A_24, %mul3A_52 : i32
      %add3A_54 = arith.constant 1 : i32
      %add3A_55 = arith.addi %add3A_53, %add3A_54 : i32
      %dma_wait3A = arith.constant 0 : i32
      %dma_wait3A_56 = tpu.memref_slice %arg6[%add3A_50, %dma_wait3A] : memref<56x128xi32, #tpu.memory_space<vmem>> -> memref<1x128xi32, #tpu.memory_space<vmem>>
      %dma_wait3A_57 = tpu.memref_squeeze %dma_wait3A_56 : memref<1x128xi32, #tpu.memory_space<vmem>> -> memref<128xi32, #tpu.memory_space<vmem>>
      %dma_wait3A_58 = arith.constant 0 : i32
      %dma_wait3A_59 = arith.constant 0 : i32
      %dma_wait3A_60 = tpu.memref_slice %arg2[%dma_wait3A_58, %dma_wait3A_59] : memref<10000x128xf32, #tpu.memory_space<hbm>> -> memref<10000x128xf32, #tpu.memory_space<hbm>>
      tpu.wait_indirect_dma semaphore(%arg11 : memref<!tpu.dma_semaphore, #tpu.memory_space<semaphore_mem>>) src(%dma_wait3A_60 : memref<10000x128xf32, #tpu.memory_space<hbm>>) dst(%arg8 : memref<128x128xf32, #tpu.memory_space<vmem>>)
      %dma_start3A_61 = arith.constant 0 : i32
      %dma_start3A_62 = tpu.memref_slice %arg6[%add3A_55, %dma_start3A_61] : memref<56x128xi32, #tpu.memory_space<vmem>> -> memref<1x128xi32, #tpu.memory_space<vmem>>
      %dma_start3A_63 = tpu.memref_squeeze %dma_start3A_62 : memref<1x128xi32, #tpu.memory_space<vmem>> -> memref<128xi32, #tpu.memory_space<vmem>>
      %dma_start3A_64 = arith.constant 0 : i32
      %dma_start3A_65 = arith.constant 0 : i32
      %dma_start3A_66 = tpu.memref_slice %arg2[%dma_start3A_64, %dma_start3A_65] : memref<10000x128xf32, #tpu.memory_space<hbm>> -> memref<10000x128xf32, #tpu.memory_space<hbm>>
      tpu.enqueue_indirect_dma source(%dma_start3A_66 : memref<10000x128xf32, #tpu.memory_space<hbm>>) target(%arg9 : memref<128x128xf32, #tpu.memory_space<vmem>>) offsets(%dma_start3A_63 : memref<128xi32, #tpu.memory_space<vmem>>) semaphore(%arg12 : memref<!tpu.dma_semaphore, #tpu.memory_space<semaphore_mem>>)
      "tpu.region"() ({
        %run_scoped3A_77 = tpu.sem_alloc : memref<!tpu.dma_semaphore, #tpu.memory_space<semaphore_mem>>
        %dma_start3A_78 = arith.constant 0 : i32
        %dma_start3A_79 = tpu.memref_slice %arg7[%add3A_50, %dma_start3A_78] : memref<56x128xi32, #tpu.memory_space<vmem>> -> memref<1x128xi32, #tpu.memory_space<vmem>>
        %dma_start3A_80 = tpu.memref_squeeze %dma_start3A_79 : memref<1x128xi32, #tpu.memory_space<vmem>> -> memref<128xi32, #tpu.memory_space<vmem>>
        %dma_start3A_81 = arith.constant 0 : i32
        %dma_start3A_82 = arith.constant 0 : i32
        %dma_start3A_83 = tpu.memref_slice %arg10[%dma_start3A_81, %dma_start3A_82] : memref<10000x128xf32, #tpu.memory_space<vmem_shared>> -> memref<10000x128xf32, #tpu.memory_space<vmem_shared>>
        tpu.enqueue_indirect_dma source(%arg8 : memref<128x128xf32, #tpu.memory_space<vmem>>) target(%dma_start3A_83 : memref<10000x128xf32, #tpu.memory_space<vmem_shared>>) offsets(%dma_start3A_80 : memref<128xi32, #tpu.memory_space<vmem>>) semaphore(%run_scoped3A_77 : memref<!tpu.dma_semaphore, #tpu.memory_space<semaphore_mem>>) {add = true}
        %dma_wait3A_84 = arith.constant 0 : i32
        %dma_wait3A_85 = tpu.memref_slice %arg7[%add3A_50, %dma_wait3A_84] : memref<56x128xi32, #tpu.memory_space<vmem>> -> memref<1x128xi32, #tpu.memory_space<vmem>>
        %dma_wait3A_86 = tpu.memref_squeeze %dma_wait3A_85 : memref<1x128xi32, #tpu.memory_space<vmem>> -> memref<128xi32, #tpu.memory_space<vmem>>
        %dma_wait3A_87 = arith.constant 0 : i32
        %dma_wait3A_88 = arith.constant 0 : i32
        %dma_wait3A_89 = tpu.memref_slice %arg10[%dma_wait3A_87, %dma_wait3A_88] : memref<10000x128xf32, #tpu.memory_space<vmem_shared>> -> memref<10000x128xf32, #tpu.memory_space<vmem_shared>>
        tpu.wait_indirect_dma semaphore(%run_scoped3A_77 : memref<!tpu.dma_semaphore, #tpu.memory_space<semaphore_mem>>) src(%arg8 : memref<128x128xf32, #tpu.memory_space<vmem>>) dst(%dma_wait3A_89 : memref<10000x128xf32, #tpu.memory_space<vmem_shared>>)
        tpu.yield
      }) : () -> ()
      %dma_wait3A_67 = arith.constant 0 : i32
      %dma_wait3A_68 = tpu.memref_slice %arg6[%add3A_55, %dma_wait3A_67] : memref<56x128xi32, #tpu.memory_space<vmem>> -> memref<1x128xi32, #tpu.memory_space<vmem>>
      %dma_wait3A_69 = tpu.memref_squeeze %dma_wait3A_68 : memref<1x128xi32, #tpu.memory_space<vmem>> -> memref<128xi32, #tpu.memory_space<vmem>>
      %dma_wait3A_70 = arith.constant 0 : i32
      %dma_wait3A_71 = arith.constant 0 : i32
      %dma_wait3A_72 = tpu.memref_slice %arg2[%dma_wait3A_70, %dma_wait3A_71] : memref<10000x128xf32, #tpu.memory_space<hbm>> -> memref<10000x128xf32, #tpu.memory_space<hbm>>
      tpu.wait_indirect_dma semaphore(%arg12 : memref<!tpu.dma_semaphore, #tpu.memory_space<semaphore_mem>>) src(%dma_wait3A_72 : memref<10000x128xf32, #tpu.memory_space<hbm>>) dst(%arg9 : memref<128x128xf32, #tpu.memory_space<vmem>>)
      %lt3A = arith.constant 19 : i32
      %lt3A_73 = arith.cmpi slt, %add3A_47, %lt3A : i32
      %convert_element_type3A_74 = arith.extui %lt3A_73 : i1 to i32
      %cond3A_75 = arith.constant 0 : i32
      %cond3A_76 = arith.cmpi ne, %convert_element_type3A_74, %cond3A_75 : i32
      scf.if %cond3A_76 {
        %add3A_77 = arith.constant 2 : i32
        %add3A_78 = arith.addi %add3A_50, %add3A_77 : i32
        %dma_start3A_79 = arith.constant 0 : i32
        %dma_start3A_80 = tpu.memref_slice %arg6[%add3A_78, %dma_start3A_79] : memref<56x128xi32, #tpu.memory_space<vmem>> -> memref<1x128xi32, #tpu.memory_space<vmem>>
        %dma_start3A_81 = tpu.memref_squeeze %dma_start3A_80 : memref<1x128xi32, #tpu.memory_space<vmem>> -> memref<128xi32, #tpu.memory_space<vmem>>
        %dma_start3A_82 = arith.constant 0 : i32
        %dma_start3A_83 = arith.constant 0 : i32
        %dma_start3A_84 = tpu.memref_slice %arg2[%dma_start3A_82, %dma_start3A_83] : memref<10000x128xf32, #tpu.memory_space<hbm>> -> memref<10000x128xf32, #tpu.memory_space<hbm>>
        tpu.enqueue_indirect_dma source(%dma_start3A_84 : memref<10000x128xf32, #tpu.memory_space<hbm>>) target(%arg8 : memref<128x128xf32, #tpu.memory_space<vmem>>) offsets(%dma_start3A_81 : memref<128xi32, #tpu.memory_space<vmem>>) semaphore(%arg11 : memref<!tpu.dma_semaphore, #tpu.memory_space<semaphore_mem>>)
      } else {
      }
      "tpu.region"() ({
        %run_scoped3A_77 = tpu.sem_alloc : memref<!tpu.dma_semaphore, #tpu.memory_space<semaphore_mem>>
        %dma_start3A_78 = arith.constant 0 : i32
        %dma_start3A_79 = tpu.memref_slice %arg7[%add3A_55, %dma_start3A_78] : memref<56x128xi32, #tpu.memory_space<vmem>> -> memref<1x128xi32, #tpu.memory_space<vmem>>
        %dma_start3A_80 = tpu.memref_squeeze %dma_start3A_79 : memref<1x128xi32, #tpu.memory_space<vmem>> -> memref<128xi32, #tpu.memory_space<vmem>>
        %dma_start3A_81 = arith.constant 0 : i32
        %dma_start3A_82 = arith.constant 0 : i32
        %dma_start3A_83 = tpu.memref_slice %arg10[%dma_start3A_81, %dma_start3A_82] : memref<10000x128xf32, #tpu.memory_space<vmem_shared>> -> memref<10000x128xf32, #tpu.memory_space<vmem_shared>>
        tpu.enqueue_indirect_dma source(%arg9 : memref<128x128xf32, #tpu.memory_space<vmem>>) target(%dma_start3A_83 : memref<10000x128xf32, #tpu.memory_space<vmem_shared>>) offsets(%dma_start3A_80 : memref<128xi32, #tpu.memory_space<vmem>>) semaphore(%run_scoped3A_77 : memref<!tpu.dma_semaphore, #tpu.memory_space<semaphore_mem>>) {add = true}
        %dma_wait3A_84 = arith.constant 0 : i32
        %dma_wait3A_85 = tpu.memref_slice %arg7[%add3A_55, %dma_wait3A_84] : memref<56x128xi32, #tpu.memory_space<vmem>> -> memref<1x128xi32, #tpu.memory_space<vmem>>
        %dma_wait3A_86 = tpu.memref_squeeze %dma_wait3A_85 : memref<1x128xi32, #tpu.memory_space<vmem>> -> memref<128xi32, #tpu.memory_space<vmem>>
        %dma_wait3A_87 = arith.constant 0 : i32
        %dma_wait3A_88 = arith.constant 0 : i32
        %dma_wait3A_89 = tpu.memref_slice %arg10[%dma_wait3A_87, %dma_wait3A_88] : memref<10000x128xf32, #tpu.memory_space<vmem_shared>> -> memref<10000x128xf32, #tpu.memory_space<vmem_shared>>
        tpu.wait_indirect_dma semaphore(%run_scoped3A_77 : memref<!tpu.dma_semaphore, #tpu.memory_space<semaphore_mem>>) src(%arg9 : memref<128x128xf32, #tpu.memory_space<vmem>>) dst(%dma_wait3A_89 : memref<10000x128xf32, #tpu.memory_space<vmem_shared>>)
        tpu.yield
      }) : () -> ()
    }
    %scan3A_36 = arith.constant 20 : i32
    %barrier3A_37 = arith.constant 0 : index
    tpu.barrier barrier_id(%barrier3A_37)
    %eq3A_38 = arith.constant 0 : i32
    %eq3A_39 = arith.cmpi eq, %arg1, %eq3A_38 : i32
    %convert_element_type3A_40 = arith.extui %eq3A_39 : i1 to i32
    %cond3A_41 = arith.constant 0 : i32
    %cond3A_42 = arith.cmpi ne, %convert_element_type3A_40, %cond3A_41 : i32
    scf.if %cond3A_42 {
      "tpu.region"() ({
        %run_scoped3A_43 = tpu.sem_alloc : memref<!tpu.dma_semaphore, #tpu.memory_space<semaphore_mem>>
        %dma_start3A_44 = arith.constant 0 : i32
        %dma_start3A_45 = arith.constant 0 : i32
        %dma_start3A_46 = tpu.memref_slice %arg5[%arg0, %dma_start3A_44, %dma_start3A_45] : memref<2x10000x128xf32, #tpu.memory_space<hbm>> -> memref<1x10000x128xf32, #tpu.memory_space<hbm>>
        %dma_start3A_47 = tpu.memref_squeeze %dma_start3A_46 : memref<1x10000x128xf32, #tpu.memory_space<hbm>> -> memref<10000x128xf32, #tpu.memory_space<hbm>>
        tpu.enqueue_dma source(%arg10 : memref<10000x128xf32, #tpu.memory_space<vmem_shared>>) target(%dma_start3A_47 : memref<10000x128xf32, #tpu.memory_space<hbm>>) target_semaphore(%run_scoped3A_43 : memref<!tpu.dma_semaphore, #tpu.memory_space<semaphore_mem>>)
        %dma_wait3A = arith.constant 0 : i32
        %dma_wait3A_48 = arith.constant 0 : i32
        %dma_wait3A_49 = tpu.memref_slice %arg5[%arg0, %dma_wait3A, %dma_wait3A_48] : memref<2x10000x128xf32, #tpu.memory_space<hbm>> -> memref<1x10000x128xf32, #tpu.memory_space<hbm>>
        %dma_wait3A_50 = tpu.memref_squeeze %dma_wait3A_49 : memref<1x10000x128xf32, #tpu.memory_space<hbm>> -> memref<10000x128xf32, #tpu.memory_space<hbm>>
        tpu.wait_dma2 semaphore(%run_scoped3A_43 : memref<!tpu.dma_semaphore, #tpu.memory_space<semaphore_mem>>) src(%arg10 : memref<10000x128xf32, #tpu.memory_space<vmem_shared>>) dst(%dma_wait3A_50 : memref<10000x128xf32, #tpu.memory_space<hbm>>)
        tpu.yield
      }) : () -> ()
    } else {
    }
    return
  }
}

#map = affine_map<(d0, d1) -> (0, 0)>
#map1 = affine_map<(d0, d1) -> (0, 0, 0)>
module attributes {stable_mosaic.version = 14 : i64} {
  func.func @body(%arg0: i32, %arg1: i32, %arg2: memref<10000x128xf32, #tpu.memory_space<hbm>>, %arg3: memref<2x2500x128xi32, #tpu.memory_space<hbm>>, %arg4: memref<2x10000x128xf32, #tpu.memory_space<hbm>>, %arg5: memref<2x10000x128xf32, #tpu.memory_space<hbm>>, %arg6: memref<56x128xi32, #tpu.memory_space<vmem>>, %arg7: memref<56x128xi32, #tpu.memory_space<vmem>>, %arg8: memref<128x128xf32, #tpu.memory_space<vmem>>, %arg9: memref<128x128xf32, #tpu.memory_space<vmem>>, %arg10: memref<10000x128xf32, #tpu.memory_space<vmem_shared>>, %arg11: memref<!tpu.dma_semaphore, #tpu.memory_space<semaphore_mem>>, %arg12: memref<!tpu.dma_semaphore, #tpu.memory_space<semaphore_mem>>) attributes {dimension_semantics = [#tpu.dimension_semantics<core_parallel>, #tpu.dimension_semantics<subcore_parallel>], iteration_bounds = array<i64: 2, 16>, scalar_prefetch = 0 : i64, scratch_operands = 7 : i64, tpu.core_type = #tpu.core_type<sc_vector_subcore>, window_params = [{transform_indices = #map}, {transform_indices = #map1}, {transform_indices = #map1}, {transform_indices = #map1}]} {
    %mul3A = arith.constant 16 : i32
    %mul3A_0 = arith.muli %arg0, %mul3A : i32
    %add3A = arith.addi %mul3A_0, %arg1 : i32
    %mul3A_1 = arith.constant 78 : i32
    %mul3A_2 = arith.muli %add3A, %mul3A_1 : i32
    %add3A_3 = arith.constant 40 : i32
    %add3A_4 = arith.addi %mul3A_2, %add3A_3 : i32
    %jit3A = arith.constant 8 : i32
    %div3A = arith.divsi %add3A_4, %jit3A : i32
    %sign3A = arith.constant 0 : i32
    %sign3A_5 = arith.cmpi sgt, %add3A_4, %sign3A : i32
    %sign3A_6 = arith.extui %sign3A_5 : i1 to i32
    %sign3A_7 = arith.constant 0 : i32
    %sign3A_8 = arith.cmpi slt, %add3A_4, %sign3A_7 : i32
    %sign3A_9 = arith.extui %sign3A_8 : i1 to i32
    %sign3A_10 = arith.subi %sign3A_6, %sign3A_9 : i32
    %sign3A_11 = arith.constant 0 : i32
    %sign3A_12 = arith.cmpi sgt, %jit3A, %sign3A_11 : i32
    %sign3A_13 = arith.extui %sign3A_12 : i1 to i32
    %sign3A_14 = arith.constant 0 : i32
    %sign3A_15 = arith.cmpi slt, %jit3A, %sign3A_14 : i32
    %sign3A_16 = arith.extui %sign3A_15 : i1 to i32
    %sign3A_17 = arith.subi %sign3A_13, %sign3A_16 : i32
    %ne3A = arith.cmpi ne, %sign3A_10, %sign3A_17 : i32
    %rem3A = arith.remsi %add3A_4, %jit3A : i32
    %ne3A_18 = arith.constant 0 : i32
    %ne3A_19 = arith.cmpi ne, %rem3A, %ne3A_18 : i32
    %and3A = arith.andi %ne3A, %ne3A_19 : i1
    %sub3A = arith.constant 1 : i32
    %sub3A_20 = arith.subi %div3A, %sub3A : i32
    %select_n3A = arith.select %and3A, %sub3A_20, %div3A : i32
    %mul3A_21 = arith.constant 8 : i32
    %mul3A_22 = arith.muli %select_n3A, %mul3A_21 : i32
    %min3A = arith.constant 2448 : i32
    %min3A_23 = arith.minsi %mul3A_22, %min3A : i32
    %sub3A_24 = arith.subi %add3A_4, %min3A_23 : i32
    %eq3A = arith.constant 0 : i32
    %eq3A_25 = arith.cmpi eq, %arg1, %eq3A : i32
    %convert_element_type3A = arith.extui %eq3A_25 : i1 to i32
    %cond3A = arith.constant 0 : i32
    %cond3A_26 = arith.cmpi ne, %convert_element_type3A, %cond3A : i32
    scf.if %cond3A_26 {
      "tpu.region"() ({
        %run_scoped3A_52 = tpu.sem_alloc : memref<!tpu.dma_semaphore, #tpu.memory_space<semaphore_mem>>
        %dma_start3A_53 = arith.constant 0 : i32
        %dma_start3A_54 = arith.constant 0 : i32
        %dma_start3A_55 = tpu.memref_slice %arg4[%arg0, %dma_start3A_53, %dma_start3A_54] : memref<2x10000x128xf32, #tpu.memory_space<hbm>> -> memref<1x10000x128xf32, #tpu.memory_space<hbm>>
        %dma_start3A_56 = tpu.memref_squeeze %dma_start3A_55 : memref<1x10000x128xf32, #tpu.memory_space<hbm>> -> memref<10000x128xf32, #tpu.memory_space<hbm>>
        tpu.enqueue_dma source(%dma_start3A_56 : memref<10000x128xf32, #tpu.memory_space<hbm>>) target(%arg10 : memref<10000x128xf32, #tpu.memory_space<vmem_shared>>) target_semaphore(%run_scoped3A_52 : memref<!tpu.dma_semaphore, #tpu.memory_space<semaphore_mem>>)
        %dma_wait3A = arith.constant 0 : i32
        %dma_wait3A_57 = arith.constant 0 : i32
        %dma_wait3A_58 = tpu.memref_slice %arg4[%arg0, %dma_wait3A, %dma_wait3A_57] : memref<2x10000x128xf32, #tpu.memory_space<hbm>> -> memref<1x10000x128xf32, #tpu.memory_space<hbm>>
        %dma_wait3A_59 = tpu.memref_squeeze %dma_wait3A_58 : memref<1x10000x128xf32, #tpu.memory_space<hbm>> -> memref<10000x128xf32, #tpu.memory_space<hbm>>
        tpu.wait_dma2 semaphore(%run_scoped3A_52 : memref<!tpu.dma_semaphore, #tpu.memory_space<semaphore_mem>>) src(%dma_wait3A_59 : memref<10000x128xf32, #tpu.memory_space<hbm>>) dst(%arg10 : memref<10000x128xf32, #tpu.memory_space<vmem_shared>>)
        tpu.yield
      }) : () -> ()
    } else {
    }
    %run_scoped3A = arith.constant 0 : i32
    "tpu.region"() ({
      %run_scoped3A_52 = tpu.sem_alloc : memref<!tpu.dma_semaphore, #tpu.memory_space<semaphore_mem>>
      %dma_start3A_53 = arith.constant 0 : i32
      %dma_start3A_54 = arith.constant 0 : i32
      %dma_start3A_55 = tpu.memref_slice %arg6[%dma_start3A_53, %dma_start3A_54] : memref<56x128xi32, #tpu.memory_space<vmem>> -> memref<48x128xi32, #tpu.memory_space<vmem>>
      %dma_start3A_56 = arith.constant 0 : i32
      %dma_start3A_57 = tpu.memref_slice %arg3[%run_scoped3A, %min3A_23, %dma_start3A_56] : memref<2x2500x128xi32, #tpu.memory_space<hbm>> -> memref<1x48x128xi32, #tpu.memory_space<hbm>>
      %dma_start3A_58 = tpu.memref_squeeze %dma_start3A_57 : memref<1x48x128xi32, #tpu.memory_space<hbm>> -> memref<48x128xi32, #tpu.memory_space<hbm>>
      %dma_start3A_59 = arith.constant 0 : i32
      %dma_start3A_60 = arith.constant 0 : i32
      %dma_start3A_61 = tpu.memref_slice %arg6[%dma_start3A_59, %dma_start3A_60] : memref<56x128xi32, #tpu.memory_space<vmem>> -> memref<48x128xi32, #tpu.memory_space<vmem>>
      %dma_start3A_62 = arith.constant 0 : i32
      %dma_start3A_63 = tpu.memref_slice %arg3[%run_scoped3A, %min3A_23, %dma_start3A_62] : memref<2x2500x128xi32, #tpu.memory_space<hbm>> -> memref<1x48x128xi32, #tpu.memory_space<hbm>>
      %dma_start3A_64 = tpu.memref_squeeze %dma_start3A_63 : memref<1x48x128xi32, #tpu.memory_space<hbm>> -> memref<48x128xi32, #tpu.memory_space<hbm>>
      tpu.enqueue_dma source(%dma_start3A_64 : memref<48x128xi32, #tpu.memory_space<hbm>>) target(%dma_start3A_61 : memref<48x128xi32, #tpu.memory_space<vmem>>) target_semaphore(%run_scoped3A_52 : memref<!tpu.dma_semaphore, #tpu.memory_space<semaphore_mem>>)
      %dma_wait3A = arith.constant 0 : i32
      %dma_wait3A_65 = arith.constant 0 : i32
      %dma_wait3A_66 = tpu.memref_slice %arg6[%dma_wait3A, %dma_wait3A_65] : memref<56x128xi32, #tpu.memory_space<vmem>> -> memref<48x128xi32, #tpu.memory_space<vmem>>
      %dma_wait3A_67 = arith.constant 0 : i32
      %dma_wait3A_68 = tpu.memref_slice %arg3[%run_scoped3A, %min3A_23, %dma_wait3A_67] : memref<2x2500x128xi32, #tpu.memory_space<hbm>> -> memref<1x48x128xi32, #tpu.memory_space<hbm>>
      %dma_wait3A_69 = tpu.memref_squeeze %dma_wait3A_68 : memref<1x48x128xi32, #tpu.memory_space<hbm>> -> memref<48x128xi32, #tpu.memory_space<hbm>>
      %dma_wait3A_70 = arith.constant 0 : i32
      %dma_wait3A_71 = arith.constant 0 : i32
      %dma_wait3A_72 = tpu.memref_slice %arg6[%dma_wait3A_70, %dma_wait3A_71] : memref<56x128xi32, #tpu.memory_space<vmem>> -> memref<48x128xi32, #tpu.memory_space<vmem>>
      %dma_wait3A_73 = arith.constant 0 : i32
      %dma_wait3A_74 = tpu.memref_slice %arg3[%run_scoped3A, %min3A_23, %dma_wait3A_73] : memref<2x2500x128xi32, #tpu.memory_space<hbm>> -> memref<1x48x128xi32, #tpu.memory_space<hbm>>
      %dma_wait3A_75 = tpu.memref_squeeze %dma_wait3A_74 : memref<1x48x128xi32, #tpu.memory_space<hbm>> -> memref<48x128xi32, #tpu.memory_space<hbm>>
      tpu.wait_dma2 semaphore(%run_scoped3A_52 : memref<!tpu.dma_semaphore, #tpu.memory_space<semaphore_mem>>) src(%dma_wait3A_75 : memref<48x128xi32, #tpu.memory_space<hbm>>) dst(%dma_wait3A_72 : memref<48x128xi32, #tpu.memory_space<vmem>>)
      tpu.yield
    }) : () -> ()
    %run_scoped3A_27 = arith.constant 1 : i32
    "tpu.region"() ({
      %run_scoped3A_52 = tpu.sem_alloc : memref<!tpu.dma_semaphore, #tpu.memory_space<semaphore_mem>>
      %dma_start3A_53 = arith.constant 0 : i32
      %dma_start3A_54 = arith.constant 0 : i32
      %dma_start3A_55 = tpu.memref_slice %arg7[%dma_start3A_53, %dma_start3A_54] : memref<56x128xi32, #tpu.memory_space<vmem>> -> memref<48x128xi32, #tpu.memory_space<vmem>>
      %dma_start3A_56 = arith.constant 0 : i32
      %dma_start3A_57 = tpu.memref_slice %arg3[%run_scoped3A_27, %min3A_23, %dma_start3A_56] : memref<2x2500x128xi32, #tpu.memory_space<hbm>> -> memref<1x48x128xi32, #tpu.memory_space<hbm>>
      %dma_start3A_58 = tpu.memref_squeeze %dma_start3A_57 : memref<1x48x128xi32, #tpu.memory_space<hbm>> -> memref<48x128xi32, #tpu.memory_space<hbm>>
      %dma_start3A_59 = arith.constant 0 : i32
      %dma_start3A_60 = arith.constant 0 : i32
      %dma_start3A_61 = tpu.memref_slice %arg7[%dma_start3A_59, %dma_start3A_60] : memref<56x128xi32, #tpu.memory_space<vmem>> -> memref<48x128xi32, #tpu.memory_space<vmem>>
      %dma_start3A_62 = arith.constant 0 : i32
      %dma_start3A_63 = tpu.memref_slice %arg3[%run_scoped3A_27, %min3A_23, %dma_start3A_62] : memref<2x2500x128xi32, #tpu.memory_space<hbm>> -> memref<1x48x128xi32, #tpu.memory_space<hbm>>
      %dma_start3A_64 = tpu.memref_squeeze %dma_start3A_63 : memref<1x48x128xi32, #tpu.memory_space<hbm>> -> memref<48x128xi32, #tpu.memory_space<hbm>>
      tpu.enqueue_dma source(%dma_start3A_64 : memref<48x128xi32, #tpu.memory_space<hbm>>) target(%dma_start3A_61 : memref<48x128xi32, #tpu.memory_space<vmem>>) target_semaphore(%run_scoped3A_52 : memref<!tpu.dma_semaphore, #tpu.memory_space<semaphore_mem>>)
      %dma_wait3A = arith.constant 0 : i32
      %dma_wait3A_65 = arith.constant 0 : i32
      %dma_wait3A_66 = tpu.memref_slice %arg7[%dma_wait3A, %dma_wait3A_65] : memref<56x128xi32, #tpu.memory_space<vmem>> -> memref<48x128xi32, #tpu.memory_space<vmem>>
      %dma_wait3A_67 = arith.constant 0 : i32
      %dma_wait3A_68 = tpu.memref_slice %arg3[%run_scoped3A_27, %min3A_23, %dma_wait3A_67] : memref<2x2500x128xi32, #tpu.memory_space<hbm>> -> memref<1x48x128xi32, #tpu.memory_space<hbm>>
      %dma_wait3A_69 = tpu.memref_squeeze %dma_wait3A_68 : memref<1x48x128xi32, #tpu.memory_space<hbm>> -> memref<48x128xi32, #tpu.memory_space<hbm>>
      %dma_wait3A_70 = arith.constant 0 : i32
      %dma_wait3A_71 = arith.constant 0 : i32
      %dma_wait3A_72 = tpu.memref_slice %arg7[%dma_wait3A_70, %dma_wait3A_71] : memref<56x128xi32, #tpu.memory_space<vmem>> -> memref<48x128xi32, #tpu.memory_space<vmem>>
      %dma_wait3A_73 = arith.constant 0 : i32
      %dma_wait3A_74 = tpu.memref_slice %arg3[%run_scoped3A_27, %min3A_23, %dma_wait3A_73] : memref<2x2500x128xi32, #tpu.memory_space<hbm>> -> memref<1x48x128xi32, #tpu.memory_space<hbm>>
      %dma_wait3A_75 = tpu.memref_squeeze %dma_wait3A_74 : memref<1x48x128xi32, #tpu.memory_space<hbm>> -> memref<48x128xi32, #tpu.memory_space<hbm>>
      tpu.wait_dma2 semaphore(%run_scoped3A_52 : memref<!tpu.dma_semaphore, #tpu.memory_space<semaphore_mem>>) src(%dma_wait3A_75 : memref<48x128xi32, #tpu.memory_space<hbm>>) dst(%dma_wait3A_72 : memref<48x128xi32, #tpu.memory_space<vmem>>)
      tpu.yield
    }) : () -> ()
    %lt3A = arith.constant 4 : i32
    %lt3A_28 = arith.cmpi slt, %add3A, %lt3A : i32
    %convert_element_type3A_29 = arith.extui %lt3A_28 : i1 to i32
    %cond3A_30 = arith.constant 0 : i32
    %cond3A_31 = arith.cmpi ne, %convert_element_type3A_29, %cond3A_30 : i32
    scf.if %cond3A_31 {
      %run_scoped3A_52 = arith.constant 0 : i32
      "tpu.region"() ({
        %run_scoped3A_54 = tpu.sem_alloc : memref<!tpu.dma_semaphore, #tpu.memory_space<semaphore_mem>>
        %dma_start3A_55 = arith.constant 48 : i32
        %dma_start3A_56 = arith.constant 0 : i32
        %dma_start3A_57 = tpu.memref_slice %arg6[%dma_start3A_55, %dma_start3A_56] : memref<56x128xi32, #tpu.memory_space<vmem>> -> memref<4x128xi32, #tpu.memory_space<vmem>>
        %dma_start3A_58 = arith.constant 2496 : i32
        %dma_start3A_59 = arith.constant 0 : i32
        %dma_start3A_60 = tpu.memref_slice %arg3[%run_scoped3A_52, %dma_start3A_58, %dma_start3A_59] : memref<2x2500x128xi32, #tpu.memory_space<hbm>> -> memref<1x4x128xi32, #tpu.memory_space<hbm>>
        %dma_start3A_61 = tpu.memref_squeeze %dma_start3A_60 : memref<1x4x128xi32, #tpu.memory_space<hbm>> -> memref<4x128xi32, #tpu.memory_space<hbm>>
        %dma_start3A_62 = arith.constant 48 : i32
        %dma_start3A_63 = arith.constant 0 : i32
        %dma_start3A_64 = tpu.memref_slice %arg6[%dma_start3A_62, %dma_start3A_63] : memref<56x128xi32, #tpu.memory_space<vmem>> -> memref<4x128xi32, #tpu.memory_space<vmem>>
        %dma_start3A_65 = arith.constant 2496 : i32
        %dma_start3A_66 = arith.constant 0 : i32
        %dma_start3A_67 = tpu.memref_slice %arg3[%run_scoped3A_52, %dma_start3A_65, %dma_start3A_66] : memref<2x2500x128xi32, #tpu.memory_space<hbm>> -> memref<1x4x128xi32, #tpu.memory_space<hbm>>
        %dma_start3A_68 = tpu.memref_squeeze %dma_start3A_67 : memref<1x4x128xi32, #tpu.memory_space<hbm>> -> memref<4x128xi32, #tpu.memory_space<hbm>>
        tpu.enqueue_dma source(%dma_start3A_68 : memref<4x128xi32, #tpu.memory_space<hbm>>) target(%dma_start3A_64 : memref<4x128xi32, #tpu.memory_space<vmem>>) target_semaphore(%run_scoped3A_54 : memref<!tpu.dma_semaphore, #tpu.memory_space<semaphore_mem>>)
        %dma_wait3A = arith.constant 48 : i32
        %dma_wait3A_69 = arith.constant 0 : i32
        %dma_wait3A_70 = tpu.memref_slice %arg6[%dma_wait3A, %dma_wait3A_69] : memref<56x128xi32, #tpu.memory_space<vmem>> -> memref<4x128xi32, #tpu.memory_space<vmem>>
        %dma_wait3A_71 = arith.constant 2496 : i32
        %dma_wait3A_72 = arith.constant 0 : i32
        %dma_wait3A_73 = tpu.memref_slice %arg3[%run_scoped3A_52, %dma_wait3A_71, %dma_wait3A_72] : memref<2x2500x128xi32, #tpu.memory_space<hbm>> -> memref<1x4x128xi32, #tpu.memory_space<hbm>>
        %dma_wait3A_74 = tpu.memref_squeeze %dma_wait3A_73 : memref<1x4x128xi32, #tpu.memory_space<hbm>> -> memref<4x128xi32, #tpu.memory_space<hbm>>
        %dma_wait3A_75 = arith.constant 48 : i32
        %dma_wait3A_76 = arith.constant 0 : i32
        %dma_wait3A_77 = tpu.memref_slice %arg6[%dma_wait3A_75, %dma_wait3A_76] : memref<56x128xi32, #tpu.memory_space<vmem>> -> memref<4x128xi32, #tpu.memory_space<vmem>>
        %dma_wait3A_78 = arith.constant 2496 : i32
        %dma_wait3A_79 = arith.constant 0 : i32
        %dma_wait3A_80 = tpu.memref_slice %arg3[%run_scoped3A_52, %dma_wait3A_78, %dma_wait3A_79] : memref<2x2500x128xi32, #tpu.memory_space<hbm>> -> memref<1x4x128xi32, #tpu.memory_space<hbm>>
        %dma_wait3A_81 = tpu.memref_squeeze %dma_wait3A_80 : memref<1x4x128xi32, #tpu.memory_space<hbm>> -> memref<4x128xi32, #tpu.memory_space<hbm>>
        tpu.wait_dma2 semaphore(%run_scoped3A_54 : memref<!tpu.dma_semaphore, #tpu.memory_space<semaphore_mem>>) src(%dma_wait3A_81 : memref<4x128xi32, #tpu.memory_space<hbm>>) dst(%dma_wait3A_77 : memref<4x128xi32, #tpu.memory_space<vmem>>)
        tpu.yield
      }) : () -> ()
      %run_scoped3A_53 = arith.constant 1 : i32
      "tpu.region"() ({
        %run_scoped3A_54 = tpu.sem_alloc : memref<!tpu.dma_semaphore, #tpu.memory_space<semaphore_mem>>
        %dma_start3A_55 = arith.constant 48 : i32
        %dma_start3A_56 = arith.constant 0 : i32
        %dma_start3A_57 = tpu.memref_slice %arg7[%dma_start3A_55, %dma_start3A_56] : memref<56x128xi32, #tpu.memory_space<vmem>> -> memref<4x128xi32, #tpu.memory_space<vmem>>
        %dma_start3A_58 = arith.constant 2496 : i32
        %dma_start3A_59 = arith.constant 0 : i32
        %dma_start3A_60 = tpu.memref_slice %arg3[%run_scoped3A_53, %dma_start3A_58, %dma_start3A_59] : memref<2x2500x128xi32, #tpu.memory_space<hbm>> -> memref<1x4x128xi32, #tpu.memory_space<hbm>>
        %dma_start3A_61 = tpu.memref_squeeze %dma_start3A_60 : memref<1x4x128xi32, #tpu.memory_space<hbm>> -> memref<4x128xi32, #tpu.memory_space<hbm>>
        %dma_start3A_62 = arith.constant 48 : i32
        %dma_start3A_63 = arith.constant 0 : i32
        %dma_start3A_64 = tpu.memref_slice %arg7[%dma_start3A_62, %dma_start3A_63] : memref<56x128xi32, #tpu.memory_space<vmem>> -> memref<4x128xi32, #tpu.memory_space<vmem>>
        %dma_start3A_65 = arith.constant 2496 : i32
        %dma_start3A_66 = arith.constant 0 : i32
        %dma_start3A_67 = tpu.memref_slice %arg3[%run_scoped3A_53, %dma_start3A_65, %dma_start3A_66] : memref<2x2500x128xi32, #tpu.memory_space<hbm>> -> memref<1x4x128xi32, #tpu.memory_space<hbm>>
        %dma_start3A_68 = tpu.memref_squeeze %dma_start3A_67 : memref<1x4x128xi32, #tpu.memory_space<hbm>> -> memref<4x128xi32, #tpu.memory_space<hbm>>
        tpu.enqueue_dma source(%dma_start3A_68 : memref<4x128xi32, #tpu.memory_space<hbm>>) target(%dma_start3A_64 : memref<4x128xi32, #tpu.memory_space<vmem>>) target_semaphore(%run_scoped3A_54 : memref<!tpu.dma_semaphore, #tpu.memory_space<semaphore_mem>>)
        %dma_wait3A = arith.constant 48 : i32
        %dma_wait3A_69 = arith.constant 0 : i32
        %dma_wait3A_70 = tpu.memref_slice %arg7[%dma_wait3A, %dma_wait3A_69] : memref<56x128xi32, #tpu.memory_space<vmem>> -> memref<4x128xi32, #tpu.memory_space<vmem>>
        %dma_wait3A_71 = arith.constant 2496 : i32
        %dma_wait3A_72 = arith.constant 0 : i32
        %dma_wait3A_73 = tpu.memref_slice %arg3[%run_scoped3A_53, %dma_wait3A_71, %dma_wait3A_72] : memref<2x2500x128xi32, #tpu.memory_space<hbm>> -> memref<1x4x128xi32, #tpu.memory_space<hbm>>
        %dma_wait3A_74 = tpu.memref_squeeze %dma_wait3A_73 : memref<1x4x128xi32, #tpu.memory_space<hbm>> -> memref<4x128xi32, #tpu.memory_space<hbm>>
        %dma_wait3A_75 = arith.constant 48 : i32
        %dma_wait3A_76 = arith.constant 0 : i32
        %dma_wait3A_77 = tpu.memref_slice %arg7[%dma_wait3A_75, %dma_wait3A_76] : memref<56x128xi32, #tpu.memory_space<vmem>> -> memref<4x128xi32, #tpu.memory_space<vmem>>
        %dma_wait3A_78 = arith.constant 2496 : i32
        %dma_wait3A_79 = arith.constant 0 : i32
        %dma_wait3A_80 = tpu.memref_slice %arg3[%run_scoped3A_53, %dma_wait3A_78, %dma_wait3A_79] : memref<2x2500x128xi32, #tpu.memory_space<hbm>> -> memref<1x4x128xi32, #tpu.memory_space<hbm>>
        %dma_wait3A_81 = tpu.memref_squeeze %dma_wait3A_80 : memref<1x4x128xi32, #tpu.memory_space<hbm>> -> memref<4x128xi32, #tpu.memory_space<hbm>>
        tpu.wait_dma2 semaphore(%run_scoped3A_54 : memref<!tpu.dma_semaphore, #tpu.memory_space<semaphore_mem>>) src(%dma_wait3A_81 : memref<4x128xi32, #tpu.memory_space<hbm>>) dst(%dma_wait3A_77 : memref<4x128xi32, #tpu.memory_space<vmem>>)
        tpu.yield
      }) : () -> ()
    } else {
    }
    %barrier3A = arith.constant 0 : index
    tpu.barrier barrier_id(%barrier3A)
    %dma_start3A = arith.constant 0 : i32
    %dma_start3A_32 = tpu.memref_slice %arg6[%sub3A_24, %dma_start3A] : memref<56x128xi32, #tpu.memory_space<vmem>> -> memref<1x128xi32, #tpu.memory_space<vmem>>
    %dma_start3A_33 = tpu.memref_squeeze %dma_start3A_32 : memref<1x128xi32, #tpu.memory_space<vmem>> -> memref<128xi32, #tpu.memory_space<vmem>>
    %dma_start3A_34 = arith.constant 0 : i32
    %dma_start3A_35 = arith.constant 0 : i32
    %dma_start3A_36 = tpu.memref_slice %arg2[%dma_start3A_34, %dma_start3A_35] : memref<10000x128xf32, #tpu.memory_space<hbm>> -> memref<10000x128xf32, #tpu.memory_space<hbm>>
    tpu.enqueue_indirect_dma source(%dma_start3A_36 : memref<10000x128xf32, #tpu.memory_space<hbm>>) target(%arg8 : memref<128x128xf32, #tpu.memory_space<vmem>>) offsets(%dma_start3A_33 : memref<128xi32, #tpu.memory_space<vmem>>) semaphore(%arg11 : memref<!tpu.dma_semaphore, #tpu.memory_space<semaphore_mem>>)
    %scan3A = arith.constant 0 : i32
    %scan3A_37 = arith.constant 19 : i32
    %scan3A_38 = arith.addi %scan3A, %scan3A_37 : i32
    %scan3A_39 = arith.constant 1 : i32
    scf.for %scan3A_52 = %scan3A to %scan3A_38 step %scan3A_39  : i32 {
      %mul3A_53 = arith.constant 1 : i32
      %mul3A_54 = arith.muli %scan3A_52, %mul3A_53 : i32
      %add3A_55 = arith.constant 0 : i32
      %add3A_56 = arith.addi %add3A_55, %mul3A_54 : i32
      %mul3A_57 = arith.constant 2 : i32
      %mul3A_58 = arith.muli %mul3A_57, %add3A_56 : i32
      %add3A_59 = arith.addi %sub3A_24, %mul3A_58 : i32
      %mul3A_60 = arith.constant 2 : i32
      %mul3A_61 = arith.muli %mul3A_60, %add3A_56 : i32
      %add3A_62 = arith.addi %sub3A_24, %mul3A_61 : i32
      %add3A_63 = arith.constant 1 : i32
      %add3A_64 = arith.addi %add3A_62, %add3A_63 : i32
      %dma_wait3A = arith.constant 0 : i32
      %dma_wait3A_65 = tpu.memref_slice %arg6[%add3A_59, %dma_wait3A] : memref<56x128xi32, #tpu.memory_space<vmem>> -> memref<1x128xi32, #tpu.memory_space<vmem>>
      %dma_wait3A_66 = tpu.memref_squeeze %dma_wait3A_65 : memref<1x128xi32, #tpu.memory_space<vmem>> -> memref<128xi32, #tpu.memory_space<vmem>>
      %dma_wait3A_67 = arith.constant 0 : i32
      %dma_wait3A_68 = arith.constant 0 : i32
      %dma_wait3A_69 = tpu.memref_slice %arg2[%dma_wait3A_67, %dma_wait3A_68] : memref<10000x128xf32, #tpu.memory_space<hbm>> -> memref<10000x128xf32, #tpu.memory_space<hbm>>
      tpu.wait_indirect_dma semaphore(%arg11 : memref<!tpu.dma_semaphore, #tpu.memory_space<semaphore_mem>>) src(%dma_wait3A_69 : memref<10000x128xf32, #tpu.memory_space<hbm>>) dst(%arg8 : memref<128x128xf32, #tpu.memory_space<vmem>>)
      %dma_start3A_70 = arith.constant 0 : i32
      %dma_start3A_71 = tpu.memref_slice %arg6[%add3A_64, %dma_start3A_70] : memref<56x128xi32, #tpu.memory_space<vmem>> -> memref<1x128xi32, #tpu.memory_space<vmem>>
      %dma_start3A_72 = tpu.memref_squeeze %dma_start3A_71 : memref<1x128xi32, #tpu.memory_space<vmem>> -> memref<128xi32, #tpu.memory_space<vmem>>
      %dma_start3A_73 = arith.constant 0 : i32
      %dma_start3A_74 = arith.constant 0 : i32
      %dma_start3A_75 = tpu.memref_slice %arg2[%dma_start3A_73, %dma_start3A_74] : memref<10000x128xf32, #tpu.memory_space<hbm>> -> memref<10000x128xf32, #tpu.memory_space<hbm>>
      tpu.enqueue_indirect_dma source(%dma_start3A_75 : memref<10000x128xf32, #tpu.memory_space<hbm>>) target(%arg9 : memref<128x128xf32, #tpu.memory_space<vmem>>) offsets(%dma_start3A_72 : memref<128xi32, #tpu.memory_space<vmem>>) semaphore(%arg12 : memref<!tpu.dma_semaphore, #tpu.memory_space<semaphore_mem>>)
      "tpu.region"() ({
        %run_scoped3A_87 = tpu.sem_alloc : memref<!tpu.dma_semaphore, #tpu.memory_space<semaphore_mem>>
        %dma_start3A_88 = arith.constant 0 : i32
        %dma_start3A_89 = tpu.memref_slice %arg7[%add3A_59, %dma_start3A_88] : memref<56x128xi32, #tpu.memory_space<vmem>> -> memref<1x128xi32, #tpu.memory_space<vmem>>
        %dma_start3A_90 = tpu.memref_squeeze %dma_start3A_89 : memref<1x128xi32, #tpu.memory_space<vmem>> -> memref<128xi32, #tpu.memory_space<vmem>>
        %dma_start3A_91 = arith.constant 0 : i32
        %dma_start3A_92 = arith.constant 0 : i32
        %dma_start3A_93 = tpu.memref_slice %arg10[%dma_start3A_91, %dma_start3A_92] : memref<10000x128xf32, #tpu.memory_space<vmem_shared>> -> memref<10000x128xf32, #tpu.memory_space<vmem_shared>>
        tpu.enqueue_indirect_dma source(%arg8 : memref<128x128xf32, #tpu.memory_space<vmem>>) target(%dma_start3A_93 : memref<10000x128xf32, #tpu.memory_space<vmem_shared>>) offsets(%dma_start3A_90 : memref<128xi32, #tpu.memory_space<vmem>>) semaphore(%run_scoped3A_87 : memref<!tpu.dma_semaphore, #tpu.memory_space<semaphore_mem>>) {add = true}
        %dma_wait3A_94 = arith.constant 0 : i32
        %dma_wait3A_95 = tpu.memref_slice %arg7[%add3A_59, %dma_wait3A_94] : memref<56x128xi32, #tpu.memory_space<vmem>> -> memref<1x128xi32, #tpu.memory_space<vmem>>
        %dma_wait3A_96 = tpu.memref_squeeze %dma_wait3A_95 : memref<1x128xi32, #tpu.memory_space<vmem>> -> memref<128xi32, #tpu.memory_space<vmem>>
        %dma_wait3A_97 = arith.constant 0 : i32
        %dma_wait3A_98 = arith.constant 0 : i32
        %dma_wait3A_99 = tpu.memref_slice %arg10[%dma_wait3A_97, %dma_wait3A_98] : memref<10000x128xf32, #tpu.memory_space<vmem_shared>> -> memref<10000x128xf32, #tpu.memory_space<vmem_shared>>
        tpu.wait_indirect_dma semaphore(%run_scoped3A_87 : memref<!tpu.dma_semaphore, #tpu.memory_space<semaphore_mem>>) src(%arg8 : memref<128x128xf32, #tpu.memory_space<vmem>>) dst(%dma_wait3A_99 : memref<10000x128xf32, #tpu.memory_space<vmem_shared>>)
        tpu.yield
      }) : () -> ()
      %dma_wait3A_76 = arith.constant 0 : i32
      %dma_wait3A_77 = tpu.memref_slice %arg6[%add3A_64, %dma_wait3A_76] : memref<56x128xi32, #tpu.memory_space<vmem>> -> memref<1x128xi32, #tpu.memory_space<vmem>>
      %dma_wait3A_78 = tpu.memref_squeeze %dma_wait3A_77 : memref<1x128xi32, #tpu.memory_space<vmem>> -> memref<128xi32, #tpu.memory_space<vmem>>
      %dma_wait3A_79 = arith.constant 0 : i32
      %dma_wait3A_80 = arith.constant 0 : i32
      %dma_wait3A_81 = tpu.memref_slice %arg2[%dma_wait3A_79, %dma_wait3A_80] : memref<10000x128xf32, #tpu.memory_space<hbm>> -> memref<10000x128xf32, #tpu.memory_space<hbm>>
      tpu.wait_indirect_dma semaphore(%arg12 : memref<!tpu.dma_semaphore, #tpu.memory_space<semaphore_mem>>) src(%dma_wait3A_81 : memref<10000x128xf32, #tpu.memory_space<hbm>>) dst(%arg9 : memref<128x128xf32, #tpu.memory_space<vmem>>)
      %lt3A_82 = arith.constant 18 : i32
      %lt3A_83 = arith.cmpi slt, %add3A_56, %lt3A_82 : i32
      %convert_element_type3A_84 = arith.extui %lt3A_83 : i1 to i32
      %cond3A_85 = arith.constant 0 : i32
      %cond3A_86 = arith.cmpi ne, %convert_element_type3A_84, %cond3A_85 : i32
      scf.if %cond3A_86 {
        %add3A_87 = arith.constant 2 : i32
        %add3A_88 = arith.addi %add3A_59, %add3A_87 : i32
        %dma_start3A_89 = arith.constant 0 : i32
        %dma_start3A_90 = tpu.memref_slice %arg6[%add3A_88, %dma_start3A_89] : memref<56x128xi32, #tpu.memory_space<vmem>> -> memref<1x128xi32, #tpu.memory_space<vmem>>
        %dma_start3A_91 = tpu.memref_squeeze %dma_start3A_90 : memref<1x128xi32, #tpu.memory_space<vmem>> -> memref<128xi32, #tpu.memory_space<vmem>>
        %dma_start3A_92 = arith.constant 0 : i32
        %dma_start3A_93 = arith.constant 0 : i32
        %dma_start3A_94 = tpu.memref_slice %arg2[%dma_start3A_92, %dma_start3A_93] : memref<10000x128xf32, #tpu.memory_space<hbm>> -> memref<10000x128xf32, #tpu.memory_space<hbm>>
        tpu.enqueue_indirect_dma source(%dma_start3A_94 : memref<10000x128xf32, #tpu.memory_space<hbm>>) target(%arg8 : memref<128x128xf32, #tpu.memory_space<vmem>>) offsets(%dma_start3A_91 : memref<128xi32, #tpu.memory_space<vmem>>) semaphore(%arg11 : memref<!tpu.dma_semaphore, #tpu.memory_space<semaphore_mem>>)
      } else {
      }
      "tpu.region"() ({
        %run_scoped3A_87 = tpu.sem_alloc : memref<!tpu.dma_semaphore, #tpu.memory_space<semaphore_mem>>
        %dma_start3A_88 = arith.constant 0 : i32
        %dma_start3A_89 = tpu.memref_slice %arg7[%add3A_64, %dma_start3A_88] : memref<56x128xi32, #tpu.memory_space<vmem>> -> memref<1x128xi32, #tpu.memory_space<vmem>>
        %dma_start3A_90 = tpu.memref_squeeze %dma_start3A_89 : memref<1x128xi32, #tpu.memory_space<vmem>> -> memref<128xi32, #tpu.memory_space<vmem>>
        %dma_start3A_91 = arith.constant 0 : i32
        %dma_start3A_92 = arith.constant 0 : i32
        %dma_start3A_93 = tpu.memref_slice %arg10[%dma_start3A_91, %dma_start3A_92] : memref<10000x128xf32, #tpu.memory_space<vmem_shared>> -> memref<10000x128xf32, #tpu.memory_space<vmem_shared>>
        tpu.enqueue_indirect_dma source(%arg9 : memref<128x128xf32, #tpu.memory_space<vmem>>) target(%dma_start3A_93 : memref<10000x128xf32, #tpu.memory_space<vmem_shared>>) offsets(%dma_start3A_90 : memref<128xi32, #tpu.memory_space<vmem>>) semaphore(%run_scoped3A_87 : memref<!tpu.dma_semaphore, #tpu.memory_space<semaphore_mem>>) {add = true}
        %dma_wait3A_94 = arith.constant 0 : i32
        %dma_wait3A_95 = tpu.memref_slice %arg7[%add3A_64, %dma_wait3A_94] : memref<56x128xi32, #tpu.memory_space<vmem>> -> memref<1x128xi32, #tpu.memory_space<vmem>>
        %dma_wait3A_96 = tpu.memref_squeeze %dma_wait3A_95 : memref<1x128xi32, #tpu.memory_space<vmem>> -> memref<128xi32, #tpu.memory_space<vmem>>
        %dma_wait3A_97 = arith.constant 0 : i32
        %dma_wait3A_98 = arith.constant 0 : i32
        %dma_wait3A_99 = tpu.memref_slice %arg10[%dma_wait3A_97, %dma_wait3A_98] : memref<10000x128xf32, #tpu.memory_space<vmem_shared>> -> memref<10000x128xf32, #tpu.memory_space<vmem_shared>>
        tpu.wait_indirect_dma semaphore(%run_scoped3A_87 : memref<!tpu.dma_semaphore, #tpu.memory_space<semaphore_mem>>) src(%arg9 : memref<128x128xf32, #tpu.memory_space<vmem>>) dst(%dma_wait3A_99 : memref<10000x128xf32, #tpu.memory_space<vmem_shared>>)
        tpu.yield
      }) : () -> ()
    }
    %scan3A_40 = arith.constant 19 : i32
    %lt3A_41 = arith.constant 4 : i32
    %lt3A_42 = arith.cmpi slt, %add3A, %lt3A_41 : i32
    %convert_element_type3A_43 = arith.extui %lt3A_42 : i1 to i32
    %cond3A_44 = arith.constant 0 : i32
    %cond3A_45 = arith.cmpi ne, %convert_element_type3A_43, %cond3A_44 : i32
    scf.if %cond3A_45 {
      %add3A_52 = arith.constant 48 : i32
      %add3A_53 = arith.addi %add3A_52, %add3A : i32
      "tpu.region"() ({
        %run_scoped3A_56 = tpu.sem_alloc : memref<!tpu.dma_semaphore, #tpu.memory_space<semaphore_mem>>
        %dma_start3A_57 = arith.constant 0 : i32
        %dma_start3A_58 = tpu.memref_slice %arg6[%add3A_53, %dma_start3A_57] : memref<56x128xi32, #tpu.memory_space<vmem>> -> memref<1x128xi32, #tpu.memory_space<vmem>>
        %dma_start3A_59 = tpu.memref_squeeze %dma_start3A_58 : memref<1x128xi32, #tpu.memory_space<vmem>> -> memref<128xi32, #tpu.memory_space<vmem>>
        %dma_start3A_60 = arith.constant 0 : i32
        %dma_start3A_61 = arith.constant 0 : i32
        %dma_start3A_62 = tpu.memref_slice %arg2[%dma_start3A_60, %dma_start3A_61] : memref<10000x128xf32, #tpu.memory_space<hbm>> -> memref<10000x128xf32, #tpu.memory_space<hbm>>
        tpu.enqueue_indirect_dma source(%dma_start3A_62 : memref<10000x128xf32, #tpu.memory_space<hbm>>) target(%arg8 : memref<128x128xf32, #tpu.memory_space<vmem>>) offsets(%dma_start3A_59 : memref<128xi32, #tpu.memory_space<vmem>>) semaphore(%run_scoped3A_56 : memref<!tpu.dma_semaphore, #tpu.memory_space<semaphore_mem>>)
        %dma_wait3A = arith.constant 0 : i32
        %dma_wait3A_63 = tpu.memref_slice %arg6[%add3A_53, %dma_wait3A] : memref<56x128xi32, #tpu.memory_space<vmem>> -> memref<1x128xi32, #tpu.memory_space<vmem>>
        %dma_wait3A_64 = tpu.memref_squeeze %dma_wait3A_63 : memref<1x128xi32, #tpu.memory_space<vmem>> -> memref<128xi32, #tpu.memory_space<vmem>>
        %dma_wait3A_65 = arith.constant 0 : i32
        %dma_wait3A_66 = arith.constant 0 : i32
        %dma_wait3A_67 = tpu.memref_slice %arg2[%dma_wait3A_65, %dma_wait3A_66] : memref<10000x128xf32, #tpu.memory_space<hbm>> -> memref<10000x128xf32, #tpu.memory_space<hbm>>
        tpu.wait_indirect_dma semaphore(%run_scoped3A_56 : memref<!tpu.dma_semaphore, #tpu.memory_space<semaphore_mem>>) src(%dma_wait3A_67 : memref<10000x128xf32, #tpu.memory_space<hbm>>) dst(%arg8 : memref<128x128xf32, #tpu.memory_space<vmem>>)
        tpu.yield
      }) : () -> ()
      %add3A_54 = arith.constant 48 : i32
      %add3A_55 = arith.addi %add3A_54, %add3A : i32
      "tpu.region"() ({
        %run_scoped3A_56 = tpu.sem_alloc : memref<!tpu.dma_semaphore, #tpu.memory_space<semaphore_mem>>
        %dma_start3A_57 = arith.constant 0 : i32
        %dma_start3A_58 = tpu.memref_slice %arg7[%add3A_55, %dma_start3A_57] : memref<56x128xi32, #tpu.memory_space<vmem>> -> memref<1x128xi32, #tpu.memory_space<vmem>>
        %dma_start3A_59 = tpu.memref_squeeze %dma_start3A_58 : memref<1x128xi32, #tpu.memory_space<vmem>> -> memref<128xi32, #tpu.memory_space<vmem>>
        %dma_start3A_60 = arith.constant 0 : i32
        %dma_start3A_61 = arith.constant 0 : i32
        %dma_start3A_62 = tpu.memref_slice %arg10[%dma_start3A_60, %dma_start3A_61] : memref<10000x128xf32, #tpu.memory_space<vmem_shared>> -> memref<10000x128xf32, #tpu.memory_space<vmem_shared>>
        tpu.enqueue_indirect_dma source(%arg8 : memref<128x128xf32, #tpu.memory_space<vmem>>) target(%dma_start3A_62 : memref<10000x128xf32, #tpu.memory_space<vmem_shared>>) offsets(%dma_start3A_59 : memref<128xi32, #tpu.memory_space<vmem>>) semaphore(%run_scoped3A_56 : memref<!tpu.dma_semaphore, #tpu.memory_space<semaphore_mem>>) {add = true}
        %dma_wait3A = arith.constant 0 : i32
        %dma_wait3A_63 = tpu.memref_slice %arg7[%add3A_55, %dma_wait3A] : memref<56x128xi32, #tpu.memory_space<vmem>> -> memref<1x128xi32, #tpu.memory_space<vmem>>
        %dma_wait3A_64 = tpu.memref_squeeze %dma_wait3A_63 : memref<1x128xi32, #tpu.memory_space<vmem>> -> memref<128xi32, #tpu.memory_space<vmem>>
        %dma_wait3A_65 = arith.constant 0 : i32
        %dma_wait3A_66 = arith.constant 0 : i32
        %dma_wait3A_67 = tpu.memref_slice %arg10[%dma_wait3A_65, %dma_wait3A_66] : memref<10000x128xf32, #tpu.memory_space<vmem_shared>> -> memref<10000x128xf32, #tpu.memory_space<vmem_shared>>
        tpu.wait_indirect_dma semaphore(%run_scoped3A_56 : memref<!tpu.dma_semaphore, #tpu.memory_space<semaphore_mem>>) src(%arg8 : memref<128x128xf32, #tpu.memory_space<vmem>>) dst(%dma_wait3A_67 : memref<10000x128xf32, #tpu.memory_space<vmem_shared>>)
        tpu.yield
      }) : () -> ()
    } else {
    }
    %barrier3A_46 = arith.constant 0 : index
    tpu.barrier barrier_id(%barrier3A_46)
    %eq3A_47 = arith.constant 0 : i32
    %eq3A_48 = arith.cmpi eq, %arg1, %eq3A_47 : i32
    %convert_element_type3A_49 = arith.extui %eq3A_48 : i1 to i32
    %cond3A_50 = arith.constant 0 : i32
    %cond3A_51 = arith.cmpi ne, %convert_element_type3A_49, %cond3A_50 : i32
    scf.if %cond3A_51 {
      "tpu.region"() ({
        %run_scoped3A_52 = tpu.sem_alloc : memref<!tpu.dma_semaphore, #tpu.memory_space<semaphore_mem>>
        %dma_start3A_53 = arith.constant 0 : i32
        %dma_start3A_54 = arith.constant 0 : i32
        %dma_start3A_55 = tpu.memref_slice %arg5[%arg0, %dma_start3A_53, %dma_start3A_54] : memref<2x10000x128xf32, #tpu.memory_space<hbm>> -> memref<1x10000x128xf32, #tpu.memory_space<hbm>>
        %dma_start3A_56 = tpu.memref_squeeze %dma_start3A_55 : memref<1x10000x128xf32, #tpu.memory_space<hbm>> -> memref<10000x128xf32, #tpu.memory_space<hbm>>
        tpu.enqueue_dma source(%arg10 : memref<10000x128xf32, #tpu.memory_space<vmem_shared>>) target(%dma_start3A_56 : memref<10000x128xf32, #tpu.memory_space<hbm>>) target_semaphore(%run_scoped3A_52 : memref<!tpu.dma_semaphore, #tpu.memory_space<semaphore_mem>>)
        %dma_wait3A = arith.constant 0 : i32
        %dma_wait3A_57 = arith.constant 0 : i32
        %dma_wait3A_58 = tpu.memref_slice %arg5[%arg0, %dma_wait3A, %dma_wait3A_57] : memref<2x10000x128xf32, #tpu.memory_space<hbm>> -> memref<1x10000x128xf32, #tpu.memory_space<hbm>>
        %dma_wait3A_59 = tpu.memref_squeeze %dma_wait3A_58 : memref<1x10000x128xf32, #tpu.memory_space<hbm>> -> memref<10000x128xf32, #tpu.memory_space<hbm>>
        tpu.wait_dma2 semaphore(%run_scoped3A_52 : memref<!tpu.dma_semaphore, #tpu.memory_space<semaphore_mem>>) src(%arg10 : memref<10000x128xf32, #tpu.memory_space<vmem_shared>>) dst(%dma_wait3A_59 : memref<10000x128xf32, #tpu.memory_space<hbm>>)
        tpu.yield
      }) : () -> ()
    } else {
    }
    return
  }
}

#map = affine_map<(d0, d1) -> (0, 0)>
#map1 = affine_map<(d0, d1) -> (0, 0, 0)>
module attributes {stable_mosaic.version = 14 : i64} {
  func.func @_pair_gather_body(%arg0: i32, %arg1: i32, %arg2: memref<10000x128xf32, #tpu.memory_space<hbm>>, %arg3: memref<32x4x128xi32, #tpu.memory_space<hbm>>, %arg4: memref<32x4x128xi32, #tpu.memory_space<hbm>>, %arg5: memref<16384x128xf32, #tpu.memory_space<hbm>>, %arg6: memref<16384x128xf32, #tpu.memory_space<hbm>>, %arg7: memref<4x128xi32, #tpu.memory_space<vmem>>, %arg8: memref<4x128xi32, #tpu.memory_space<vmem>>, %arg9: memref<128x128xf32, #tpu.memory_space<vmem>>, %arg10: memref<128x128xf32, #tpu.memory_space<vmem>>, %arg11: memref<10000x128xf32, #tpu.memory_space<vmem_shared>>, %arg12: memref<!tpu.dma_semaphore, #tpu.memory_space<semaphore_mem>>, %arg13: memref<!tpu.dma_semaphore, #tpu.memory_space<semaphore_mem>>) attributes {dimension_semantics = [#tpu.dimension_semantics<core_parallel>, #tpu.dimension_semantics<subcore_parallel>], iteration_bounds = array<i64: 2, 16>, scalar_prefetch = 0 : i64, scratch_operands = 7 : i64, tpu.core_type = #tpu.core_type<sc_vector_subcore>, window_params = [{transform_indices = #map}, {transform_indices = #map1}, {transform_indices = #map1}, {transform_indices = #map}, {transform_indices = #map}]} {
    %mul3A = arith.constant 16 : i32
    %mul3A_0 = arith.muli %arg0, %mul3A : i32
    %add3A = arith.addi %mul3A_0, %arg1 : i32
    %lt3A = arith.constant 15 : i32
    %lt3A_1 = arith.cmpi slt, %arg1, %lt3A : i32
    %convert_element_type3A = arith.extui %lt3A_1 : i1 to i32
    %cond3A = arith.constant 0 : i32
    %cond3A_2 = arith.cmpi ne, %convert_element_type3A, %cond3A : i32
    scf.if %cond3A_2 {
      %mul3A_140 = arith.constant 640 : i32
      %mul3A_141 = arith.muli %arg1, %mul3A_140 : i32
      %mul3A_142 = arith.constant 640 : i32
      %mul3A_143 = arith.muli %arg1, %mul3A_142 : i32
      "tpu.region"() ({
        %run_scoped3A_144 = tpu.sem_alloc : memref<!tpu.dma_semaphore, #tpu.memory_space<semaphore_mem>>
        %dma_start3A_145 = arith.constant 0 : i32
        %dma_start3A_146 = tpu.memref_slice %arg11[%mul3A_143, %dma_start3A_145] : memref<10000x128xf32, #tpu.memory_space<vmem_shared>> -> memref<640x128xf32, #tpu.memory_space<vmem_shared>>
        %dma_start3A_147 = arith.constant 0 : i32
        %dma_start3A_148 = tpu.memref_slice %arg2[%mul3A_141, %dma_start3A_147] : memref<10000x128xf32, #tpu.memory_space<hbm>> -> memref<640x128xf32, #tpu.memory_space<hbm>>
        tpu.enqueue_dma source(%dma_start3A_148 : memref<640x128xf32, #tpu.memory_space<hbm>>) target(%dma_start3A_146 : memref<640x128xf32, #tpu.memory_space<vmem_shared>>) target_semaphore(%run_scoped3A_144 : memref<!tpu.dma_semaphore, #tpu.memory_space<semaphore_mem>>)
        %dma_wait3A_149 = arith.constant 0 : i32
        %dma_wait3A_150 = tpu.memref_slice %arg11[%mul3A_143, %dma_wait3A_149] : memref<10000x128xf32, #tpu.memory_space<vmem_shared>> -> memref<640x128xf32, #tpu.memory_space<vmem_shared>>
        %dma_wait3A_151 = arith.constant 0 : i32
        %dma_wait3A_152 = tpu.memref_slice %arg2[%mul3A_141, %dma_wait3A_151] : memref<10000x128xf32, #tpu.memory_space<hbm>> -> memref<640x128xf32, #tpu.memory_space<hbm>>
        tpu.wait_dma2 semaphore(%run_scoped3A_144 : memref<!tpu.dma_semaphore, #tpu.memory_space<semaphore_mem>>) src(%dma_wait3A_152 : memref<640x128xf32, #tpu.memory_space<hbm>>) dst(%dma_wait3A_150 : memref<640x128xf32, #tpu.memory_space<vmem_shared>>)
        tpu.yield
      }) : () -> ()
    } else {
    }
    %eq3A = arith.constant 15 : i32
    %eq3A_3 = arith.cmpi eq, %arg1, %eq3A : i32
    %convert_element_type3A_4 = arith.extui %eq3A_3 : i1 to i32
    %cond3A_5 = arith.constant 0 : i32
    %cond3A_6 = arith.cmpi ne, %convert_element_type3A_4, %cond3A_5 : i32
    scf.if %cond3A_6 {
      "tpu.region"() ({
        %run_scoped3A_140 = tpu.sem_alloc : memref<!tpu.dma_semaphore, #tpu.memory_space<semaphore_mem>>
        %dma_start3A_141 = arith.constant 9600 : i32
        %dma_start3A_142 = arith.constant 0 : i32
        %dma_start3A_143 = tpu.memref_slice %arg11[%dma_start3A_141, %dma_start3A_142] : memref<10000x128xf32, #tpu.memory_space<vmem_shared>> -> memref<400x128xf32, #tpu.memory_space<vmem_shared>>
        %dma_start3A_144 = arith.constant 9600 : i32
        %dma_start3A_145 = arith.constant 0 : i32
        %dma_start3A_146 = tpu.memref_slice %arg2[%dma_start3A_144, %dma_start3A_145] : memref<10000x128xf32, #tpu.memory_space<hbm>> -> memref<400x128xf32, #tpu.memory_space<hbm>>
        tpu.enqueue_dma source(%dma_start3A_146 : memref<400x128xf32, #tpu.memory_space<hbm>>) target(%dma_start3A_143 : memref<400x128xf32, #tpu.memory_space<vmem_shared>>) target_semaphore(%run_scoped3A_140 : memref<!tpu.dma_semaphore, #tpu.memory_space<semaphore_mem>>)
        %dma_wait3A_147 = arith.constant 9600 : i32
        %dma_wait3A_148 = arith.constant 0 : i32
        %dma_wait3A_149 = tpu.memref_slice %arg11[%dma_wait3A_147, %dma_wait3A_148] : memref<10000x128xf32, #tpu.memory_space<vmem_shared>> -> memref<400x128xf32, #tpu.memory_space<vmem_shared>>
        %dma_wait3A_150 = arith.constant 9600 : i32
        %dma_wait3A_151 = arith.constant 0 : i32
        %dma_wait3A_152 = tpu.memref_slice %arg2[%dma_wait3A_150, %dma_wait3A_151] : memref<10000x128xf32, #tpu.memory_space<hbm>> -> memref<400x128xf32, #tpu.memory_space<hbm>>
        tpu.wait_dma2 semaphore(%run_scoped3A_140 : memref<!tpu.dma_semaphore, #tpu.memory_space<semaphore_mem>>) src(%dma_wait3A_152 : memref<400x128xf32, #tpu.memory_space<hbm>>) dst(%dma_wait3A_149 : memref<400x128xf32, #tpu.memory_space<vmem_shared>>)
        tpu.yield
      }) : () -> ()
    } else {
    }
    "tpu.region"() ({
      %run_scoped3A_140 = tpu.sem_alloc : memref<!tpu.dma_semaphore, #tpu.memory_space<semaphore_mem>>
      %dma_start3A_141 = arith.constant 0 : i32
      %dma_start3A_142 = arith.constant 0 : i32
      %dma_start3A_143 = tpu.memref_slice %arg3[%add3A, %dma_start3A_141, %dma_start3A_142] : memref<32x4x128xi32, #tpu.memory_space<hbm>> -> memref<1x4x128xi32, #tpu.memory_space<hbm>>
      %dma_start3A_144 = tpu.memref_squeeze %dma_start3A_143 : memref<1x4x128xi32, #tpu.memory_space<hbm>> -> memref<4x128xi32, #tpu.memory_space<hbm>>
      %dma_start3A_145 = arith.constant 0 : i32
      %dma_start3A_146 = arith.constant 0 : i32
      %dma_start3A_147 = tpu.memref_slice %arg3[%add3A, %dma_start3A_145, %dma_start3A_146] : memref<32x4x128xi32, #tpu.memory_space<hbm>> -> memref<1x4x128xi32, #tpu.memory_space<hbm>>
      %dma_start3A_148 = tpu.memref_squeeze %dma_start3A_147 : memref<1x4x128xi32, #tpu.memory_space<hbm>> -> memref<4x128xi32, #tpu.memory_space<hbm>>
      tpu.enqueue_dma source(%dma_start3A_148 : memref<4x128xi32, #tpu.memory_space<hbm>>) target(%arg7 : memref<4x128xi32, #tpu.memory_space<vmem>>) target_semaphore(%run_scoped3A_140 : memref<!tpu.dma_semaphore, #tpu.memory_space<semaphore_mem>>)
      %dma_wait3A_149 = arith.constant 0 : i32
      %dma_wait3A_150 = arith.constant 0 : i32
      %dma_wait3A_151 = tpu.memref_slice %arg3[%add3A, %dma_wait3A_149, %dma_wait3A_150] : memref<32x4x128xi32, #tpu.memory_space<hbm>> -> memref<1x4x128xi32, #tpu.memory_space<hbm>>
      %dma_wait3A_152 = tpu.memref_squeeze %dma_wait3A_151 : memref<1x4x128xi32, #tpu.memory_space<hbm>> -> memref<4x128xi32, #tpu.memory_space<hbm>>
      %dma_wait3A_153 = arith.constant 0 : i32
      %dma_wait3A_154 = arith.constant 0 : i32
      %dma_wait3A_155 = tpu.memref_slice %arg3[%add3A, %dma_wait3A_153, %dma_wait3A_154] : memref<32x4x128xi32, #tpu.memory_space<hbm>> -> memref<1x4x128xi32, #tpu.memory_space<hbm>>
      %dma_wait3A_156 = tpu.memref_squeeze %dma_wait3A_155 : memref<1x4x128xi32, #tpu.memory_space<hbm>> -> memref<4x128xi32, #tpu.memory_space<hbm>>
      tpu.wait_dma2 semaphore(%run_scoped3A_140 : memref<!tpu.dma_semaphore, #tpu.memory_space<semaphore_mem>>) src(%dma_wait3A_156 : memref<4x128xi32, #tpu.memory_space<hbm>>) dst(%arg7 : memref<4x128xi32, #tpu.memory_space<vmem>>)
      tpu.yield
    }) : () -> ()
    "tpu.region"() ({
      %run_scoped3A_140 = tpu.sem_alloc : memref<!tpu.dma_semaphore, #tpu.memory_space<semaphore_mem>>
      %dma_start3A_141 = arith.constant 0 : i32
      %dma_start3A_142 = arith.constant 0 : i32
      %dma_start3A_143 = tpu.memref_slice %arg4[%add3A, %dma_start3A_141, %dma_start3A_142] : memref<32x4x128xi32, #tpu.memory_space<hbm>> -> memref<1x4x128xi32, #tpu.memory_space<hbm>>
      %dma_start3A_144 = tpu.memref_squeeze %dma_start3A_143 : memref<1x4x128xi32, #tpu.memory_space<hbm>> -> memref<4x128xi32, #tpu.memory_space<hbm>>
      %dma_start3A_145 = arith.constant 0 : i32
      %dma_start3A_146 = arith.constant 0 : i32
      %dma_start3A_147 = tpu.memref_slice %arg4[%add3A, %dma_start3A_145, %dma_start3A_146] : memref<32x4x128xi32, #tpu.memory_space<hbm>> -> memref<1x4x128xi32, #tpu.memory_space<hbm>>
      %dma_start3A_148 = tpu.memref_squeeze %dma_start3A_147 : memref<1x4x128xi32, #tpu.memory_space<hbm>> -> memref<4x128xi32, #tpu.memory_space<hbm>>
      tpu.enqueue_dma source(%dma_start3A_148 : memref<4x128xi32, #tpu.memory_space<hbm>>) target(%arg8 : memref<4x128xi32, #tpu.memory_space<vmem>>) target_semaphore(%run_scoped3A_140 : memref<!tpu.dma_semaphore, #tpu.memory_space<semaphore_mem>>)
      %dma_wait3A_149 = arith.constant 0 : i32
      %dma_wait3A_150 = arith.constant 0 : i32
      %dma_wait3A_151 = tpu.memref_slice %arg4[%add3A, %dma_wait3A_149, %dma_wait3A_150] : memref<32x4x128xi32, #tpu.memory_space<hbm>> -> memref<1x4x128xi32, #tpu.memory_space<hbm>>
      %dma_wait3A_152 = tpu.memref_squeeze %dma_wait3A_151 : memref<1x4x128xi32, #tpu.memory_space<hbm>> -> memref<4x128xi32, #tpu.memory_space<hbm>>
      %dma_wait3A_153 = arith.constant 0 : i32
      %dma_wait3A_154 = arith.constant 0 : i32
      %dma_wait3A_155 = tpu.memref_slice %arg4[%add3A, %dma_wait3A_153, %dma_wait3A_154] : memref<32x4x128xi32, #tpu.memory_space<hbm>> -> memref<1x4x128xi32, #tpu.memory_space<hbm>>
      %dma_wait3A_156 = tpu.memref_squeeze %dma_wait3A_155 : memref<1x4x128xi32, #tpu.memory_space<hbm>> -> memref<4x128xi32, #tpu.memory_space<hbm>>
      tpu.wait_dma2 semaphore(%run_scoped3A_140 : memref<!tpu.dma_semaphore, #tpu.memory_space<semaphore_mem>>) src(%dma_wait3A_156 : memref<4x128xi32, #tpu.memory_space<hbm>>) dst(%arg8 : memref<4x128xi32, #tpu.memory_space<vmem>>)
      tpu.yield
    }) : () -> ()
    %barrier3A = arith.constant 0 : index
    tpu.barrier barrier_id(%barrier3A)
    %run_scoped3A = arith.constant 0 : i32
    "tpu.region"() ({
      %run_scoped3A_140 = tpu.sem_alloc : memref<!tpu.dma_semaphore, #tpu.memory_space<semaphore_mem>>
      %dma_start3A_141 = arith.constant 0 : i32
      %dma_start3A_142 = tpu.memref_slice %arg7[%run_scoped3A, %dma_start3A_141] : memref<4x128xi32, #tpu.memory_space<vmem>> -> memref<1x128xi32, #tpu.memory_space<vmem>>
      %dma_start3A_143 = tpu.memref_squeeze %dma_start3A_142 : memref<1x128xi32, #tpu.memory_space<vmem>> -> memref<128xi32, #tpu.memory_space<vmem>>
      %dma_start3A_144 = arith.constant 0 : i32
      %dma_start3A_145 = arith.constant 0 : i32
      %dma_start3A_146 = tpu.memref_slice %arg11[%dma_start3A_144, %dma_start3A_145] : memref<10000x128xf32, #tpu.memory_space<vmem_shared>> -> memref<10000x128xf32, #tpu.memory_space<vmem_shared>>
      tpu.enqueue_indirect_dma source(%dma_start3A_146 : memref<10000x128xf32, #tpu.memory_space<vmem_shared>>) target(%arg9 : memref<128x128xf32, #tpu.memory_space<vmem>>) offsets(%dma_start3A_143 : memref<128xi32, #tpu.memory_space<vmem>>) semaphore(%run_scoped3A_140 : memref<!tpu.dma_semaphore, #tpu.memory_space<semaphore_mem>>)
      %dma_wait3A_147 = arith.constant 0 : i32
      %dma_wait3A_148 = tpu.memref_slice %arg7[%run_scoped3A, %dma_wait3A_147] : memref<4x128xi32, #tpu.memory_space<vmem>> -> memref<1x128xi32, #tpu.memory_space<vmem>>
      %dma_wait3A_149 = tpu.memref_squeeze %dma_wait3A_148 : memref<1x128xi32, #tpu.memory_space<vmem>> -> memref<128xi32, #tpu.memory_space<vmem>>
      %dma_wait3A_150 = arith.constant 0 : i32
      %dma_wait3A_151 = arith.constant 0 : i32
      %dma_wait3A_152 = tpu.memref_slice %arg11[%dma_wait3A_150, %dma_wait3A_151] : memref<10000x128xf32, #tpu.memory_space<vmem_shared>> -> memref<10000x128xf32, #tpu.memory_space<vmem_shared>>
      tpu.wait_indirect_dma semaphore(%run_scoped3A_140 : memref<!tpu.dma_semaphore, #tpu.memory_space<semaphore_mem>>) src(%dma_wait3A_152 : memref<10000x128xf32, #tpu.memory_space<vmem_shared>>) dst(%arg9 : memref<128x128xf32, #tpu.memory_space<vmem>>)
      tpu.yield
    }) : () -> ()
    %mul3A_7 = arith.constant 512 : i32
    %mul3A_8 = arith.muli %add3A, %mul3A_7 : i32
    %add3A_9 = arith.constant 0 : i32
    %add3A_10 = arith.addi %mul3A_8, %add3A_9 : i32
    %dma_start3A = arith.constant 0 : i32
    %dma_start3A_11 = tpu.memref_slice %arg5[%add3A_10, %dma_start3A] : memref<16384x128xf32, #tpu.memory_space<hbm>> -> memref<128x128xf32, #tpu.memory_space<hbm>>
    %dma_start3A_12 = arith.constant 0 : i32
    %dma_start3A_13 = tpu.memref_slice %arg5[%add3A_10, %dma_start3A_12] : memref<16384x128xf32, #tpu.memory_space<hbm>> -> memref<128x128xf32, #tpu.memory_space<hbm>>
    tpu.enqueue_dma source(%arg9 : memref<128x128xf32, #tpu.memory_space<vmem>>) target(%dma_start3A_13 : memref<128x128xf32, #tpu.memory_space<hbm>>) target_semaphore(%arg12 : memref<!tpu.dma_semaphore, #tpu.memory_space<semaphore_mem>>)
    %run_scoped3A_14 = arith.constant 1 : i32
    "tpu.region"() ({
      %run_scoped3A_140 = tpu.sem_alloc : memref<!tpu.dma_semaphore, #tpu.memory_space<semaphore_mem>>
      %dma_start3A_141 = arith.constant 0 : i32
      %dma_start3A_142 = tpu.memref_slice %arg7[%run_scoped3A_14, %dma_start3A_141] : memref<4x128xi32, #tpu.memory_space<vmem>> -> memref<1x128xi32, #tpu.memory_space<vmem>>
      %dma_start3A_143 = tpu.memref_squeeze %dma_start3A_142 : memref<1x128xi32, #tpu.memory_space<vmem>> -> memref<128xi32, #tpu.memory_space<vmem>>
      %dma_start3A_144 = arith.constant 0 : i32
      %dma_start3A_145 = arith.constant 0 : i32
      %dma_start3A_146 = tpu.memref_slice %arg11[%dma_start3A_144, %dma_start3A_145] : memref<10000x128xf32, #tpu.memory_space<vmem_shared>> -> memref<10000x128xf32, #tpu.memory_space<vmem_shared>>
      tpu.enqueue_indirect_dma source(%dma_start3A_146 : memref<10000x128xf32, #tpu.memory_space<vmem_shared>>) target(%arg10 : memref<128x128xf32, #tpu.memory_space<vmem>>) offsets(%dma_start3A_143 : memref<128xi32, #tpu.memory_space<vmem>>) semaphore(%run_scoped3A_140 : memref<!tpu.dma_semaphore, #tpu.memory_space<semaphore_mem>>)
      %dma_wait3A_147 = arith.constant 0 : i32
      %dma_wait3A_148 = tpu.memref_slice %arg7[%run_scoped3A_14, %dma_wait3A_147] : memref<4x128xi32, #tpu.memory_space<vmem>> -> memref<1x128xi32, #tpu.memory_space<vmem>>
      %dma_wait3A_149 = tpu.memref_squeeze %dma_wait3A_148 : memref<1x128xi32, #tpu.memory_space<vmem>> -> memref<128xi32, #tpu.memory_space<vmem>>
      %dma_wait3A_150 = arith.constant 0 : i32
      %dma_wait3A_151 = arith.constant 0 : i32
      %dma_wait3A_152 = tpu.memref_slice %arg11[%dma_wait3A_150, %dma_wait3A_151] : memref<10000x128xf32, #tpu.memory_space<vmem_shared>> -> memref<10000x128xf32, #tpu.memory_space<vmem_shared>>
      tpu.wait_indirect_dma semaphore(%run_scoped3A_140 : memref<!tpu.dma_semaphore, #tpu.memory_space<semaphore_mem>>) src(%dma_wait3A_152 : memref<10000x128xf32, #tpu.memory_space<vmem_shared>>) dst(%arg10 : memref<128x128xf32, #tpu.memory_space<vmem>>)
      tpu.yield
    }) : () -> ()
    %mul3A_15 = arith.constant 512 : i32
    %mul3A_16 = arith.muli %add3A, %mul3A_15 : i32
    %add3A_17 = arith.constant 128 : i32
    %add3A_18 = arith.addi %mul3A_16, %add3A_17 : i32
    %dma_start3A_19 = arith.constant 0 : i32
    %dma_start3A_20 = tpu.memref_slice %arg5[%add3A_18, %dma_start3A_19] : memref<16384x128xf32, #tpu.memory_space<hbm>> -> memref<128x128xf32, #tpu.memory_space<hbm>>
    %dma_start3A_21 = arith.constant 0 : i32
    %dma_start3A_22 = tpu.memref_slice %arg5[%add3A_18, %dma_start3A_21] : memref<16384x128xf32, #tpu.memory_space<hbm>> -> memref<128x128xf32, #tpu.memory_space<hbm>>
    tpu.enqueue_dma source(%arg10 : memref<128x128xf32, #tpu.memory_space<vmem>>) target(%dma_start3A_22 : memref<128x128xf32, #tpu.memory_space<hbm>>) target_semaphore(%arg13 : memref<!tpu.dma_semaphore, #tpu.memory_space<semaphore_mem>>)
    %mul3A_23 = arith.constant 512 : i32
    %mul3A_24 = arith.muli %add3A, %mul3A_23 : i32
    %add3A_25 = arith.constant 0 : i32
    %add3A_26 = arith.addi %mul3A_24, %add3A_25 : i32
    %dma_wait3A = arith.constant 0 : i32
    %dma_wait3A_27 = tpu.memref_slice %arg5[%add3A_26, %dma_wait3A] : memref<16384x128xf32, #tpu.memory_space<hbm>> -> memref<128x128xf32, #tpu.memory_space<hbm>>
    %dma_wait3A_28 = arith.constant 0 : i32
    %dma_wait3A_29 = tpu.memref_slice %arg5[%add3A_26, %dma_wait3A_28] : memref<16384x128xf32, #tpu.memory_space<hbm>> -> memref<128x128xf32, #tpu.memory_space<hbm>>
    tpu.wait_dma2 semaphore(%arg12 : memref<!tpu.dma_semaphore, #tpu.memory_space<semaphore_mem>>) src(%arg9 : memref<128x128xf32, #tpu.memory_space<vmem>>) dst(%dma_wait3A_29 : memref<128x128xf32, #tpu.memory_space<hbm>>)
    %run_scoped3A_30 = arith.constant 2 : i32
    "tpu.region"() ({
      %run_scoped3A_140 = tpu.sem_alloc : memref<!tpu.dma_semaphore, #tpu.memory_space<semaphore_mem>>
      %dma_start3A_141 = arith.constant 0 : i32
      %dma_start3A_142 = tpu.memref_slice %arg7[%run_scoped3A_30, %dma_start3A_141] : memref<4x128xi32, #tpu.memory_space<vmem>> -> memref<1x128xi32, #tpu.memory_space<vmem>>
      %dma_start3A_143 = tpu.memref_squeeze %dma_start3A_142 : memref<1x128xi32, #tpu.memory_space<vmem>> -> memref<128xi32, #tpu.memory_space<vmem>>
      %dma_start3A_144 = arith.constant 0 : i32
      %dma_start3A_145 = arith.constant 0 : i32
      %dma_start3A_146 = tpu.memref_slice %arg11[%dma_start3A_144, %dma_start3A_145] : memref<10000x128xf32, #tpu.memory_space<vmem_shared>> -> memref<10000x128xf32, #tpu.memory_space<vmem_shared>>
      tpu.enqueue_indirect_dma source(%dma_start3A_146 : memref<10000x128xf32, #tpu.memory_space<vmem_shared>>) target(%arg9 : memref<128x128xf32, #tpu.memory_space<vmem>>) offsets(%dma_start3A_143 : memref<128xi32, #tpu.memory_space<vmem>>) semaphore(%run_scoped3A_140 : memref<!tpu.dma_semaphore, #tpu.memory_space<semaphore_mem>>)
      %dma_wait3A_147 = arith.constant 0 : i32
      %dma_wait3A_148 = tpu.memref_slice %arg7[%run_scoped3A_30, %dma_wait3A_147] : memref<4x128xi32, #tpu.memory_space<vmem>> -> memref<1x128xi32, #tpu.memory_space<vmem>>
      %dma_wait3A_149 = tpu.memref_squeeze %dma_wait3A_148 : memref<1x128xi32, #tpu.memory_space<vmem>> -> memref<128xi32, #tpu.memory_space<vmem>>
      %dma_wait3A_150 = arith.constant 0 : i32
      %dma_wait3A_151 = arith.constant 0 : i32
      %dma_wait3A_152 = tpu.memref_slice %arg11[%dma_wait3A_150, %dma_wait3A_151] : memref<10000x128xf32, #tpu.memory_space<vmem_shared>> -> memref<10000x128xf32, #tpu.memory_space<vmem_shared>>
      tpu.wait_indirect_dma semaphore(%run_scoped3A_140 : memref<!tpu.dma_semaphore, #tpu.memory_space<semaphore_mem>>) src(%dma_wait3A_152 : memref<10000x128xf32, #tpu.memory_space<vmem_shared>>) dst(%arg9 : memref<128x128xf32, #tpu.memory_space<vmem>>)
      tpu.yield
    }) : () -> ()
    %mul3A_31 = arith.constant 512 : i32
    %mul3A_32 = arith.muli %add3A, %mul3A_31 : i32
    %add3A_33 = arith.constant 256 : i32
    %add3A_34 = arith.addi %mul3A_32, %add3A_33 : i32
    %dma_start3A_35 = arith.constant 0 : i32
    %dma_start3A_36 = tpu.memref_slice %arg5[%add3A_34, %dma_start3A_35] : memref<16384x128xf32, #tpu.memory_space<hbm>> -> memref<128x128xf32, #tpu.memory_space<hbm>>
    %dma_start3A_37 = arith.constant 0 : i32
    %dma_start3A_38 = tpu.memref_slice %arg5[%add3A_34, %dma_start3A_37] : memref<16384x128xf32, #tpu.memory_space<hbm>> -> memref<128x128xf32, #tpu.memory_space<hbm>>
    tpu.enqueue_dma source(%arg9 : memref<128x128xf32, #tpu.memory_space<vmem>>) target(%dma_start3A_38 : memref<128x128xf32, #tpu.memory_space<hbm>>) target_semaphore(%arg12 : memref<!tpu.dma_semaphore, #tpu.memory_space<semaphore_mem>>)
    %mul3A_39 = arith.constant 512 : i32
    %mul3A_40 = arith.muli %add3A, %mul3A_39 : i32
    %add3A_41 = arith.constant 128 : i32
    %add3A_42 = arith.addi %mul3A_40, %add3A_41 : i32
    %dma_wait3A_43 = arith.constant 0 : i32
    %dma_wait3A_44 = tpu.memref_slice %arg5[%add3A_42, %dma_wait3A_43] : memref<16384x128xf32, #tpu.memory_space<hbm>> -> memref<128x128xf32, #tpu.memory_space<hbm>>
    %dma_wait3A_45 = arith.constant 0 : i32
    %dma_wait3A_46 = tpu.memref_slice %arg5[%add3A_42, %dma_wait3A_45] : memref<16384x128xf32, #tpu.memory_space<hbm>> -> memref<128x128xf32, #tpu.memory_space<hbm>>
    tpu.wait_dma2 semaphore(%arg13 : memref<!tpu.dma_semaphore, #tpu.memory_space<semaphore_mem>>) src(%arg10 : memref<128x128xf32, #tpu.memory_space<vmem>>) dst(%dma_wait3A_46 : memref<128x128xf32, #tpu.memory_space<hbm>>)
    %run_scoped3A_47 = arith.constant 3 : i32
    "tpu.region"() ({
      %run_scoped3A_140 = tpu.sem_alloc : memref<!tpu.dma_semaphore, #tpu.memory_space<semaphore_mem>>
      %dma_start3A_141 = arith.constant 0 : i32
      %dma_start3A_142 = tpu.memref_slice %arg7[%run_scoped3A_47, %dma_start3A_141] : memref<4x128xi32, #tpu.memory_space<vmem>> -> memref<1x128xi32, #tpu.memory_space<vmem>>
      %dma_start3A_143 = tpu.memref_squeeze %dma_start3A_142 : memref<1x128xi32, #tpu.memory_space<vmem>> -> memref<128xi32, #tpu.memory_space<vmem>>
      %dma_start3A_144 = arith.constant 0 : i32
      %dma_start3A_145 = arith.constant 0 : i32
      %dma_start3A_146 = tpu.memref_slice %arg11[%dma_start3A_144, %dma_start3A_145] : memref<10000x128xf32, #tpu.memory_space<vmem_shared>> -> memref<10000x128xf32, #tpu.memory_space<vmem_shared>>
      tpu.enqueue_indirect_dma source(%dma_start3A_146 : memref<10000x128xf32, #tpu.memory_space<vmem_shared>>) target(%arg10 : memref<128x128xf32, #tpu.memory_space<vmem>>) offsets(%dma_start3A_143 : memref<128xi32, #tpu.memory_space<vmem>>) semaphore(%run_scoped3A_140 : memref<!tpu.dma_semaphore, #tpu.memory_space<semaphore_mem>>)
      %dma_wait3A_147 = arith.constant 0 : i32
      %dma_wait3A_148 = tpu.memref_slice %arg7[%run_scoped3A_47, %dma_wait3A_147] : memref<4x128xi32, #tpu.memory_space<vmem>> -> memref<1x128xi32, #tpu.memory_space<vmem>>
      %dma_wait3A_149 = tpu.memref_squeeze %dma_wait3A_148 : memref<1x128xi32, #tpu.memory_space<vmem>> -> memref<128xi32, #tpu.memory_space<vmem>>
      %dma_wait3A_150 = arith.constant 0 : i32
      %dma_wait3A_151 = arith.constant 0 : i32
      %dma_wait3A_152 = tpu.memref_slice %arg11[%dma_wait3A_150, %dma_wait3A_151] : memref<10000x128xf32, #tpu.memory_space<vmem_shared>> -> memref<10000x128xf32, #tpu.memory_space<vmem_shared>>
      tpu.wait_indirect_dma semaphore(%run_scoped3A_140 : memref<!tpu.dma_semaphore, #tpu.memory_space<semaphore_mem>>) src(%dma_wait3A_152 : memref<10000x128xf32, #tpu.memory_space<vmem_shared>>) dst(%arg10 : memref<128x128xf32, #tpu.memory_space<vmem>>)
      tpu.yield
    }) : () -> ()
    %mul3A_48 = arith.constant 512 : i32
    %mul3A_49 = arith.muli %add3A, %mul3A_48 : i32
    %add3A_50 = arith.constant 384 : i32
    %add3A_51 = arith.addi %mul3A_49, %add3A_50 : i32
    %dma_start3A_52 = arith.constant 0 : i32
    %dma_start3A_53 = tpu.memref_slice %arg5[%add3A_51, %dma_start3A_52] : memref<16384x128xf32, #tpu.memory_space<hbm>> -> memref<128x128xf32, #tpu.memory_space<hbm>>
    %dma_start3A_54 = arith.constant 0 : i32
    %dma_start3A_55 = tpu.memref_slice %arg5[%add3A_51, %dma_start3A_54] : memref<16384x128xf32, #tpu.memory_space<hbm>> -> memref<128x128xf32, #tpu.memory_space<hbm>>
    tpu.enqueue_dma source(%arg10 : memref<128x128xf32, #tpu.memory_space<vmem>>) target(%dma_start3A_55 : memref<128x128xf32, #tpu.memory_space<hbm>>) target_semaphore(%arg13 : memref<!tpu.dma_semaphore, #tpu.memory_space<semaphore_mem>>)
    %mul3A_56 = arith.constant 512 : i32
    %mul3A_57 = arith.muli %add3A, %mul3A_56 : i32
    %add3A_58 = arith.constant 256 : i32
    %add3A_59 = arith.addi %mul3A_57, %add3A_58 : i32
    %dma_wait3A_60 = arith.constant 0 : i32
    %dma_wait3A_61 = tpu.memref_slice %arg5[%add3A_59, %dma_wait3A_60] : memref<16384x128xf32, #tpu.memory_space<hbm>> -> memref<128x128xf32, #tpu.memory_space<hbm>>
    %dma_wait3A_62 = arith.constant 0 : i32
    %dma_wait3A_63 = tpu.memref_slice %arg5[%add3A_59, %dma_wait3A_62] : memref<16384x128xf32, #tpu.memory_space<hbm>> -> memref<128x128xf32, #tpu.memory_space<hbm>>
    tpu.wait_dma2 semaphore(%arg12 : memref<!tpu.dma_semaphore, #tpu.memory_space<semaphore_mem>>) src(%arg9 : memref<128x128xf32, #tpu.memory_space<vmem>>) dst(%dma_wait3A_63 : memref<128x128xf32, #tpu.memory_space<hbm>>)
    %run_scoped3A_64 = arith.constant 0 : i32
    "tpu.region"() ({
      %run_scoped3A_140 = tpu.sem_alloc : memref<!tpu.dma_semaphore, #tpu.memory_space<semaphore_mem>>
      %dma_start3A_141 = arith.constant 0 : i32
      %dma_start3A_142 = tpu.memref_slice %arg8[%run_scoped3A_64, %dma_start3A_141] : memref<4x128xi32, #tpu.memory_space<vmem>> -> memref<1x128xi32, #tpu.memory_space<vmem>>
      %dma_start3A_143 = tpu.memref_squeeze %dma_start3A_142 : memref<1x128xi32, #tpu.memory_space<vmem>> -> memref<128xi32, #tpu.memory_space<vmem>>
      %dma_start3A_144 = arith.constant 0 : i32
      %dma_start3A_145 = arith.constant 0 : i32
      %dma_start3A_146 = tpu.memref_slice %arg11[%dma_start3A_144, %dma_start3A_145] : memref<10000x128xf32, #tpu.memory_space<vmem_shared>> -> memref<10000x128xf32, #tpu.memory_space<vmem_shared>>
      tpu.enqueue_indirect_dma source(%dma_start3A_146 : memref<10000x128xf32, #tpu.memory_space<vmem_shared>>) target(%arg9 : memref<128x128xf32, #tpu.memory_space<vmem>>) offsets(%dma_start3A_143 : memref<128xi32, #tpu.memory_space<vmem>>) semaphore(%run_scoped3A_140 : memref<!tpu.dma_semaphore, #tpu.memory_space<semaphore_mem>>)
      %dma_wait3A_147 = arith.constant 0 : i32
      %dma_wait3A_148 = tpu.memref_slice %arg8[%run_scoped3A_64, %dma_wait3A_147] : memref<4x128xi32, #tpu.memory_space<vmem>> -> memref<1x128xi32, #tpu.memory_space<vmem>>
      %dma_wait3A_149 = tpu.memref_squeeze %dma_wait3A_148 : memref<1x128xi32, #tpu.memory_space<vmem>> -> memref<128xi32, #tpu.memory_space<vmem>>
      %dma_wait3A_150 = arith.constant 0 : i32
      %dma_wait3A_151 = arith.constant 0 : i32
      %dma_wait3A_152 = tpu.memref_slice %arg11[%dma_wait3A_150, %dma_wait3A_151] : memref<10000x128xf32, #tpu.memory_space<vmem_shared>> -> memref<10000x128xf32, #tpu.memory_space<vmem_shared>>
      tpu.wait_indirect_dma semaphore(%run_scoped3A_140 : memref<!tpu.dma_semaphore, #tpu.memory_space<semaphore_mem>>) src(%dma_wait3A_152 : memref<10000x128xf32, #tpu.memory_space<vmem_shared>>) dst(%arg9 : memref<128x128xf32, #tpu.memory_space<vmem>>)
      tpu.yield
    }) : () -> ()
    %mul3A_65 = arith.constant 512 : i32
    %mul3A_66 = arith.muli %add3A, %mul3A_65 : i32
    %add3A_67 = arith.constant 0 : i32
    %add3A_68 = arith.addi %mul3A_66, %add3A_67 : i32
    %dma_start3A_69 = arith.constant 0 : i32
    %dma_start3A_70 = tpu.memref_slice %arg6[%add3A_68, %dma_start3A_69] : memref<16384x128xf32, #tpu.memory_space<hbm>> -> memref<128x128xf32, #tpu.memory_space<hbm>>
    %dma_start3A_71 = arith.constant 0 : i32
    %dma_start3A_72 = tpu.memref_slice %arg6[%add3A_68, %dma_start3A_71] : memref<16384x128xf32, #tpu.memory_space<hbm>> -> memref<128x128xf32, #tpu.memory_space<hbm>>
    tpu.enqueue_dma source(%arg9 : memref<128x128xf32, #tpu.memory_space<vmem>>) target(%dma_start3A_72 : memref<128x128xf32, #tpu.memory_space<hbm>>) target_semaphore(%arg12 : memref<!tpu.dma_semaphore, #tpu.memory_space<semaphore_mem>>)
    %mul3A_73 = arith.constant 512 : i32
    %mul3A_74 = arith.muli %add3A, %mul3A_73 : i32
    %add3A_75 = arith.constant 384 : i32
    %add3A_76 = arith.addi %mul3A_74, %add3A_75 : i32
    %dma_wait3A_77 = arith.constant 0 : i32
    %dma_wait3A_78 = tpu.memref_slice %arg5[%add3A_76, %dma_wait3A_77] : memref<16384x128xf32, #tpu.memory_space<hbm>> -> memref<128x128xf32, #tpu.memory_space<hbm>>
    %dma_wait3A_79 = arith.constant 0 : i32
    %dma_wait3A_80 = tpu.memref_slice %arg5[%add3A_76, %dma_wait3A_79] : memref<16384x128xf32, #tpu.memory_space<hbm>> -> memref<128x128xf32, #tpu.memory_space<hbm>>
    tpu.wait_dma2 semaphore(%arg13 : memref<!tpu.dma_semaphore, #tpu.memory_space<semaphore_mem>>) src(%arg10 : memref<128x128xf32, #tpu.memory_space<vmem>>) dst(%dma_wait3A_80 : memref<128x128xf32, #tpu.memory_space<hbm>>)
    %run_scoped3A_81 = arith.constant 1 : i32
    "tpu.region"() ({
      %run_scoped3A_140 = tpu.sem_alloc : memref<!tpu.dma_semaphore, #tpu.memory_space<semaphore_mem>>
      %dma_start3A_141 = arith.constant 0 : i32
      %dma_start3A_142 = tpu.memref_slice %arg8[%run_scoped3A_81, %dma_start3A_141] : memref<4x128xi32, #tpu.memory_space<vmem>> -> memref<1x128xi32, #tpu.memory_space<vmem>>
      %dma_start3A_143 = tpu.memref_squeeze %dma_start3A_142 : memref<1x128xi32, #tpu.memory_space<vmem>> -> memref<128xi32, #tpu.memory_space<vmem>>
      %dma_start3A_144 = arith.constant 0 : i32
      %dma_start3A_145 = arith.constant 0 : i32
      %dma_start3A_146 = tpu.memref_slice %arg11[%dma_start3A_144, %dma_start3A_145] : memref<10000x128xf32, #tpu.memory_space<vmem_shared>> -> memref<10000x128xf32, #tpu.memory_space<vmem_shared>>
      tpu.enqueue_indirect_dma source(%dma_start3A_146 : memref<10000x128xf32, #tpu.memory_space<vmem_shared>>) target(%arg10 : memref<128x128xf32, #tpu.memory_space<vmem>>) offsets(%dma_start3A_143 : memref<128xi32, #tpu.memory_space<vmem>>) semaphore(%run_scoped3A_140 : memref<!tpu.dma_semaphore, #tpu.memory_space<semaphore_mem>>)
      %dma_wait3A_147 = arith.constant 0 : i32
      %dma_wait3A_148 = tpu.memref_slice %arg8[%run_scoped3A_81, %dma_wait3A_147] : memref<4x128xi32, #tpu.memory_space<vmem>> -> memref<1x128xi32, #tpu.memory_space<vmem>>
      %dma_wait3A_149 = tpu.memref_squeeze %dma_wait3A_148 : memref<1x128xi32, #tpu.memory_space<vmem>> -> memref<128xi32, #tpu.memory_space<vmem>>
      %dma_wait3A_150 = arith.constant 0 : i32
      %dma_wait3A_151 = arith.constant 0 : i32
      %dma_wait3A_152 = tpu.memref_slice %arg11[%dma_wait3A_150, %dma_wait3A_151] : memref<10000x128xf32, #tpu.memory_space<vmem_shared>> -> memref<10000x128xf32, #tpu.memory_space<vmem_shared>>
      tpu.wait_indirect_dma semaphore(%run_scoped3A_140 : memref<!tpu.dma_semaphore, #tpu.memory_space<semaphore_mem>>) src(%dma_wait3A_152 : memref<10000x128xf32, #tpu.memory_space<vmem_shared>>) dst(%arg10 : memref<128x128xf32, #tpu.memory_space<vmem>>)
      tpu.yield
    }) : () -> ()
    %mul3A_82 = arith.constant 512 : i32
    %mul3A_83 = arith.muli %add3A, %mul3A_82 : i32
    %add3A_84 = arith.constant 128 : i32
    %add3A_85 = arith.addi %mul3A_83, %add3A_84 : i32
    %dma_start3A_86 = arith.constant 0 : i32
    %dma_start3A_87 = tpu.memref_slice %arg6[%add3A_85, %dma_start3A_86] : memref<16384x128xf32, #tpu.memory_space<hbm>> -> memref<128x128xf32, #tpu.memory_space<hbm>>
    %dma_start3A_88 = arith.constant 0 : i32
    %dma_start3A_89 = tpu.memref_slice %arg6[%add3A_85, %dma_start3A_88] : memref<16384x128xf32, #tpu.memory_space<hbm>> -> memref<128x128xf32, #tpu.memory_space<hbm>>
    tpu.enqueue_dma source(%arg10 : memref<128x128xf32, #tpu.memory_space<vmem>>) target(%dma_start3A_89 : memref<128x128xf32, #tpu.memory_space<hbm>>) target_semaphore(%arg13 : memref<!tpu.dma_semaphore, #tpu.memory_space<semaphore_mem>>)
    %mul3A_90 = arith.constant 512 : i32
    %mul3A_91 = arith.muli %add3A, %mul3A_90 : i32
    %add3A_92 = arith.constant 0 : i32
    %add3A_93 = arith.addi %mul3A_91, %add3A_92 : i32
    %dma_wait3A_94 = arith.constant 0 : i32
    %dma_wait3A_95 = tpu.memref_slice %arg6[%add3A_93, %dma_wait3A_94] : memref<16384x128xf32, #tpu.memory_space<hbm>> -> memref<128x128xf32, #tpu.memory_space<hbm>>
    %dma_wait3A_96 = arith.constant 0 : i32
    %dma_wait3A_97 = tpu.memref_slice %arg6[%add3A_93, %dma_wait3A_96] : memref<16384x128xf32, #tpu.memory_space<hbm>> -> memref<128x128xf32, #tpu.memory_space<hbm>>
    tpu.wait_dma2 semaphore(%arg12 : memref<!tpu.dma_semaphore, #tpu.memory_space<semaphore_mem>>) src(%arg9 : memref<128x128xf32, #tpu.memory_space<vmem>>) dst(%dma_wait3A_97 : memref<128x128xf32, #tpu.memory_space<hbm>>)
    %run_scoped3A_98 = arith.constant 2 : i32
    "tpu.region"() ({
      %run_scoped3A_140 = tpu.sem_alloc : memref<!tpu.dma_semaphore, #tpu.memory_space<semaphore_mem>>
      %dma_start3A_141 = arith.constant 0 : i32
      %dma_start3A_142 = tpu.memref_slice %arg8[%run_scoped3A_98, %dma_start3A_141] : memref<4x128xi32, #tpu.memory_space<vmem>> -> memref<1x128xi32, #tpu.memory_space<vmem>>
      %dma_start3A_143 = tpu.memref_squeeze %dma_start3A_142 : memref<1x128xi32, #tpu.memory_space<vmem>> -> memref<128xi32, #tpu.memory_space<vmem>>
      %dma_start3A_144 = arith.constant 0 : i32
      %dma_start3A_145 = arith.constant 0 : i32
      %dma_start3A_146 = tpu.memref_slice %arg11[%dma_start3A_144, %dma_start3A_145] : memref<10000x128xf32, #tpu.memory_space<vmem_shared>> -> memref<10000x128xf32, #tpu.memory_space<vmem_shared>>
      tpu.enqueue_indirect_dma source(%dma_start3A_146 : memref<10000x128xf32, #tpu.memory_space<vmem_shared>>) target(%arg9 : memref<128x128xf32, #tpu.memory_space<vmem>>) offsets(%dma_start3A_143 : memref<128xi32, #tpu.memory_space<vmem>>) semaphore(%run_scoped3A_140 : memref<!tpu.dma_semaphore, #tpu.memory_space<semaphore_mem>>)
      %dma_wait3A_147 = arith.constant 0 : i32
      %dma_wait3A_148 = tpu.memref_slice %arg8[%run_scoped3A_98, %dma_wait3A_147] : memref<4x128xi32, #tpu.memory_space<vmem>> -> memref<1x128xi32, #tpu.memory_space<vmem>>
      %dma_wait3A_149 = tpu.memref_squeeze %dma_wait3A_148 : memref<1x128xi32, #tpu.memory_space<vmem>> -> memref<128xi32, #tpu.memory_space<vmem>>
      %dma_wait3A_150 = arith.constant 0 : i32
      %dma_wait3A_151 = arith.constant 0 : i32
      %dma_wait3A_152 = tpu.memref_slice %arg11[%dma_wait3A_150, %dma_wait3A_151] : memref<10000x128xf32, #tpu.memory_space<vmem_shared>> -> memref<10000x128xf32, #tpu.memory_space<vmem_shared>>
      tpu.wait_indirect_dma semaphore(%run_scoped3A_140 : memref<!tpu.dma_semaphore, #tpu.memory_space<semaphore_mem>>) src(%dma_wait3A_152 : memref<10000x128xf32, #tpu.memory_space<vmem_shared>>) dst(%arg9 : memref<128x128xf32, #tpu.memory_space<vmem>>)
      tpu.yield
    }) : () -> ()
    %mul3A_99 = arith.constant 512 : i32
    %mul3A_100 = arith.muli %add3A, %mul3A_99 : i32
    %add3A_101 = arith.constant 256 : i32
    %add3A_102 = arith.addi %mul3A_100, %add3A_101 : i32
    %dma_start3A_103 = arith.constant 0 : i32
    %dma_start3A_104 = tpu.memref_slice %arg6[%add3A_102, %dma_start3A_103] : memref<16384x128xf32, #tpu.memory_space<hbm>> -> memref<128x128xf32, #tpu.memory_space<hbm>>
    %dma_start3A_105 = arith.constant 0 : i32
    %dma_start3A_106 = tpu.memref_slice %arg6[%add3A_102, %dma_start3A_105] : memref<16384x128xf32, #tpu.memory_space<hbm>> -> memref<128x128xf32, #tpu.memory_space<hbm>>
    tpu.enqueue_dma source(%arg9 : memref<128x128xf32, #tpu.memory_space<vmem>>) target(%dma_start3A_106 : memref<128x128xf32, #tpu.memory_space<hbm>>) target_semaphore(%arg12 : memref<!tpu.dma_semaphore, #tpu.memory_space<semaphore_mem>>)
    %mul3A_107 = arith.constant 512 : i32
    %mul3A_108 = arith.muli %add3A, %mul3A_107 : i32
    %add3A_109 = arith.constant 128 : i32
    %add3A_110 = arith.addi %mul3A_108, %add3A_109 : i32
    %dma_wait3A_111 = arith.constant 0 : i32
    %dma_wait3A_112 = tpu.memref_slice %arg6[%add3A_110, %dma_wait3A_111] : memref<16384x128xf32, #tpu.memory_space<hbm>> -> memref<128x128xf32, #tpu.memory_space<hbm>>
    %dma_wait3A_113 = arith.constant 0 : i32
    %dma_wait3A_114 = tpu.memref_slice %arg6[%add3A_110, %dma_wait3A_113] : memref<16384x128xf32, #tpu.memory_space<hbm>> -> memref<128x128xf32, #tpu.memory_space<hbm>>
    tpu.wait_dma2 semaphore(%arg13 : memref<!tpu.dma_semaphore, #tpu.memory_space<semaphore_mem>>) src(%arg10 : memref<128x128xf32, #tpu.memory_space<vmem>>) dst(%dma_wait3A_114 : memref<128x128xf32, #tpu.memory_space<hbm>>)
    %run_scoped3A_115 = arith.constant 3 : i32
    "tpu.region"() ({
      %run_scoped3A_140 = tpu.sem_alloc : memref<!tpu.dma_semaphore, #tpu.memory_space<semaphore_mem>>
      %dma_start3A_141 = arith.constant 0 : i32
      %dma_start3A_142 = tpu.memref_slice %arg8[%run_scoped3A_115, %dma_start3A_141] : memref<4x128xi32, #tpu.memory_space<vmem>> -> memref<1x128xi32, #tpu.memory_space<vmem>>
      %dma_start3A_143 = tpu.memref_squeeze %dma_start3A_142 : memref<1x128xi32, #tpu.memory_space<vmem>> -> memref<128xi32, #tpu.memory_space<vmem>>
      %dma_start3A_144 = arith.constant 0 : i32
      %dma_start3A_145 = arith.constant 0 : i32
      %dma_start3A_146 = tpu.memref_slice %arg11[%dma_start3A_144, %dma_start3A_145] : memref<10000x128xf32, #tpu.memory_space<vmem_shared>> -> memref<10000x128xf32, #tpu.memory_space<vmem_shared>>
      tpu.enqueue_indirect_dma source(%dma_start3A_146 : memref<10000x128xf32, #tpu.memory_space<vmem_shared>>) target(%arg10 : memref<128x128xf32, #tpu.memory_space<vmem>>) offsets(%dma_start3A_143 : memref<128xi32, #tpu.memory_space<vmem>>) semaphore(%run_scoped3A_140 : memref<!tpu.dma_semaphore, #tpu.memory_space<semaphore_mem>>)
      %dma_wait3A_147 = arith.constant 0 : i32
      %dma_wait3A_148 = tpu.memref_slice %arg8[%run_scoped3A_115, %dma_wait3A_147] : memref<4x128xi32, #tpu.memory_space<vmem>> -> memref<1x128xi32, #tpu.memory_space<vmem>>
      %dma_wait3A_149 = tpu.memref_squeeze %dma_wait3A_148 : memref<1x128xi32, #tpu.memory_space<vmem>> -> memref<128xi32, #tpu.memory_space<vmem>>
      %dma_wait3A_150 = arith.constant 0 : i32
      %dma_wait3A_151 = arith.constant 0 : i32
      %dma_wait3A_152 = tpu.memref_slice %arg11[%dma_wait3A_150, %dma_wait3A_151] : memref<10000x128xf32, #tpu.memory_space<vmem_shared>> -> memref<10000x128xf32, #tpu.memory_space<vmem_shared>>
      tpu.wait_indirect_dma semaphore(%run_scoped3A_140 : memref<!tpu.dma_semaphore, #tpu.memory_space<semaphore_mem>>) src(%dma_wait3A_152 : memref<10000x128xf32, #tpu.memory_space<vmem_shared>>) dst(%arg10 : memref<128x128xf32, #tpu.memory_space<vmem>>)
      tpu.yield
    }) : () -> ()
    %mul3A_116 = arith.constant 512 : i32
    %mul3A_117 = arith.muli %add3A, %mul3A_116 : i32
    %add3A_118 = arith.constant 384 : i32
    %add3A_119 = arith.addi %mul3A_117, %add3A_118 : i32
    %dma_start3A_120 = arith.constant 0 : i32
    %dma_start3A_121 = tpu.memref_slice %arg6[%add3A_119, %dma_start3A_120] : memref<16384x128xf32, #tpu.memory_space<hbm>> -> memref<128x128xf32, #tpu.memory_space<hbm>>
    %dma_start3A_122 = arith.constant 0 : i32
    %dma_start3A_123 = tpu.memref_slice %arg6[%add3A_119, %dma_start3A_122] : memref<16384x128xf32, #tpu.memory_space<hbm>> -> memref<128x128xf32, #tpu.memory_space<hbm>>
    tpu.enqueue_dma source(%arg10 : memref<128x128xf32, #tpu.memory_space<vmem>>) target(%dma_start3A_123 : memref<128x128xf32, #tpu.memory_space<hbm>>) target_semaphore(%arg13 : memref<!tpu.dma_semaphore, #tpu.memory_space<semaphore_mem>>)
    %mul3A_124 = arith.constant 512 : i32
    %mul3A_125 = arith.muli %add3A, %mul3A_124 : i32
    %add3A_126 = arith.constant 256 : i32
    %add3A_127 = arith.addi %mul3A_125, %add3A_126 : i32
    %dma_wait3A_128 = arith.constant 0 : i32
    %dma_wait3A_129 = tpu.memref_slice %arg6[%add3A_127, %dma_wait3A_128] : memref<16384x128xf32, #tpu.memory_space<hbm>> -> memref<128x128xf32, #tpu.memory_space<hbm>>
    %dma_wait3A_130 = arith.constant 0 : i32
    %dma_wait3A_131 = tpu.memref_slice %arg6[%add3A_127, %dma_wait3A_130] : memref<16384x128xf32, #tpu.memory_space<hbm>> -> memref<128x128xf32, #tpu.memory_space<hbm>>
    tpu.wait_dma2 semaphore(%arg12 : memref<!tpu.dma_semaphore, #tpu.memory_space<semaphore_mem>>) src(%arg9 : memref<128x128xf32, #tpu.memory_space<vmem>>) dst(%dma_wait3A_131 : memref<128x128xf32, #tpu.memory_space<hbm>>)
    %mul3A_132 = arith.constant 512 : i32
    %mul3A_133 = arith.muli %add3A, %mul3A_132 : i32
    %add3A_134 = arith.constant 384 : i32
    %add3A_135 = arith.addi %mul3A_133, %add3A_134 : i32
    %dma_wait3A_136 = arith.constant 0 : i32
    %dma_wait3A_137 = tpu.memref_slice %arg6[%add3A_135, %dma_wait3A_136] : memref<16384x128xf32, #tpu.memory_space<hbm>> -> memref<128x128xf32, #tpu.memory_space<hbm>>
    %dma_wait3A_138 = arith.constant 0 : i32
    %dma_wait3A_139 = tpu.memref_slice %arg6[%add3A_135, %dma_wait3A_138] : memref<16384x128xf32, #tpu.memory_space<hbm>> -> memref<128x128xf32, #tpu.memory_space<hbm>>
    tpu.wait_dma2 semaphore(%arg13 : memref<!tpu.dma_semaphore, #tpu.memory_space<semaphore_mem>>) src(%arg10 : memref<128x128xf32, #tpu.memory_space<vmem>>) dst(%dma_wait3A_139 : memref<128x128xf32, #tpu.memory_space<hbm>>)
    return
  }
}

module attributes {stable_mosaic.version = 14 : i64} {
  func.func @_mm_body(%arg0: i32, %arg1: memref<400x10000xf32, #tpu.memory_space<vmem>>, %arg2: memref<10000x16xf32, #tpu.memory_space<vmem>>, %arg3: memref<400x16xf32, #tpu.memory_space<vmem>>) attributes {dimension_semantics = [#tpu.dimension_semantics<arbitrary>], iteration_bounds = array<i64: 25>, scalar_prefetch = 0 : i64, scratch_operands = 0 : i64, tpu.core_type = #tpu.core_type<tc>, window_params = [{transform_indices = @transform_0, window_bounds = array<i64: 400, 10000>}, {pipeline_mode = #tpu.pipeline_mode<synchronous>, transform_indices = @transform_1, window_bounds = array<i64: 10000, 16>}, {transform_indices = @transform_2, window_bounds = array<i64: 400, 16>}]} {
    %get3A = arith.constant 0 : index
    %get3A_0 = arith.constant 0 : index
    %get3A_1 = vector.load %arg1[%get3A, %get3A_0] : memref<400x10000xf32, #tpu.memory_space<vmem>>, vector<400x10000xf32>
    %get3A_2 = arith.constant 0 : index
    %get3A_3 = arith.constant 0 : index
    %get3A_4 = vector.load %arg2[%get3A_2, %get3A_3] : memref<10000x16xf32, #tpu.memory_space<vmem>>, vector<10000x16xf32>
    %dot_general3A = arith.constant dense<0.000000e+00> : vector<400x16xf32>
    %dot_general3A_5 = tpu.matmul %get3A_1, %get3A_4, %dot_general3A {dimension_numbers = #tpu.dot_dimension_numbers<[1], [0], [0], [1], [0, 0, 1, 1], [], []>, transpose_lhs_hint = false} : vector<400x10000xf32>, vector<10000x16xf32>, vector<400x16xf32> -> vector<400x16xf32>
    %swap3A = arith.constant 0 : index
    %swap3A_6 = arith.constant 0 : index
    %swap3A_7 = vector.load %arg3[%swap3A, %swap3A_6] : memref<400x16xf32, #tpu.memory_space<vmem>>, vector<400x16xf32>
    tpu.vector_store %arg3[%swap3A, %swap3A_6], %dot_general3A_5 {strides = array<i32>} : memref<400x16xf32, #tpu.memory_space<vmem>>, vector<400x16xf32>,
    return
  }
  func.func @transform_0(%arg0: i32) -> (i32, i32) {
    %c0_i32 = arith.constant 0 : i32
    %c0_i32_0 = arith.constant 0 : i32
    return %arg0, %c0_i32 : i32, i32
  }
  func.func @transform_1(%arg0: i32) -> (i32, i32) {
    %c0_i32 = arith.constant 0 : i32
    %c0_i32_0 = arith.constant 0 : i32
    %c0_i32_1 = arith.constant 0 : i32
    return %c0_i32, %c0_i32_0 : i32, i32
  }
  func.func @transform_2(%arg0: i32) -> (i32, i32) {
    %c0_i32 = arith.constant 0 : i32
    %c0_i32_0 = arith.constant 0 : i32
    return %arg0, %c0_i32 : i32, i32
  }
}

module attributes {stable_mosaic.version = 14 : i64} {
  func.func @_y_body(%arg0: memref<10000x16xf32, #tpu.memory_space<vmem>>, %arg1: memref<10000x2xf32, #tpu.memory_space<vmem>>, %arg2: memref<10000x128xf32, #tpu.memory_space<vmem>>) attributes {dimension_semantics = [], scalar_prefetch = 0 : i64, scratch_operands = 0 : i64, tpu.core_type = #tpu.core_type<tc>} {
    %get3A = arith.constant 0 : index
    %get3A_0 = arith.constant 0 : index
    %get3A_1 = vector.load %arg1[%get3A, %get3A_0] : memref<10000x2xf32, #tpu.memory_space<vmem>>, vector<10000x1xf32>
    %get3A_2 = arith.constant 0 : index
    %get3A_3 = arith.constant 1 : index
    %get3A_4 = vector.load %arg1[%get3A_2, %get3A_3] : memref<10000x2xf32, #tpu.memory_space<vmem>>, vector<10000x1xf32>
    %add3A = arith.addf %get3A_1, %get3A_4 : vector<10000x1xf32>
    %add3A_5 = arith.constant 1.000000e+00 : f32
    %add3A_6 = vector.broadcast %add3A_5 : f32 to vector<10000x1xf32>
    %add3A_7 = arith.addf %add3A, %add3A_6 : vector<10000x1xf32>
    %get3A_8 = arith.constant 0 : index
    %get3A_9 = arith.constant 0 : index
    %get3A_10 = vector.load %arg0[%get3A_8, %get3A_9] : memref<10000x16xf32, #tpu.memory_space<vmem>>, vector<10000x16xf32>
    %rsqrt3A = math.rsqrt %add3A_7 : vector<10000x1xf32>
    %mul3A = vector.broadcast %rsqrt3A : vector<10000x1xf32> to vector<10000x16xf32>
    %mul3A_11 = arith.mulf %get3A_10, %mul3A : vector<10000x16xf32>
    %swap3A = arith.constant 0 : index
    %swap3A_12 = arith.constant 0 : index
    %swap3A_13 = vector.load %arg2[%swap3A, %swap3A_12] : memref<10000x128xf32, #tpu.memory_space<vmem>>, vector<10000x16xf32>
    tpu.vector_store %arg2[%swap3A, %swap3A_12], %mul3A_11 {strides = array<i32>} : memref<10000x128xf32, #tpu.memory_space<vmem>>, vector<10000x16xf32>,
    %broadcast_in_dim3A = arith.constant 0.000000e+00 : f32
    %broadcast_in_dim3A_14 = vector.broadcast %broadcast_in_dim3A : f32 to vector<10000x112xf32>
    %swap3A_15 = arith.constant 0 : index
    %swap3A_16 = arith.constant 16 : index
    %swap3A_17 = vector.load %arg2[%swap3A_15, %swap3A_16] : memref<10000x128xf32, #tpu.memory_space<vmem>>, vector<10000x112xf32>
    tpu.vector_store %arg2[%swap3A_15, %swap3A_16], %broadcast_in_dim3A_14 {strides = array<i32>} : memref<10000x128xf32, #tpu.memory_space<vmem>>, vector<10000x112xf32>,
    return
  }
}

module attributes {stable_mosaic.version = 14 : i64} {
  func.func @_ext_body(%arg0: memref<2x10000x128xf32, #tpu.memory_space<vmem>>, %arg1: memref<10000x128xf32, #tpu.memory_space<vmem>>, %arg2: memref<10000x2xf32, #tpu.memory_space<vmem>>, %arg3: memref<1x16xf32, #tpu.memory_space<vmem>>, %arg4: memref<10000x1xf32, #tpu.memory_space<vmem>>, %arg5: memref<10000x128xf32, #tpu.memory_space<vmem>>) attributes {dimension_semantics = [], scalar_prefetch = 0 : i64, scratch_operands = 0 : i64, tpu.core_type = #tpu.core_type<tc>} {
    %get3A = arith.constant 0 : index
    %get3A_0 = arith.constant 0 : index
    %get3A_1 = vector.load %arg2[%get3A, %get3A_0] : memref<10000x2xf32, #tpu.memory_space<vmem>>, vector<10000x1xf32>
    %get3A_2 = arith.constant 0 : index
    %get3A_3 = arith.constant 1 : index
    %get3A_4 = vector.load %arg2[%get3A_2, %get3A_3] : memref<10000x2xf32, #tpu.memory_space<vmem>>, vector<10000x1xf32>
    %add3A = arith.addf %get3A_1, %get3A_4 : vector<10000x1xf32>
    %add3A_5 = arith.constant 1.000000e+00 : f32
    %add3A_6 = vector.broadcast %add3A_5 : f32 to vector<10000x1xf32>
    %add3A_7 = arith.addf %add3A, %add3A_6 : vector<10000x1xf32>
    %rsqrt3A = math.rsqrt %add3A_7 : vector<10000x1xf32>
    %get3A_8 = arith.constant 0 : index
    %get3A_9 = arith.constant 0 : index
    %get3A_10 = arith.constant 0 : index
    %get3A_11 = vector.load %arg0[%get3A_8, %get3A_9, %get3A_10] : memref<2x10000x128xf32, #tpu.memory_space<vmem>>, vector<1x10000x16xf32>
    %get3A_12 = vector.shape_cast %get3A_11 : vector<1x10000x16xf32> to vector<10000x16xf32>
    %get3A_13 = arith.constant 1 : index
    %get3A_14 = arith.constant 0 : index
    %get3A_15 = arith.constant 0 : index
    %get3A_16 = vector.load %arg0[%get3A_13, %get3A_14, %get3A_15] : memref<2x10000x128xf32, #tpu.memory_space<vmem>>, vector<1x10000x16xf32>
    %get3A_17 = vector.shape_cast %get3A_16 : vector<1x10000x16xf32> to vector<10000x16xf32>
    %add3A_18 = arith.addf %get3A_12, %get3A_17 : vector<10000x16xf32>
    %get3A_19 = arith.constant 0 : index
    %get3A_20 = arith.constant 0 : index
    %get3A_21 = vector.load %arg1[%get3A_19, %get3A_20] : memref<10000x128xf32, #tpu.memory_space<vmem>>, vector<10000x16xf32>
    %add3A_22 = arith.addf %add3A_18, %get3A_21 : vector<10000x16xf32>
    %mul3A = vector.broadcast %rsqrt3A : vector<10000x1xf32> to vector<10000x16xf32>
    %mul3A_23 = arith.mulf %add3A_22, %mul3A : vector<10000x16xf32>
    %get3A_24 = arith.constant 0 : index
    %get3A_25 = arith.constant 0 : index
    %get3A_26 = vector.load %arg3[%get3A_24, %get3A_25] : memref<1x16xf32, #tpu.memory_space<vmem>>, vector<1x16xf32>
    %add3A_27 = vector.broadcast %get3A_26 : vector<1x16xf32> to vector<10000x16xf32>
    %add3A_28 = arith.addf %mul3A_23, %add3A_27 : vector<10000x16xf32>
    %swap3A = arith.constant 0 : index
    %swap3A_29 = arith.constant 0 : index
    %swap3A_30 = vector.load %arg5[%swap3A, %swap3A_29] : memref<10000x128xf32, #tpu.memory_space<vmem>>, vector<10000x16xf32>
    tpu.vector_store %arg5[%swap3A, %swap3A_29], %add3A_28 {strides = array<i32>} : memref<10000x128xf32, #tpu.memory_space<vmem>>, vector<10000x16xf32>,
    %get3A_31 = arith.constant 0 : index
    %get3A_32 = arith.constant 0 : index
    %get3A_33 = vector.load %arg4[%get3A_31, %get3A_32] : memref<10000x1xf32, #tpu.memory_space<vmem>>, vector<10000x1xf32>
    %broadcast_in_dim3A = vector.shape_cast %get3A_33 : vector<10000x1xf32> to vector<10000x1xf32>
    %broadcast_in_dim3A_34 = vector.broadcast %broadcast_in_dim3A : vector<10000x1xf32> to vector<10000x16xf32>
    %swap3A_35 = arith.constant 0 : index
    %swap3A_36 = arith.constant 16 : index
    %swap3A_37 = vector.load %arg5[%swap3A_35, %swap3A_36] : memref<10000x128xf32, #tpu.memory_space<vmem>>, vector<10000x16xf32>
    tpu.vector_store %arg5[%swap3A_35, %swap3A_36], %broadcast_in_dim3A_34 {strides = array<i32>} : memref<10000x128xf32, #tpu.memory_space<vmem>>, vector<10000x16xf32>,
    %broadcast_in_dim3A_38 = arith.constant 0.000000e+00 : f32
    %broadcast_in_dim3A_39 = vector.broadcast %broadcast_in_dim3A_38 : f32 to vector<10000x96xf32>
    %swap3A_40 = arith.constant 0 : index
    %swap3A_41 = arith.constant 32 : index
    %swap3A_42 = vector.load %arg5[%swap3A_40, %swap3A_41] : memref<10000x128xf32, #tpu.memory_space<vmem>>, vector<10000x96xf32>
    tpu.vector_store %arg5[%swap3A_40, %swap3A_41], %broadcast_in_dim3A_39 {strides = array<i32>} : memref<10000x128xf32, #tpu.memory_space<vmem>>, vector<10000x96xf32>,
    return
  }
}

module attributes {stable_mosaic.version = 14 : i64} {
  func.func @_fm_body(%arg0: memref<16384x128xf32, #tpu.memory_space<vmem>>, %arg1: memref<16384x128xf32, #tpu.memory_space<vmem>>, %arg2: memref<1x1xf32, #tpu.memory_space<vmem>>, %arg3: memref<16384x1xf32, #tpu.memory_space<vmem>>) attributes {dimension_semantics = [], scalar_prefetch = 0 : i64, scratch_operands = 0 : i64, tpu.core_type = #tpu.core_type<tc>} {
    %get3A = arith.constant 0 : index
    %get3A_0 = arith.constant 0 : index
    %get3A_1 = vector.load %arg0[%get3A, %get3A_0] : memref<16384x128xf32, #tpu.memory_space<vmem>>, vector<16384x16xf32>
    %get3A_2 = arith.constant 0 : index
    %get3A_3 = arith.constant 0 : index
    %get3A_4 = vector.load %arg1[%get3A_2, %get3A_3] : memref<16384x128xf32, #tpu.memory_space<vmem>>, vector<16384x16xf32>
    %mul3A = arith.mulf %get3A_1, %get3A_4 : vector<16384x16xf32>
    %reduce_sum3A = arith.constant dense<0.000000e+00> : vector<16384xf32>
    %reduce_sum3A_5 = vector.multi_reduction <add>, %mul3A, %reduce_sum3A [1] : vector<16384x16xf32> to vector<16384xf32>
    %broadcast_in_dim3A = vector.shape_cast %reduce_sum3A_5 : vector<16384xf32> to vector<16384x1xf32>
    %get3A_6 = arith.constant 0 : index
    %get3A_7 = arith.constant 16 : index
    %get3A_8 = vector.load %arg0[%get3A_6, %get3A_7] : memref<16384x128xf32, #tpu.memory_space<vmem>>, vector<16384x1xf32>
    %get3A_9 = arith.constant 0 : index
    %get3A_10 = arith.constant 16 : index
    %get3A_11 = vector.load %arg1[%get3A_9, %get3A_10] : memref<16384x128xf32, #tpu.memory_space<vmem>>, vector<16384x1xf32>
    %add3A = arith.addf %get3A_8, %get3A_11 : vector<16384x1xf32>
    %add3A_12 = arith.addf %broadcast_in_dim3A, %add3A : vector<16384x1xf32>
    %get3A_13 = arith.constant 0 : index
    %get3A_14 = arith.constant 0 : index
    %get3A_15 = vector.load %arg2[%get3A_13, %get3A_14] : memref<1x1xf32, #tpu.memory_space<vmem>>, vector<1x1xf32>
    %add3A_16 = vector.broadcast %get3A_15 : vector<1x1xf32> to vector<16384x1xf32>
    %add3A_17 = arith.addf %add3A_12, %add3A_16 : vector<16384x1xf32>
    %swap3A = arith.constant 0 : index
    %swap3A_18 = arith.constant 0 : index
    %swap3A_19 = vector.load %arg3[%swap3A, %swap3A_18] : memref<16384x1xf32, #tpu.memory_space<vmem>>, vector<16384x1xf32>
    tpu.vector_store %arg3[%swap3A, %swap3A_18], %add3A_17 {strides = array<i32>} : memref<16384x1xf32, #tpu.memory_space<vmem>>, vector<16384x1xf32>,
    return
  }
}

</mosaic_0001>

<sc_bundles>
// kernel: kernel.10.cloned.1.call-start
scs
__scs_entry_jumppad:
0x0: {  	(pc) =	sbr.rel $0x88, $3  }
0x1: {  	(tag) =	ssettag $0x0;
	lr =	simm.s32 $0x1  }
0x2: {  	[smem:$0x3F9A] =	sst lr;
	_ =	strace $0xD0000000  }
0x3: {  	_ = 	snop  }
0x4: {  	_ = 	snop  }
0x5: {  	_ = 	snop  }
0x6: {  	_ = 	snop  }
0x7: {  	_ = 	snop  }
__scs_overlays_trampoline_lowered:
0x8: {  	[smem:$0x3FA9] =	sst s0  }
0x9: {  	[smem:$0x3FAA] =	sst s1  }
0xa: {  	[smem:$0x3FAB] =	sst s2  }
0xb: {  	[smem:$0x3FAC] =	sst s3  }
0xc: {  	[smem:$0x3FAD] =	sst s4  }
0xd: {  	[smem:$0x3FAE] =	sst s5  }
0xe: {  	[smem:$0x3FAF] =	sst s6  }
0xf: {  	[smem:$0x3FB0] =	sst s7  }
0x10: {  	[smem:$0x3FB1] =	sst s8  }
0x11: {  	[smem:$0x3FB2] =	sst s9;
	s0 =	simm.s32 @!p0 $0x0  }
0x12: {  	s1 =	sld [smem:$0x3F98];
	s0 =	simm.s32 @p0 $0x1  }
0x13: {  	[smem:$0x3FB3] =	sst s0;
	s0 =	simm.s32 @!p1 $0x0  }
0x14: {  	s2 =	sld [smem:$0x3F97];
	s0 =	simm.s32 @p1 $0x1  }
0x15: {  	[smem:$0x3FB4] =	sst s0;
	s0 =	simm.s32 @!p2 $0x0  }
0x16: {  	s3 =	sld [smem:$0x3FDB];
	s0 =	simm.s32 @p2 $0x1  }
0x17: {  	s4 =	simm.s32 $0x1BF5;
	[smem:$0x3FB6] =	sst s0  }
0x18: {  	s0 =	sld [smem:$0x3F99];
	_ =	swait.ge [sflag:s4], $0x0  }
0x19: {  	s7 =	sld [smem:$0x3F9A]  }
0x1a: {  	s8 =	sadd.s32 $0xFFFFE003, lr  }
0x1b: {  	s9 =	sadd.s32 $0xFFFFFEF7, lr;
	s5 =	simm.s32 $0xFFFFFFFF;
	p2 =	slt.u32 s8, $0xFFFFF086  }
0x1c: {  	p1 =	slt.u32 s9, $0xF7A;
	s5 =	simm.s32 @!p2 $0x0  }
0x1d: {  	s5 =	simm.s32 @p1 $0x1;
	p0 =	seq.s32 s7, s2  }
0x1e: {  	s7 =	smul.u32 @!p0 $0xF7A, s2;
	p2 =	seq.s32 @!p0 s5, $0x0  }
0x1f: {  	s9 =	smul.u32 $0xF7A, s1;
	s8 =	simm.s32 @!p0 $0x1BF5;
	p2 =	por !p2, p0  }
0x20: {  	[sflag:s8] =	ssyncset.s32 @!p0 $0xFFFFF086;
	s6 =	sadd.s32 @!p0 s3, s7;
	s7 =	simm.s32 @!p0 $0x108  }
0x21: {  	s3 =	sadd.s32 s3, s9;
	s6 =	sadd.s32 @!p0 $0x88, s6;
	s7 =	simm.s32 @p2 $0x1082  }
0x22: {  	[simem:s7], [sflag:s8] =	dma.local @!p0 [hbm:s6], $0xF7A  }
0x23: {  	s9 =	sor.u32 $0xD0000000, s2;
	s6 =	simm.s32 $0x108;
	_ =	swait.ge @!p0 [sflag:s8], $0x0  }
0x24: {  	s3 =	sadd.s32 $0x88, s3;
	s6 =	simm.s32 @!p1 $0x1082;
	[sflag:s4] =	ssyncset.s32 $0xFFFFF086  }
0x25: {  	[simem:s6], [sflag:s4] =	dma.local [hbm:s3], $0xF7A  }
0x26: {  	[smem:$0x3F9A] =	sst s1;
	(tag) =	ssettag s2;
	_ =	strace s9  }
0x27: {  	s1 =	sld [smem:$0x3FAA]  }
0x28: {  	s2 =	sld [smem:$0x3FAB]  }
0x29: {  	s4 =	sld [smem:$0x3FAD]  }
0x2a: {  	p0 =	seq.s32 s5, $0x0;
	s5 =	sld [smem:$0x3FAE]  }
0x2b: {  	s6 =	sld [smem:$0x3FAF]  }
0x2c: {  	s7 =	sld [smem:$0x3FB0]  }
0x2d: {  	s3 =	simm.s32 $0x108;
	s8 =	sld [smem:$0x3FB1]  }
0x2e: {  	s3 =	simm.s32 @!p0 $0x1082;
	s9 =	sld [smem:$0x3FB2]  }
0x2f: {  	lr =	sadd.s32 s0, s3;
	s0 =	sld [smem:$0x3FA9]  }
0x30: {  	s3 =	sld [smem:$0x3FAC]  }
0x31: {  	[smem:$0x3FB5] =	sst s10  }
0x32: {  	s10 =	sld [smem:$0x3FB3];
	_ =	sdelay $0x3  }
0x33: {  	p0 =	seq.s32 s10, $0x1;
	s10 =	sld [smem:$0x3FB5];
	_ =	sdelay $0x3  }
0x34: {  	[smem:$0x3FB5] =	sst s10  }
0x35: {  	s10 =	sld [smem:$0x3FB4];
	_ =	sdelay $0x3  }
0x36: {  	p1 =	seq.s32 s10, $0x1;
	s10 =	sld [smem:$0x3FB5];
	_ =	sdelay $0x3  }
0x37: {  	[smem:$0x3FB5] =	sst s10  }
0x38: {  	s10 =	sld [smem:$0x3FB6]  }
0x39: {  	_ = 	snop;
	(pc) =	sbr.ind lr, $3  }
0x3a: {  	_ = 	snop  }
0x3b: {  	_ = 	snop  }
0x3c: {  	p2 =	seq.s32 s10, $0x1;
	s10 =	sld [smem:$0x3FB5]  }
0x3d: {  	_ =	shalt  }
0x3e: {  	_ =	shalt  }
0x3f: {  	_ =	shalt  }
0x40: {  	_ =	shalt  }
0x41: {  	_ =	shalt  }
0x42: {  	_ =	shalt  }
0x43: {  	_ =	shalt  }
0x44: {  	_ =	shalt  }
0x45: {  	_ =	shalt  }
0x46: {  	_ =	shalt  }
0x47: {  	_ =	shalt  }
0x48: {  	_ =	shalt  }
0x49: {  	_ =	shalt  }
0x4a: {  	_ =	shalt  }
0x4b: {  	_ =	shalt  }
0x4c: {  	_ =	shalt  }
0x4d: {  	_ =	shalt  }
0x4e: {  	_ =	shalt  }
0x4f: {  	_ =	shalt  }
0x50: {  	_ =	shalt  }
0x51: {  	_ =	shalt  }
0x52: {  	_ =	shalt  }
0x53: {  	_ =	shalt  }
0x54: {  	_ =	shalt  }
0x55: {  	_ =	shalt  }
0x56: {  	_ =	shalt  }
0x57: {  	_ =	shalt  }
0x58: {  	_ =	shalt  }
0x59: {  	_ =	shalt  }
0x5a: {  	_ =	shalt  }
0x5b: {  	_ =	shalt  }
0x5c: {  	_ =	shalt  }
0x5d: {  	_ =	shalt  }
0x5e: {  	_ =	shalt  }
0x5f: {  	_ =	shalt  }
0x60: {  	_ =	shalt  }
0x61: {  	_ =	shalt  }
0x62: {  	_ =	shalt  }
0x63: {  	_ =	shalt  }
0x64: {  	_ =	shalt  }
0x65: {  	_ =	shalt  }
0x66: {  	_ =	shalt  }
0x67: {  	_ =	shalt  }
0x68: {  	_ =	shalt  }
0x69: {  	_ =	shalt  }
0x6a: {  	_ =	shalt  }
0x6b: {  	_ =	shalt  }
0x6c: {  	_ =	shalt  }
0x6d: {  	_ =	shalt  }
0x6e: {  	_ =	shalt  }
0x6f: {  	_ =	shalt  }
0x70: {  	_ =	shalt  }
0x71: {  	_ =	shalt  }
0x72: {  	_ =	shalt  }
0x73: {  	_ =	shalt  }
0x74: {  	_ =	shalt  }
0x75: {  	_ =	shalt  }
0x76: {  	_ =	shalt  }
0x77: {  	_ =	shalt  }
0x78: {  	_ =	shalt  }
0x79: {  	_ =	shalt  }
0x7a: {  	_ =	shalt  }
0x7b: {  	_ =	shalt  }
0x7c: {  	_ =	shalt  }
0x7d: {  	_ =	shalt  }
0x7e: {  	_ =	shalt  }
0x7f: {  	_ =	shalt  }
0x80: {  	_ =	shalt  }
0x81: {  	_ =	shalt  }
0x82: {  	_ =	shalt  }
0x83: {  	_ =	shalt  }
0x84: {  	_ =	shalt  }
0x85: {  	_ =	shalt  }
0x86: {  	_ =	shalt  }
0x87: {  	_ =	shalt  }
.Lfunc_end0:
.L_simem_size_0:
called_computation_lowered:
.L_overlay_start_0:
0x88: {  	s2 =	sld [smem:$0x3FD9]  }
0x89: {  	s3 =	sld [smem:$0x3FFE];
	_ =	sdelay $0x1  }
0x8a: {  	s1 =	srdreg.scid  }
0x8b: {  	s0 =	sand.u32 $0x1, s1  }
0x8c: {  	s17 =	sshll.u32 s0, $0xA;
	s2 =	sadd.s32 s3, s2  }
0x8d: {  	s2 =	sadd.s32 s2, s17  }
0x8e: {  	[smem:$0x3FC1] =	sst s2  }
0x8f: {  	_ = 	snop  }
0x90: {  	s2 =	sld [smem:$0x3FD0];
	(tm) =	ssettm $0x1  }
0x91: {  	s18 =	sld [smem:$0x3FFB];
	_ =	sdelay $0x3  }
0x92: {  	_ =	strace s18  }
0x93: {  	s3 =	sld [smem:$0x3FFC];
	_ =	sdelay $0x3  }
0x94: {  	_ =	strace s3  }
0x95: {  	s3 =	sld [smem:$0x3FFD];
	_ =	sdelay $0x3  }
0x96: {  	_ =	strace s3  }
0x97: {  	_ =	strace $0x8FFFFFFF  }
0x98: {  	s19 =	sld [smem:$0x3FDB];
	_ =	sdelay $0x1  }
0x99: {  	s4 =	simm.s32 $_scs_section_size  }
0x9a: {  	s5 =	simm.s32 $_size__tile_overlayer_lowered;
	s6 =	simm.s32 $_tile_overlayer_lowered  }
0x9b: {  	s22 =	simm.s32 $0x1BFF;
	s21 =	sshll.u32 s6, $0x1;
	s3 =	sadd.s32 s4, s19  }
0x9c: {  	s7 =	simm.s32 $0x0;
	s20 =	sshll.u32 s5, $0x1;
	s5 =	sadd.s32 s21, s3  }
0x9d: {  	[timem:s7], [sflag:s22] =	dma.local [hbm:s5], s20  }
0x9e: {  	_ =	swait.ge [sflag:s22], s20  }
0x9f: {  	s4 =	ssub.s32 $0x0, s20;
	[sflag:s22] =	ssyncset.done $0x0  }
0xa0: {  	[sflag:s22] =	ssyncadd.s32 s4;
	_ =	sdelay $0x1  }
0xa1: {  	s23 =	simm.s32 $0x1B8B  }
0xa2: {  	_ =	swait.ge [sflag:s23], $0x1  }
0xa3: {  	[sflag:s23] =	ssyncset.done $0x0  }
0xa4: {  	s25 =	simm.s32 $0x1B8E;
	s24 =	sld [smem:$0x3FFE];
	[sflag:s23] =	ssyncadd.s32 $0xFFFFFFFF  }
0xa5: {  	s26 =	simm.s32 $execute0_lowered;
	[smem:$0x3FD2] =	sst s25  }
0xa6: {  	s5 =	sshll.u32 s26, $0x1;
	_ =	strace $0x80000046;
	[dreg:$0x1] =	wrdreg $0xFFFFFFFF  }
0xa7: {  	s28 =	simm.s32 $_size_execute0_lowered;
	s3 =	sadd.s32 s3, s5;
	[dreg:$0x0] =	wrdreg $0x0  }
0xa8: {  	s5 =	sshll.u32 s28, $0x1;
	[dreg:$0x2] =	wrdreg s3  }
0xa9: {  	[dreg:$0x3] =	wrdreg s5  }
0xaa: {  	[dreg:$0x4] =	wrdreg $0xC0  }
0xab: {  	_ =	task [dreg:s7], $0x5FFFF  }
0xac: {  	[dreg:$0x1] =	wrdreg $0xFFFFFFFF  }
0xad: {  	[dreg:$0x0] =	wrdreg $0x60  }
0xae: {  	[dreg:$0x2] =	wrdreg s24  }
0xaf: {  	[dreg:$0x3] =	wrdreg s2  }
0xb0: {  	[dreg:$0x4] =	wrdreg $0x30800  }
0xb1: {  	[dreg:$0x5] =	wrdreg $0x9  }
0xb2: {  	_ =	task.clear_ibuf [dreg:s7], $0x6FFFF;
	_ =	strace $0x90000046  }
0xb3: {  	s29 =	simm.s32 $0x9;
	_ =	strace $0x80000048  }
0xb4: {  	_ =	swait.ge [sflag:s29], $0x1  }
0xb5: {  	[sflag:s29] =	ssyncadd.s32 $0xFFFFFFFF  }
0xb6: {  	_ =	strace $0x90000048  }
0xb7: {  	_ =	sfence  }
0xb8: {  	s30 =	sld [smem:$0x0];
	_ =	sdelay $0x2  }
0xb9: {  	s31 =	sshll.u32 s1, $0xD;
	s1 =	sshrl.u32 s1, $0x2  }
0xba: {  	s3 =	sand.u32 $0x4000, s31;
	s1 =	sadd.s32 s1, s30  }
0xbb: {  	s0 =	sor.u32 s3, s0;
	s1 =	sshll.u32 s1, $0x11  }
0xbc: {  	s0 =	sor.u32 s1, s0  }
0xbd: {  	s0 =	sadd.s32 $0x8F2B, s0  }
0xbe: {  	[sflag:s0] =	ssyncadd.remote.s32 $0x1  }
0xbf: {  	_ =	sfence.sel $0xFFFF  }
0xc0: {  	[dreg:$0x0] =	wrdreg $0xFFFFFFFF;
	(pc) =	sbr.abs _section_cstart, $3  }
0xc1: {  	[dreg:$0x1] =	wrdreg $0xFFFFFFFF  }
0xc2: {  	_ =	task.clear_ibuf [dreg:s7], $0x2FFFF;
	_ =	strace $0x9FFFFFFF  }
0xc3: {  	(tm) =	ssettm $0x7FFFFFFF  }
tec
execute0_lowered:
.L_overlay_start_1:
0x0: {  	(tag) =	ssettag $0x1  }
0x1: {  	s0 =	srdreg.scid;
	s7 =	rddreg [dreg:$0x0]  }
0x2: {  	s11 =	stileid.u32;
	s1 =	rddreg [dreg:$0x1]  }
0x3: {  	s2 =	rddreg [dreg:$0x2];
	s15 =	simm.s32 $0x0;
	s5 =	sand.u32 $0x1, s0  }
0x4: {  	s0 =	rddreg [dreg:$0x3];
	s9 =	smul.u32 $0x4E, s11;
	s31 =	sshll.u32 s11, $0x7  }
0x5: {  	p0 =	sne.s32 s11, $0x0;
	s6 =	sshll.u32 s5, $0x4;
	s8 =	smul.u32 $0x4E0, s5  }
0x6: {  	s5 =	ssub.s32 $0x2, s5;
	s12 =	sor.u32 s11, s6;
	s28 =	sadd.s32 s6, s7  }
0x7: {  	s29 =	sshrl.u32 s5, $0x1;
	s6 =	sadd.s32 $0x16080, s7;
	s3 =	smul.u32 $0x4E, s12  }
0x8: {  	s11 =	sshrl.u32 @!p0 s2, $0x3;
	s8 =	sadd.s32 s9, s8;
	s14 =	ssub.s32 s5, s29  }
0x9: {  	p1 =	sgt.u32 s12, $0x3;
	s12 =	simm.s32 $0x3000;
	s4 =	sand.u32 $0xFF8, s3  }
0xa: {  	s13 =	sand.u32 $0xFF8, s8;
	s9 =	smax.u32 s14, $0x1;
	s4 =	smin.u32 s4, $0x968  }
0xb: {  	s14 =	simm.s32 $0x80;
	s3 =	simm.s32 $0x0;
	s4 =	sshll.u32 s4, $0x4  }
0xc: {  	s30 =	smin.u32 s13, $0x968;
	s13 =	simm.s32 $0x1;
	s10 =	sadd.s32 s4, s7  }
0xd: {  	[smem:$0x7FF] =	sst s3;
	s5 =	sadd.s32 $0xC480, s10;
	s10 =	ssub.s32 s8, s30  }
0xe: {  	_ =	strace $0x80000047;
	s4 =	sadd.s32 $0x16200, s7;
	s10 =	sshll.u32 s10, $0x9  }
0xf: {  	s7 =	sadd.s32 $0x2C00, s31;
	s8 =	sadd.s32 $0x16400, s28;
	s10 =	sshra.s32 s10, $0x2  }
.LBB2_1:
0x10: {  	s16 =	simm.s32 @!p0 $0x1C01  }
0x11: {  	[spmem:s11], [sflag:s16] =	dma.local @!p0 [hbm:s1], $0x500  }
0x12: {  	s16 =	simm.s32 @!p0 $0x1  }
0x13: {  	_ =	swait.ge @!p0 [sflag:s16], $0x500  }
0x14: {  	[sflag:s16] =	ssyncset.done @!p0 $0x0  }
0x15: {  	[sflag:s16] =	ssyncadd.s32 @!p0 $0xFFFFFB00  }
0x16: {  	[tilespmem:s12], [sflag:$0x1] =	stream.linear.gather [hbm4b:s4+s3], $0x80, $0x38;
	[tilespmem:$0x3300] =	vst v63  }
0x17: {  	_ =	swait.ge [sflag:s13], $0x80  }
0x18: {  	[sflag:s13] =	ssyncset.done $0x0  }
0x19: {  	[sflag:s13] =	ssyncadd.s32 $0xFFFFFF80  }
0x1a: {  	[tilespmem:s3], [sflag:$0x1] =	stream.linear.gather [hbm4b:s5+s3], $0x2C00, $0x38;
	[tilespmem:$0x3300] =	vst v63  }
0x1b: {  	_ =	swait.ge [sflag:s13], $0x2C00  }
0x1c: {  	[sflag:s13] =	ssyncset.done $0x0  }
0x1d: {  	s17 =	simm.s32 @!p1 $0x2C00;
	s16 =	simm.s32 @!p1 $0x0;
	[sflag:s13] =	ssyncadd.s32 $0xFFFFD400  }
0x1e: {  	[tilespmem:s17], [sflag:$0x1] =	stream.linear.gather @!p1 [hbm4b:s6+s16], $0x200, $0x38;
	[tilespmem:$0x3300] =	vst v63  }
0x1f: {  	s16 =	simm.s32 @!p1 $0x1  }
0x20: {  	_ =	swait.ge @!p1 [sflag:s16], $0x200  }
0x21: {  	[sflag:s16] =	ssyncset.done @!p1 $0x0  }
0x22: {  	[sflag:s16] =	ssyncadd.s32 @!p1 $0xFFFFFE00  }
0x23: {  	s31 =	sadd.s32 $0x0, s10;
	[bflag:$0x0] =	sbarrier.arrive $0xFFFF  }
0x24: {  	[spmem:s2] =	stream.indirect.scatter.add.f32 [tilespmem:s12], [sflag:$0x1], $0x1, s31, s14, $0xb8;
	[tilespmem:$0x3300] =	vst v63  }
0x25: {  	s16 =	simm.s32 $0x200;
	_ =	swait.ge [sflag:s13], $0x80  }
.LBB2_2:
0x26: {  	s17 =	sshra.s32 s16, $0x2;
	[sflag:s13] =	ssyncset.done $0x0;
	p2 =	sne.s32 s16, $0x9A00  }
.Ltmp0:
0x27: {  	s17 =	sadd.s32 s17, s10;
	[sflag:s13] =	ssyncadd.s32 $0xFFFFFF80;
	(pc) =	sbr.rel @p2 .LBB2_2-.Ltmp0, $3  }
0x28: {  	[spmem:s2] =	stream.indirect.scatter.add.f32 [tilespmem:s12], [sflag:$0x1], $0x1, s17, s14, $0xb8;
	[tilespmem:$0x3300] =	vst v63  }
0x29: {  	s16 =	sadd.s32 $0x200, s16;
	_ =	sdelay $0x1  }
0x2a: {  	_ =	swait.ge [sflag:s13], $0x80  }
0x2b: {  	[sflag:s13] =	ssyncset.done $0x0  }
0x2c: {  	s16 =	simm.s32 @!p1 $0x80;
	s17 =	simm.s32 @!p1 $0x3000;
	[sflag:s13] =	ssyncadd.s32 $0xFFFFFF80  }
0x2d: {  	[spmem:s2] =	stream.indirect.scatter.add.f32 @!p1 [tilespmem:s17], [sflag:$0x1], $0x1, s7, s16, $0xb8;
	[tilespmem:$0x3300] =	vst v63  }
0x2e: {  	s16 =	simm.s32 @!p1 $0x1  }
0x2f: {  	s18 =	simm.s32 @!p0 $0x10;
	_ =	swait.ge @!p1 [sflag:s16], $0x80  }
0x30: {  	s19 =	simm.s32 @!p0 $0x1C01;
	s15 =	sadd.s32 $0x1, s15;
	[sflag:s16] =	ssyncset.done @!p1 $0x0  }
0x31: {  	p2 =	sne.s32 s15, s9;
	s17 =	simm.s32 @!p0 $0x20;
	[sflag:s16] =	ssyncadd.s32 @!p1 $0xFFFFFF80  }
.Ltmp1:
0x32: {  	s16 =	simm.s32 @!p0 $0x1;
	[bflag:$0x0] =	sbarrier.arrive $0xFFFF;
	(pc) =	sbr.rel @p2 .LBB2_1-.Ltmp1, $4  }
0x33: {  	[hbm:s8@s17], [sflag:s19] =	dma.strided @!p0 [spmem:s11@s18], $0x500, s16, $0x10   }
0x34: {  	_ =	swait.ge @!p0 [sflag:s16], $0x500  }
0x35: {  	[sflag:s16] =	ssyncset.done @!p0 $0x0  }
0x36: {  	[sflag:s16] =	ssyncadd.s32 @!p0 $0xFFFFFB00  }
0x37: {  	_ =	sfence.sel $0x180000  }
0x38: {  	[bflag:$0x0] =	sbarrier.arrive $0xFFFF  }
0x39: {  	_ =	strace $0x90000047  }
0x3a: {  	s0 =	sadd.s32 @!p0 $0x100000, s0;
	[bflag:$0x2] =	sbarrier.arrive $0xFFFF  }
0x3b: {  	[sflag:s0] =	ssyncadd.tile.s32 @!p0 $0x1;
	_ =	shalt  }
.Lfunc_end2:
_tile_overlayer_lowered:
.L_overlay_start_2:
0x3c: {  	(tag) =	ssettag $0x2  }
0x3d: {  	s0 =	rddreg [dreg:$0x0];
	s2 =	stileid.u32  }
0x3e: {  	s1 =	rddreg [dreg:$0x1];
	p0 =	sne.s32 s2, $0x0  }
0x3f: {  	s3 =	rddreg [dreg:$0x2];
	[bflag:$0x3] =	sbarrier.arrive $0xFFFF;
	s2 =	simm.s32 @!p0 $0x1C01  }
0x40: {  	[timem:s3], [sflag:s2] =	dma.local @!p0 [hbm:s0], s1  }
0x41: {  	s0 =	simm.s32 @!p0 $0x1  }
0x42: {  	_ =	swait.ge @!p0 [sflag:s0], s1  }
0x43: {  	s1 =	ssub.s32 @!p0 $0x0, s1;
	[sflag:s0] =	ssyncset.done @!p0 $0x0  }
0x44: {  	[sflag:s0] =	ssyncadd.s32 @!p0 s1  }
0x45: {  	[bflag:$0x3] =	sbarrier.arrive $0xFFFF  }
0x46: {  	_ =	shalt  }

// kernel: kernel.13.cloned.1.call-start
scs
__scs_entry_jumppad:
0x0: {  	(pc) =	sbr.rel $0x88, $3  }
0x1: {  	(tag) =	ssettag $0x0;
	lr =	simm.s32 $0x1  }
0x2: {  	[smem:$0x3F9A] =	sst lr;
	_ =	strace $0xD0000000  }
0x3: {  	_ = 	snop  }
0x4: {  	_ = 	snop  }
0x5: {  	_ = 	snop  }
0x6: {  	_ = 	snop  }
0x7: {  	_ = 	snop  }
__scs_overlays_trampoline_lowered:
0x8: {  	[smem:$0x3FA9] =	sst s0  }
0x9: {  	[smem:$0x3FAA] =	sst s1  }
0xa: {  	[smem:$0x3FAB] =	sst s2  }
0xb: {  	[smem:$0x3FAC] =	sst s3  }
0xc: {  	[smem:$0x3FAD] =	sst s4  }
0xd: {  	[smem:$0x3FAE] =	sst s5  }
0xe: {  	[smem:$0x3FAF] =	sst s6  }
0xf: {  	[smem:$0x3FB0] =	sst s7  }
0x10: {  	[smem:$0x3FB1] =	sst s8  }
0x11: {  	[smem:$0x3FB2] =	sst s9;
	s0 =	simm.s32 @!p0 $0x0  }
0x12: {  	s1 =	sld [smem:$0x3F98];
	s0 =	simm.s32 @p0 $0x1  }
0x13: {  	[smem:$0x3FB3] =	sst s0;
	s0 =	simm.s32 @!p1 $0x0  }
0x14: {  	s2 =	sld [smem:$0x3F97];
	s0 =	simm.s32 @p1 $0x1  }
0x15: {  	[smem:$0x3FB4] =	sst s0;
	s0 =	simm.s32 @!p2 $0x0  }
0x16: {  	s3 =	sld [smem:$0x3FDB];
	s0 =	simm.s32 @p2 $0x1  }
0x17: {  	s4 =	simm.s32 $0x1BF5;
	[smem:$0x3FB6] =	sst s0  }
0x18: {  	s0 =	sld [smem:$0x3F99];
	_ =	swait.ge [sflag:s4], $0x0  }
0x19: {  	s7 =	sld [smem:$0x3F9A]  }
0x1a: {  	s8 =	sadd.s32 $0xFFFFE003, lr  }
0x1b: {  	s9 =	sadd.s32 $0xFFFFFEF7, lr;
	s5 =	simm.s32 $0xFFFFFFFF;
	p2 =	slt.u32 s8, $0xFFFFF086  }
0x1c: {  	p1 =	slt.u32 s9, $0xF7A;
	s5 =	simm.s32 @!p2 $0x0  }
0x1d: {  	s5 =	simm.s32 @p1 $0x1;
	p0 =	seq.s32 s7, s2  }
0x1e: {  	s7 =	smul.u32 @!p0 $0xF7A, s2;
	p2 =	seq.s32 @!p0 s5, $0x0  }
0x1f: {  	s9 =	smul.u32 $0xF7A, s1;
	s8 =	simm.s32 @!p0 $0x1BF5;
	p2 =	por !p2, p0  }
0x20: {  	[sflag:s8] =	ssyncset.s32 @!p0 $0xFFFFF086;
	s6 =	sadd.s32 @!p0 s3, s7;
	s7 =	simm.s32 @!p0 $0x108  }
0x21: {  	s3 =	sadd.s32 s3, s9;
	s6 =	sadd.s32 @!p0 $0x88, s6;
	s7 =	simm.s32 @p2 $0x1082  }
0x22: {  	[simem:s7], [sflag:s8] =	dma.local @!p0 [hbm:s6], $0xF7A  }
0x23: {  	s9 =	sor.u32 $0xD0000000, s2;
	s6 =	simm.s32 $0x108;
	_ =	swait.ge @!p0 [sflag:s8], $0x0  }
0x24: {  	s3 =	sadd.s32 $0x88, s3;
	s6 =	simm.s32 @!p1 $0x1082;
	[sflag:s4] =	ssyncset.s32 $0xFFFFF086  }
0x25: {  	[simem:s6], [sflag:s4] =	dma.local [hbm:s3], $0xF7A  }
0x26: {  	[smem:$0x3F9A] =	sst s1;
	(tag) =	ssettag s2;
	_ =	strace s9  }
0x27: {  	s1 =	sld [smem:$0x3FAA]  }
0x28: {  	s2 =	sld [smem:$0x3FAB]  }
0x29: {  	s4 =	sld [smem:$0x3FAD]  }
0x2a: {  	p0 =	seq.s32 s5, $0x0;
	s5 =	sld [smem:$0x3FAE]  }
0x2b: {  	s6 =	sld [smem:$0x3FAF]  }
0x2c: {  	s7 =	sld [smem:$0x3FB0]  }
0x2d: {  	s3 =	simm.s32 $0x108;
	s8 =	sld [smem:$0x3FB1]  }
0x2e: {  	s3 =	simm.s32 @!p0 $0x1082;
	s9 =	sld [smem:$0x3FB2]  }
0x2f: {  	lr =	sadd.s32 s0, s3;
	s0 =	sld [smem:$0x3FA9]  }
0x30: {  	s3 =	sld [smem:$0x3FAC]  }
0x31: {  	[smem:$0x3FB5] =	sst s10  }
0x32: {  	s10 =	sld [smem:$0x3FB3];
	_ =	sdelay $0x3  }
0x33: {  	p0 =	seq.s32 s10, $0x1;
	s10 =	sld [smem:$0x3FB5];
	_ =	sdelay $0x3  }
0x34: {  	[smem:$0x3FB5] =	sst s10  }
0x35: {  	s10 =	sld [smem:$0x3FB4];
	_ =	sdelay $0x3  }
0x36: {  	p1 =	seq.s32 s10, $0x1;
	s10 =	sld [smem:$0x3FB5];
	_ =	sdelay $0x3  }
0x37: {  	[smem:$0x3FB5] =	sst s10  }
0x38: {  	s10 =	sld [smem:$0x3FB6]  }
0x39: {  	_ = 	snop;
	(pc) =	sbr.ind lr, $3  }
0x3a: {  	_ = 	snop  }
0x3b: {  	_ = 	snop  }
0x3c: {  	p2 =	seq.s32 s10, $0x1;
	s10 =	sld [smem:$0x3FB5]  }
0x3d: {  	_ =	shalt  }
0x3e: {  	_ =	shalt  }
0x3f: {  	_ =	shalt  }
0x40: {  	_ =	shalt  }
0x41: {  	_ =	shalt  }
0x42: {  	_ =	shalt  }
0x43: {  	_ =	shalt  }
0x44: {  	_ =	shalt  }
0x45: {  	_ =	shalt  }
0x46: {  	_ =	shalt  }
0x47: {  	_ =	shalt  }
0x48: {  	_ =	shalt  }
0x49: {  	_ =	shalt  }
0x4a: {  	_ =	shalt  }
0x4b: {  	_ =	shalt  }
0x4c: {  	_ =	shalt  }
0x4d: {  	_ =	shalt  }
0x4e: {  	_ =	shalt  }
0x4f: {  	_ =	shalt  }
0x50: {  	_ =	shalt  }
0x51: {  	_ =	shalt  }
0x52: {  	_ =	shalt  }
0x53: {  	_ =	shalt  }
0x54: {  	_ =	shalt  }
0x55: {  	_ =	shalt  }
0x56: {  	_ =	shalt  }
0x57: {  	_ =	shalt  }
0x58: {  	_ =	shalt  }
0x59: {  	_ =	shalt  }
0x5a: {  	_ =	shalt  }
0x5b: {  	_ =	shalt  }
0x5c: {  	_ =	shalt  }
0x5d: {  	_ =	shalt  }
0x5e: {  	_ =	shalt  }
0x5f: {  	_ =	shalt  }
0x60: {  	_ =	shalt  }
0x61: {  	_ =	shalt  }
0x62: {  	_ =	shalt  }
0x63: {  	_ =	shalt  }
0x64: {  	_ =	shalt  }
0x65: {  	_ =	shalt  }
0x66: {  	_ =	shalt  }
0x67: {  	_ =	shalt  }
0x68: {  	_ =	shalt  }
0x69: {  	_ =	shalt  }
0x6a: {  	_ =	shalt  }
0x6b: {  	_ =	shalt  }
0x6c: {  	_ =	shalt  }
0x6d: {  	_ =	shalt  }
0x6e: {  	_ =	shalt  }
0x6f: {  	_ =	shalt  }
0x70: {  	_ =	shalt  }
0x71: {  	_ =	shalt  }
0x72: {  	_ =	shalt  }
0x73: {  	_ =	shalt  }
0x74: {  	_ =	shalt  }
0x75: {  	_ =	shalt  }
0x76: {  	_ =	shalt  }
0x77: {  	_ =	shalt  }
0x78: {  	_ =	shalt  }
0x79: {  	_ =	shalt  }
0x7a: {  	_ =	shalt  }
0x7b: {  	_ =	shalt  }
0x7c: {  	_ =	shalt  }
0x7d: {  	_ =	shalt  }
0x7e: {  	_ =	shalt  }
0x7f: {  	_ =	shalt  }
0x80: {  	_ =	shalt  }
0x81: {  	_ =	shalt  }
0x82: {  	_ =	shalt  }
0x83: {  	_ =	shalt  }
0x84: {  	_ =	shalt  }
0x85: {  	_ =	shalt  }
0x86: {  	_ =	shalt  }
0x87: {  	_ =	shalt  }
.Lfunc_end0:
.L_simem_size_0:
called_computation.1_lowered:
.L_overlay_start_0:
0x88: {  	s2 =	sld [smem:$0x3FD9]  }
0x89: {  	s3 =	sld [smem:$0x3FFE];
	_ =	sdelay $0x1  }
0x8a: {  	s1 =	srdreg.scid  }
0x8b: {  	s0 =	sand.u32 $0x1, s1  }
0x8c: {  	s16 =	sshll.u32 s0, $0xA;
	s2 =	sadd.s32 s3, s2  }
0x8d: {  	s2 =	sadd.s32 s2, s16  }
0x8e: {  	[smem:$0x3FC1] =	sst s2  }
0x8f: {  	_ = 	snop  }
0x90: {  	(tm) =	ssettm $0x1  }
0x91: {  	s17 =	sld [smem:$0x3FFB];
	_ =	sdelay $0x3  }
0x92: {  	_ =	strace s17  }
0x93: {  	s2 =	sld [smem:$0x3FFC];
	_ =	sdelay $0x3  }
0x94: {  	_ =	strace s2  }
0x95: {  	s2 =	sld [smem:$0x3FFD];
	_ =	sdelay $0x3  }
0x96: {  	_ =	strace s2  }
0x97: {  	_ =	strace $0x8FFFFFFF  }
0x98: {  	s18 =	sld [smem:$0x3FDB];
	_ =	sdelay $0x1  }
0x99: {  	s19 =	simm.s32 $_scs_section_size  }
0x9a: {  	s4 =	simm.s32 $_size__tile_overlayer_lowered;
	s5 =	simm.s32 $_tile_overlayer_lowered  }
0x9b: {  	s22 =	simm.s32 $0x1BFF;
	s21 =	sshll.u32 s5, $0x1;
	s2 =	sadd.s32 s19, s18  }
0x9c: {  	s6 =	simm.s32 $0x0;
	s20 =	sshll.u32 s4, $0x1;
	s4 =	sadd.s32 s21, s2  }
0x9d: {  	[timem:s6], [sflag:s22] =	dma.local [hbm:s4], s20  }
0x9e: {  	_ =	swait.ge [sflag:s22], s20  }
0x9f: {  	s3 =	ssub.s32 $0x0, s20;
	[sflag:s22] =	ssyncset.done $0x0  }
0xa0: {  	[sflag:s22] =	ssyncadd.s32 s3;
	_ =	sdelay $0x1  }
0xa1: {  	s23 =	simm.s32 $0x1B8B  }
0xa2: {  	_ =	swait.ge [sflag:s23], $0x1  }
0xa3: {  	[sflag:s23] =	ssyncset.done $0x0  }
0xa4: {  	s25 =	simm.s32 $0x1B8E;
	s24 =	sld [smem:$0x3FFE];
	[sflag:s23] =	ssyncadd.s32 $0xFFFFFFFF  }
0xa5: {  	s26 =	simm.s32 $execute0_lowered;
	[smem:$0x3FD2] =	sst s25  }
0xa6: {  	s4 =	sshll.u32 s26, $0x1;
	_ =	strace $0x80000049;
	[dreg:$0x1] =	wrdreg $0xFFFFFFFF  }
0xa7: {  	s28 =	simm.s32 $_size_execute0_lowered;
	s2 =	sadd.s32 s2, s4;
	[dreg:$0x0] =	wrdreg $0x0  }
0xa8: {  	s4 =	sshll.u32 s28, $0x1;
	[dreg:$0x2] =	wrdreg s2  }
0xa9: {  	[dreg:$0x3] =	wrdreg s4  }
0xaa: {  	[dreg:$0x4] =	wrdreg $0xC0  }
0xab: {  	_ =	task [dreg:s6], $0x5FFFF  }
0xac: {  	[dreg:$0x1] =	wrdreg $0xFFFFFFFF  }
0xad: {  	[dreg:$0x0] =	wrdreg $0x60  }
0xae: {  	[dreg:$0x2] =	wrdreg s24  }
0xaf: {  	[dreg:$0x3] =	wrdreg $0xB8000  }
0xb0: {  	[dreg:$0x4] =	wrdreg $0x9  }
0xb1: {  	_ =	task.clear_ibuf [dreg:s6], $0x5FFFF;
	_ =	strace $0x90000049  }
0xb2: {  	s29 =	simm.s32 $0x9;
	_ =	strace $0x8000004B  }
0xb3: {  	_ =	swait.ge [sflag:s29], $0x1  }
0xb4: {  	[sflag:s29] =	ssyncadd.s32 $0xFFFFFFFF  }
0xb5: {  	_ =	strace $0x9000004B  }
0xb6: {  	_ =	sfence  }
0xb7: {  	s30 =	sld [smem:$0x0];
	_ =	sdelay $0x2  }
0xb8: {  	s31 =	sshll.u32 s1, $0xD;
	s1 =	sshrl.u32 s1, $0x2  }
0xb9: {  	s3 =	sand.u32 $0x4000, s31;
	s1 =	sadd.s32 s1, s30  }
0xba: {  	s0 =	sor.u32 s3, s0;
	s1 =	sshll.u32 s1, $0x11  }
0xbb: {  	s0 =	sor.u32 s1, s0  }
0xbc: {  	s0 =	sadd.s32 $0x8F2B, s0  }
0xbd: {  	[sflag:s0] =	ssyncadd.remote.s32 $0x1  }
0xbe: {  	_ =	sfence.sel $0xFFFF  }
0xbf: {  	[dreg:$0x0] =	wrdreg $0xFFFFFFFF;
	(pc) =	sbr.abs _section_cstart, $3  }
0xc0: {  	[dreg:$0x1] =	wrdreg $0xFFFFFFFF  }
0xc1: {  	_ =	task.clear_ibuf [dreg:s6], $0x2FFFF;
	_ =	strace $0x9FFFFFFF  }
0xc2: {  	(tm) =	ssettm $0x7FFFFFFF  }
0xc3: {  	_ =	shalt  }
tec
execute0_lowered:
.L_overlay_start_1:
0x0: {  	(tag) =	ssettag $0x1  }
0x1: {  	s4 =	rddreg [dreg:$0x0]  }
0x2: {  	s1 =	rddreg [dreg:$0x1];
	s2 =	srdreg.scid  }
0x3: {  	s0 =	rddreg [dreg:$0x2];
	s15 =	stileid.u32;
	s16 =	simm.s32 $0x3  }
0x4: {  	s17 =	simm.s32 $0x1C00;
	s18 =	simm.s32 $0x80;
	s19 =	simm.s32 $0x3800  }
0x5: {  	s20 =	simm.s32 $0x1;
	s21 =	simm.s32 $0x7800;
	s22 =	simm.s32 $0x2  }
0x6: {  	s23 =	simm.s32 $0x0;
	s5 =	sand.u32 $0x1, s2;
	s2 =	simm.s32 $0x0  }
0x7: {  	s9 =	smul.u32 $0x6, s15;
	s12 =	ssub.s32 $0x0, s15;
	p0 =	sne.s32 s15, $0x0  }
0x8: {  	s3 =	sshll.u32 s5, $0x4;
	[smem:$0x7FF] =	sst s2;
	s7 =	smul.u32 $0x27100, s5  }
0x9: {  	s5 =	ssub.s32 $0x2, s5;
	s12 =	sand.u32 $0x3, s12;
	s3 =	sor.u32 s15, s3  }
0xa: {  	_ =	strace $0x8000004A;
	s8 =	sshrl.u32 s5, $0x1;
	s31 =	sand.u32 $0x6, s9  }
0xb: {  	s12 =	sshll.u32 s12, $0x8;
	s15 =	sshrl.u32 @!p0 s1, $0x3;
	s6 =	smul.u32 $0x4E0, s3  }
0xc: {  	s3 =	sadd.s32 $0x16200, s4;
	s10 =	sadd.s32 s7, s4;
	s11 =	ssub.s32 s5, s8  }
0xd: {  	s7 =	sshll.u32 s31, $0x7;
	s14 =	sor.u32 $0x1C00, s12;
	s8 =	sadd.s32 $0x8B600, s10  }
0xe: {  	s9 =	smax.u32 s11, $0x1;
	s11 =	sadd.s32 $0x2F00, s7;
	s6 =	sand.u32 $0xFF80, s6  }
0xf: {  	s13 =	sadd.s32 $0x2F80, s7;
	s6 =	sadd.s32 s6, s4;
	s4 =	sadd.s32 $0x3D400, s10  }
0x10: {  	s10 =	sadd.s32 $0x1380, s7;
	s5 =	sadd.s32 $0x2800, s6;
	s6 =	sadd.s32 $0xC480, s6  }
.LBB2_1:
0x11: {  	s24 =	simm.s32 @!p0 $0x1C03  }
0x12: {  	[spmem:s15], [sflag:s24] =	dma.local @!p0 [hbm:s4], $0x27100  }
0x13: {  	s24 =	simm.s32 @!p0 $0x3  }
0x14: {  	_ =	swait.ge @!p0 [sflag:s24], $0x27100  }
0x15: {  	[sflag:s24] =	ssyncset.done @!p0 $0x0  }
0x16: {  	[sflag:s24] =	ssyncadd.s32 @!p0 $0xFFFD8F00  }
0x17: {  	[tilespmem:s2], [sflag:$0x3] =	stream.linear.gather [hbm4b:s5+s2], $0x1800, $0x38;
	[tilespmem:$0x1F080] =	vst v63  }
0x18: {  	_ =	swait.ge [sflag:s16], $0x1800  }
0x19: {  	[sflag:s16] =	ssyncset.done $0x0  }
0x1a: {  	[sflag:s16] =	ssyncadd.s32 $0xFFFFE800  }
0x1b: {  	[tilespmem:s17], [sflag:$0x3] =	stream.linear.gather [hbm4b:s6+s2], $0x1800, $0x38;
	[tilespmem:$0x1F080] =	vst v63  }
0x1c: {  	_ =	swait.ge [sflag:s16], $0x1800  }
0x1d: {  	[sflag:s16] =	ssyncset.done $0x0  }
0x1e: {  	[sflag:s16] =	ssyncadd.s32 $0xFFFFE800  }
0x1f: {  	[bflag:$0x0] =	sbarrier.arrive $0xFFFF  }
0x20: {  	[tilespmem:s19], [sflag:$0x1] =	stream.indirect.gather [hbm4b:s3+s18], $0x80, s7, s18, $0xb8;
	[tilespmem:$0x1F080] =	vst v63  }
0x21: {  	_ =	swait.ge [sflag:s20], $0x4000  }
0x22: {  	s29 =	sadd.s32 $0x0, s12;
	[sflag:s20] =	ssyncset.done $0x0  }
0x23: {  	s25 =	sadd.s32 $0x80, s29;
	[sflag:s20] =	ssyncadd.s32 $0xFFFFC000  }
0x24: {  	[tilespmem:s21], [sflag:$0x2] =	stream.indirect.gather [hbm4b:s3+s18], $0x80, s25, s18, $0xb8;
	[tilespmem:$0x1F080] =	vst v63  }
0x25: {  	s30 =	sadd.s32 $0x0, s14  }
0x26: {  	[spmem:s1] =	stream.indirect.scatter.add.f32 [tilespmem:s19], [sflag:$0x3], $0x80, s30, s18, $0xb8;
	[tilespmem:$0x1F080] =	vst v63  }
0x27: {  	_ =	swait.ge [sflag:s16], $0x4000  }
0x28: {  	[sflag:s16] =	ssyncset.done $0x0  }
0x29: {  	[sflag:s16] =	ssyncadd.s32 $0xFFFFC000  }
0x2a: {  	_ =	swait.ge [sflag:s22], $0x4000  }
0x2b: {  	[sflag:s22] =	ssyncset.done $0x0  }
0x2c: {  	s24 =	sadd.s32 $0x100, s29;
	[sflag:s22] =	ssyncadd.s32 $0xFFFFC000  }
0x2d: {  	[tilespmem:s19], [sflag:$0x1] =	stream.indirect.gather [hbm4b:s3+s18], $0x80, s24, s18, $0xb8;
	[tilespmem:$0x1F080] =	vst v63  }
0x2e: {  	s31 =	sadd.s32 $0x80, s30  }
0x2f: {  	[spmem:s1] =	stream.indirect.scatter.add.f32 [tilespmem:s21], [sflag:$0x3], $0x80, s31, s18, $0xb8;
	[tilespmem:$0x1F080] =	vst v63  }
0x30: {  	_ =	swait.ge [sflag:s16], $0x4000  }
0x31: {  	s24 =	simm.s32 $0x400;
	[sflag:s16] =	ssyncset.done $0x0  }
.LBB2_2:
0x32: {  	p1 =	sne.s32 s24, $0x4800  }
0x33: {  	[sflag:s16] =	ssyncadd.s32 $0xFFFFC000;
	s25 =	smov.u32 s24;
	s24 =	sadd.s32 $0x400, s24  }
0x34: {  	_ =	swait.ge [sflag:s20], $0x4000  }
0x35: {  	s25 =	sshra.s32 s25, $0x2;
	[sflag:s20] =	ssyncset.done $0x0  }
0x36: {  	s26 =	sadd.s32 s25, s12;
	[sflag:s20] =	ssyncadd.s32 $0xFFFFC000  }
0x37: {  	s28 =	sadd.s32 $0x80, s26  }
0x38: {  	[tilespmem:s21], [sflag:$0x2] =	stream.indirect.gather [hbm4b:s3+s18], $0x80, s28, s18, $0xb8;
	[tilespmem:$0x1F080] =	vst v63  }
0x39: {  	s25 =	sadd.s32 s25, s14  }
0x3a: {  	[spmem:s1] =	stream.indirect.scatter.add.f32 [tilespmem:s19], [sflag:$0x3], $0x80, s25, s18, $0xb8;
	[tilespmem:$0x1F080] =	vst v63  }
0x3b: {  	_ =	swait.ge [sflag:s16], $0x4000  }
0x3c: {  	[sflag:s16] =	ssyncset.done $0x0  }
0x3d: {  	[sflag:s16] =	ssyncadd.s32 $0xFFFFC000  }
0x3e: {  	_ =	swait.ge [sflag:s22], $0x4000  }
0x3f: {  	[sflag:s22] =	ssyncset.done $0x0  }
0x40: {  	s26 =	sadd.s32 $0x100, s26;
	[sflag:s22] =	ssyncadd.s32 $0xFFFFC000  }
0x41: {  	[tilespmem:s19], [sflag:$0x1] =	stream.indirect.gather [hbm4b:s3+s18], $0x80, s26, s18, $0xb8;
	[tilespmem:$0x1F080] =	vst v63  }
.Ltmp0:
0x42: {  	_ = 	snop;
	(pc) =	sbr.rel @p1 .LBB2_2-.Ltmp0, $4  }
0x43: {  	s25 =	sadd.s32 $0x80, s25  }
0x44: {  	[spmem:s1] =	stream.indirect.scatter.add.f32 [tilespmem:s21], [sflag:$0x3], $0x80, s25, s18, $0xb8;
	[tilespmem:$0x1F080] =	vst v63  }
0x45: {  	_ =	swait.ge [sflag:s16], $0x4000  }
0x46: {  	[sflag:s16] =	ssyncset.done $0x0  }
0x47: {  	[sflag:s16] =	ssyncadd.s32 $0xFFFFC000  }
0x48: {  	_ =	swait.ge [sflag:s20], $0x4000  }
0x49: {  	[sflag:s20] =	ssyncset.done $0x0  }
0x4a: {  	[sflag:s20] =	ssyncadd.s32 $0xFFFFC000  }
0x4b: {  	[tilespmem:s21], [sflag:$0x2] =	stream.indirect.gather [hbm4b:s3+s18], $0x80, s10, s18, $0xb8;
	[tilespmem:$0x1F080] =	vst v63  }
0x4c: {  	_ = 	snop  }
0x4d: {  	[spmem:s1] =	stream.indirect.scatter.add.f32 [tilespmem:s19], [sflag:$0x3], $0x80, s11, s18, $0xb8;
	[tilespmem:$0x1F080] =	vst v63  }
0x4e: {  	_ =	swait.ge [sflag:s16], $0x4000  }
0x4f: {  	[sflag:s16] =	ssyncset.done $0x0  }
0x50: {  	[sflag:s16] =	ssyncadd.s32 $0xFFFFC000  }
0x51: {  	_ =	swait.ge [sflag:s22], $0x4000  }
0x52: {  	[sflag:s22] =	ssyncset.done $0x0  }
0x53: {  	[sflag:s22] =	ssyncadd.s32 $0xFFFFC000  }
0x54: {  	[spmem:s1] =	stream.indirect.scatter.add.f32 [tilespmem:s21], [sflag:$0x3], $0x80, s13, s18, $0xb8;
	[tilespmem:$0x1F080] =	vst v63  }
0x55: {  	_ =	swait.ge [sflag:s16], $0x4000  }
0x56: {  	[sflag:s16] =	ssyncset.done $0x0  }
0x57: {  	s23 =	sadd.s32 $0x1, s23;
	[sflag:s16] =	ssyncadd.s32 $0xFFFFC000  }
0x58: {  	s24 =	simm.s32 @!p0 $0x1C03;
	p1 =	sne.s32 s23, s9;
	[bflag:$0x0] =	sbarrier.arrive $0xFFFF  }
0x59: {  	[hbm:s8], [sflag:s24] =	dma.local @!p0 [spmem:s15], $0x27100  }
.Ltmp1:
0x5a: {  	_ = 	snop;
	(pc) =	sbr.rel @p1 .LBB2_1-.Ltmp1, $4  }
0x5b: {  	s24 =	simm.s32 @!p0 $0x3  }
0x5c: {  	_ =	swait.ge @!p0 [sflag:s24], $0x27100  }
0x5d: {  	[sflag:s24] =	ssyncset.done @!p0 $0x0  }
0x5e: {  	[sflag:s24] =	ssyncadd.s32 @!p0 $0xFFFD8F00  }
0x5f: {  	_ =	sfence.sel $0x180000  }
0x60: {  	[bflag:$0x0] =	sbarrier.arrive $0xFFFF  }
0x61: {  	_ =	strace $0x9000004A  }
0x62: {  	s0 =	sadd.s32 @!p0 $0x100000, s0;
	[bflag:$0x2] =	sbarrier.arrive $0xFFFF  }
0x63: {  	[sflag:s0] =	ssyncadd.tile.s32 @!p0 $0x1;
	_ =	shalt  }
.Lfunc_end2:
_tile_overlayer_lowered:
.L_overlay_start_2:
0x64: {  	(tag) =	ssettag $0x2  }
0x65: {  	s0 =	rddreg [dreg:$0x0];
	s2 =	stileid.u32  }
0x66: {  	s1 =	rddreg [dreg:$0x1];
	p0 =	sne.s32 s2, $0x0  }
0x67: {  	s3 =	rddreg [dreg:$0x2];
	[bflag:$0x3] =	sbarrier.arrive $0xFFFF;
	s2 =	simm.s32 @!p0 $0x1C03  }
0x68: {  	[timem:s3], [sflag:s2] =	dma.local @!p0 [hbm:s0], s1  }
0x69: {  	s0 =	simm.s32 @!p0 $0x3  }
0x6a: {  	_ =	swait.ge @!p0 [sflag:s0], s1  }
0x6b: {  	s1 =	ssub.s32 @!p0 $0x0, s1;
	[sflag:s0] =	ssyncset.done @!p0 $0x0  }
0x6c: {  	[sflag:s0] =	ssyncadd.s32 @!p0 s1  }
0x6d: {  	[bflag:$0x3] =	sbarrier.arrive $0xFFFF  }
0x6e: {  	_ =	shalt  }

// kernel: kernel.16.cloned.1.call-start
scs
__scs_entry_jumppad:
0x0: {  	(pc) =	sbr.rel $0x88, $3  }
0x1: {  	(tag) =	ssettag $0x0;
	lr =	simm.s32 $0x1  }
0x2: {  	[smem:$0x3F9A] =	sst lr;
	_ =	strace $0xD0000000  }
0x3: {  	_ = 	snop  }
0x4: {  	_ = 	snop  }
0x5: {  	_ = 	snop  }
0x6: {  	_ = 	snop  }
0x7: {  	_ = 	snop  }
__scs_overlays_trampoline_lowered:
0x8: {  	[smem:$0x3FA9] =	sst s0  }
0x9: {  	[smem:$0x3FAA] =	sst s1  }
0xa: {  	[smem:$0x3FAB] =	sst s2  }
0xb: {  	[smem:$0x3FAC] =	sst s3  }
0xc: {  	[smem:$0x3FAD] =	sst s4  }
0xd: {  	[smem:$0x3FAE] =	sst s5  }
0xe: {  	[smem:$0x3FAF] =	sst s6  }
0xf: {  	[smem:$0x3FB0] =	sst s7  }
0x10: {  	[smem:$0x3FB1] =	sst s8  }
0x11: {  	[smem:$0x3FB2] =	sst s9;
	s0 =	simm.s32 @!p0 $0x0  }
0x12: {  	s1 =	sld [smem:$0x3F98];
	s0 =	simm.s32 @p0 $0x1  }
0x13: {  	[smem:$0x3FB3] =	sst s0;
	s0 =	simm.s32 @!p1 $0x0  }
0x14: {  	s2 =	sld [smem:$0x3F97];
	s0 =	simm.s32 @p1 $0x1  }
0x15: {  	[smem:$0x3FB4] =	sst s0;
	s0 =	simm.s32 @!p2 $0x0  }
0x16: {  	s3 =	sld [smem:$0x3FDB];
	s0 =	simm.s32 @p2 $0x1  }
0x17: {  	s4 =	simm.s32 $0x1BF5;
	[smem:$0x3FB6] =	sst s0  }
0x18: {  	s0 =	sld [smem:$0x3F99];
	_ =	swait.ge [sflag:s4], $0x0  }
0x19: {  	s7 =	sld [smem:$0x3F9A]  }
0x1a: {  	s8 =	sadd.s32 $0xFFFFE003, lr  }
0x1b: {  	s9 =	sadd.s32 $0xFFFFFEF7, lr;
	s5 =	simm.s32 $0xFFFFFFFF;
	p2 =	slt.u32 s8, $0xFFFFF086  }
0x1c: {  	p1 =	slt.u32 s9, $0xF7A;
	s5 =	simm.s32 @!p2 $0x0  }
0x1d: {  	s5 =	simm.s32 @p1 $0x1;
	p0 =	seq.s32 s7, s2  }
0x1e: {  	s7 =	smul.u32 @!p0 $0xF7A, s2;
	p2 =	seq.s32 @!p0 s5, $0x0  }
0x1f: {  	s9 =	smul.u32 $0xF7A, s1;
	s8 =	simm.s32 @!p0 $0x1BF5;
	p2 =	por !p2, p0  }
0x20: {  	[sflag:s8] =	ssyncset.s32 @!p0 $0xFFFFF086;
	s6 =	sadd.s32 @!p0 s3, s7;
	s7 =	simm.s32 @!p0 $0x108  }
0x21: {  	s3 =	sadd.s32 s3, s9;
	s6 =	sadd.s32 @!p0 $0x88, s6;
	s7 =	simm.s32 @p2 $0x1082  }
0x22: {  	[simem:s7], [sflag:s8] =	dma.local @!p0 [hbm:s6], $0xF7A  }
0x23: {  	s9 =	sor.u32 $0xD0000000, s2;
	s6 =	simm.s32 $0x108;
	_ =	swait.ge @!p0 [sflag:s8], $0x0  }
0x24: {  	s3 =	sadd.s32 $0x88, s3;
	s6 =	simm.s32 @!p1 $0x1082;
	[sflag:s4] =	ssyncset.s32 $0xFFFFF086  }
0x25: {  	[simem:s6], [sflag:s4] =	dma.local [hbm:s3], $0xF7A  }
0x26: {  	[smem:$0x3F9A] =	sst s1;
	(tag) =	ssettag s2;
	_ =	strace s9  }
0x27: {  	s1 =	sld [smem:$0x3FAA]  }
0x28: {  	s2 =	sld [smem:$0x3FAB]  }
0x29: {  	s4 =	sld [smem:$0x3FAD]  }
0x2a: {  	p0 =	seq.s32 s5, $0x0;
	s5 =	sld [smem:$0x3FAE]  }
0x2b: {  	s6 =	sld [smem:$0x3FAF]  }
0x2c: {  	s7 =	sld [smem:$0x3FB0]  }
0x2d: {  	s3 =	simm.s32 $0x108;
	s8 =	sld [smem:$0x3FB1]  }
0x2e: {  	s3 =	simm.s32 @!p0 $0x1082;
	s9 =	sld [smem:$0x3FB2]  }
0x2f: {  	lr =	sadd.s32 s0, s3;
	s0 =	sld [smem:$0x3FA9]  }
0x30: {  	s3 =	sld [smem:$0x3FAC]  }
0x31: {  	[smem:$0x3FB5] =	sst s10  }
0x32: {  	s10 =	sld [smem:$0x3FB3];
	_ =	sdelay $0x3  }
0x33: {  	p0 =	seq.s32 s10, $0x1;
	s10 =	sld [smem:$0x3FB5];
	_ =	sdelay $0x3  }
0x34: {  	[smem:$0x3FB5] =	sst s10  }
0x35: {  	s10 =	sld [smem:$0x3FB4];
	_ =	sdelay $0x3  }
0x36: {  	p1 =	seq.s32 s10, $0x1;
	s10 =	sld [smem:$0x3FB5];
	_ =	sdelay $0x3  }
0x37: {  	[smem:$0x3FB5] =	sst s10  }
0x38: {  	s10 =	sld [smem:$0x3FB6]  }
0x39: {  	_ = 	snop;
	(pc) =	sbr.ind lr, $3  }
0x3a: {  	_ = 	snop  }
0x3b: {  	_ = 	snop  }
0x3c: {  	p2 =	seq.s32 s10, $0x1;
	s10 =	sld [smem:$0x3FB5]  }
0x3d: {  	_ =	shalt  }
0x3e: {  	_ =	shalt  }
0x3f: {  	_ =	shalt  }
0x40: {  	_ =	shalt  }
0x41: {  	_ =	shalt  }
0x42: {  	_ =	shalt  }
0x43: {  	_ =	shalt  }
0x44: {  	_ =	shalt  }
0x45: {  	_ =	shalt  }
0x46: {  	_ =	shalt  }
0x47: {  	_ =	shalt  }
0x48: {  	_ =	shalt  }
0x49: {  	_ =	shalt  }
0x4a: {  	_ =	shalt  }
0x4b: {  	_ =	shalt  }
0x4c: {  	_ =	shalt  }
0x4d: {  	_ =	shalt  }
0x4e: {  	_ =	shalt  }
0x4f: {  	_ =	shalt  }
0x50: {  	_ =	shalt  }
0x51: {  	_ =	shalt  }
0x52: {  	_ =	shalt  }
0x53: {  	_ =	shalt  }
0x54: {  	_ =	shalt  }
0x55: {  	_ =	shalt  }
0x56: {  	_ =	shalt  }
0x57: {  	_ =	shalt  }
0x58: {  	_ =	shalt  }
0x59: {  	_ =	shalt  }
0x5a: {  	_ =	shalt  }
0x5b: {  	_ =	shalt  }
0x5c: {  	_ =	shalt  }
0x5d: {  	_ =	shalt  }
0x5e: {  	_ =	shalt  }
0x5f: {  	_ =	shalt  }
0x60: {  	_ =	shalt  }
0x61: {  	_ =	shalt  }
0x62: {  	_ =	shalt  }
0x63: {  	_ =	shalt  }
0x64: {  	_ =	shalt  }
0x65: {  	_ =	shalt  }
0x66: {  	_ =	shalt  }
0x67: {  	_ =	shalt  }
0x68: {  	_ =	shalt  }
0x69: {  	_ =	shalt  }
0x6a: {  	_ =	shalt  }
0x6b: {  	_ =	shalt  }
0x6c: {  	_ =	shalt  }
0x6d: {  	_ =	shalt  }
0x6e: {  	_ =	shalt  }
0x6f: {  	_ =	shalt  }
0x70: {  	_ =	shalt  }
0x71: {  	_ =	shalt  }
0x72: {  	_ =	shalt  }
0x73: {  	_ =	shalt  }
0x74: {  	_ =	shalt  }
0x75: {  	_ =	shalt  }
0x76: {  	_ =	shalt  }
0x77: {  	_ =	shalt  }
0x78: {  	_ =	shalt  }
0x79: {  	_ =	shalt  }
0x7a: {  	_ =	shalt  }
0x7b: {  	_ =	shalt  }
0x7c: {  	_ =	shalt  }
0x7d: {  	_ =	shalt  }
0x7e: {  	_ =	shalt  }
0x7f: {  	_ =	shalt  }
0x80: {  	_ =	shalt  }
0x81: {  	_ =	shalt  }
0x82: {  	_ =	shalt  }
0x83: {  	_ =	shalt  }
0x84: {  	_ =	shalt  }
0x85: {  	_ =	shalt  }
0x86: {  	_ =	shalt  }
0x87: {  	_ =	shalt  }
.Lfunc_end0:
.L_simem_size_0:
called_computation.2_lowered:
.L_overlay_start_0:
0x88: {  	s2 =	sld [smem:$0x3FD9]  }
0x89: {  	s3 =	sld [smem:$0x3FFE];
	_ =	sdelay $0x1  }
0x8a: {  	s1 =	srdreg.scid  }
0x8b: {  	s0 =	sand.u32 $0x1, s1  }
0x8c: {  	s16 =	sshll.u32 s0, $0xA;
	s2 =	sadd.s32 s3, s2  }
0x8d: {  	s2 =	sadd.s32 s2, s16  }
0x8e: {  	[smem:$0x3FC1] =	sst s2  }
0x8f: {  	_ = 	snop  }
0x90: {  	(tm) =	ssettm $0x1  }
0x91: {  	s17 =	sld [smem:$0x3FFB];
	_ =	sdelay $0x3  }
0x92: {  	_ =	strace s17  }
0x93: {  	s2 =	sld [smem:$0x3FFC];
	_ =	sdelay $0x3  }
0x94: {  	_ =	strace s2  }
0x95: {  	s2 =	sld [smem:$0x3FFD];
	_ =	sdelay $0x3  }
0x96: {  	_ =	strace s2  }
0x97: {  	_ =	strace $0x8FFFFFFF  }
0x98: {  	s18 =	sld [smem:$0x3FDB];
	_ =	sdelay $0x1  }
0x99: {  	s19 =	simm.s32 $_scs_section_size  }
0x9a: {  	s4 =	simm.s32 $_size__tile_overlayer_lowered;
	s5 =	simm.s32 $_tile_overlayer_lowered  }
0x9b: {  	s22 =	simm.s32 $0x1BFF;
	s21 =	sshll.u32 s5, $0x1;
	s2 =	sadd.s32 s19, s18  }
0x9c: {  	s6 =	simm.s32 $0x0;
	s20 =	sshll.u32 s4, $0x1;
	s4 =	sadd.s32 s21, s2  }
0x9d: {  	[timem:s6], [sflag:s22] =	dma.local [hbm:s4], s20  }
0x9e: {  	_ =	swait.ge [sflag:s22], s20  }
0x9f: {  	s3 =	ssub.s32 $0x0, s20;
	[sflag:s22] =	ssyncset.done $0x0  }
0xa0: {  	[sflag:s22] =	ssyncadd.s32 s3;
	_ =	sdelay $0x1  }
0xa1: {  	s23 =	simm.s32 $0x1B8B  }
0xa2: {  	_ =	swait.ge [sflag:s23], $0x1  }
0xa3: {  	[sflag:s23] =	ssyncset.done $0x0  }
0xa4: {  	s25 =	simm.s32 $0x1B8E;
	s24 =	sld [smem:$0x3FFE];
	[sflag:s23] =	ssyncadd.s32 $0xFFFFFFFF  }
0xa5: {  	s26 =	simm.s32 $execute0_lowered;
	[smem:$0x3FD2] =	sst s25  }
0xa6: {  	s4 =	sshll.u32 s26, $0x1;
	_ =	strace $0x8000004C;
	[dreg:$0x1] =	wrdreg $0xFFFFFFFF  }
0xa7: {  	s28 =	simm.s32 $_size_execute0_lowered;
	s2 =	sadd.s32 s2, s4;
	[dreg:$0x0] =	wrdreg $0x0  }
0xa8: {  	s4 =	sshll.u32 s28, $0x1;
	[dreg:$0x2] =	wrdreg s2  }
0xa9: {  	[dreg:$0x3] =	wrdreg s4  }
0xaa: {  	[dreg:$0x4] =	wrdreg $0xC0  }
0xab: {  	_ =	task [dreg:s6], $0x5FFFF  }
0xac: {  	[dreg:$0x1] =	wrdreg $0xFFFFFFFF  }
0xad: {  	[dreg:$0x0] =	wrdreg $0x60  }
0xae: {  	[dreg:$0x2] =	wrdreg s24  }
0xaf: {  	[dreg:$0x3] =	wrdreg $0xB8000  }
0xb0: {  	[dreg:$0x4] =	wrdreg $0x9  }
0xb1: {  	_ =	task.clear_ibuf [dreg:s6], $0x5FFFF;
	_ =	strace $0x9000004C  }
0xb2: {  	s29 =	simm.s32 $0x9;
	_ =	strace $0x8000004E  }
0xb3: {  	_ =	swait.ge [sflag:s29], $0x1  }
0xb4: {  	[sflag:s29] =	ssyncadd.s32 $0xFFFFFFFF  }
0xb5: {  	_ =	strace $0x9000004E  }
0xb6: {  	_ =	sfence  }
0xb7: {  	s30 =	sld [smem:$0x0];
	_ =	sdelay $0x2  }
0xb8: {  	s31 =	sshll.u32 s1, $0xD;
	s1 =	sshrl.u32 s1, $0x2  }
0xb9: {  	s3 =	sand.u32 $0x4000, s31;
	s1 =	sadd.s32 s1, s30  }
0xba: {  	s0 =	sor.u32 s3, s0;
	s1 =	sshll.u32 s1, $0x11  }
0xbb: {  	s0 =	sor.u32 s1, s0  }
0xbc: {  	s0 =	sadd.s32 $0x8F2B, s0  }
0xbd: {  	[sflag:s0] =	ssyncadd.remote.s32 $0x1  }
0xbe: {  	_ =	sfence.sel $0xFFFF  }
0xbf: {  	[dreg:$0x0] =	wrdreg $0xFFFFFFFF;
	(pc) =	sbr.abs _section_cstart, $3  }
0xc0: {  	[dreg:$0x1] =	wrdreg $0xFFFFFFFF  }
0xc1: {  	_ =	task.clear_ibuf [dreg:s6], $0x2FFFF;
	_ =	strace $0x9FFFFFFF  }
0xc2: {  	(tm) =	ssettm $0x7FFFFFFF  }
0xc3: {  	_ =	shalt  }
tec
execute0_lowered:
.L_overlay_start_1:
0x0: {  	(tag) =	ssettag $0x1  }
0x1: {  	s0 =	srdreg.scid;
	s8 =	rddreg [dreg:$0x0]  }
0x2: {  	s19 =	stileid.u32;
	s1 =	rddreg [dreg:$0x1];
	s2 =	simm.s32 $0x0  }
0x3: {  	s21 =	simm.s32 $0x80;
	s22 =	simm.s32 $0x3800;
	s23 =	simm.s32 $0x1  }
0x4: {  	s24 =	simm.s32 $0x7800;
	s12 =	sand.u32 $0x1, s0;
	s16 =	smul.u32 $0x4E, s19  }
0x5: {  	[smem:$0x7FF] =	sst s2;
	s17 =	sshll.u32 s19, $0x7;
	s18 =	smul.u32 $0x9C00, s19  }
0x6: {  	p0 =	sne.s32 s19, $0x0;
	s0 =	sshll.u32 s12, $0x4;
	s7 =	smul.u32 $0x27100, s12  }
0x7: {  	_ =	strace $0x8000004D;
	s9 =	ssub.s32 $0x2, s12;
	s11 =	smul.u32 $0x4E0, s12  }
0x8: {  	s26 =	smul.u32 $0x9C000, s12;
	s20 =	sor.u32 s19, s0;
	s10 =	sshrl.u32 s9, $0x1  }
0x9: {  	s19 =	simm.s32 $0x3;
	s3 =	smul.u32 $0x4E, s20;
	s13 =	sadd.s32 s7, s8  }
0xa: {  	s14 =	ssub.s32 s9, s10;
	s7 =	sadd.s32 $0xC400, s8;
	s10 =	sor.u32 $0x1800, s17  }
0xb: {  	s16 =	sadd.s32 s16, s11;
	s11 =	sadd.s32 $0x3400, s17;
	s17 =	sadd.s32 s18, s26  }
0xc: {  	p1 =	sgt.u32 s20, $0x3;
	s20 =	simm.s32 $0x1C00;
	s4 =	sadd.s32 $0x28, s3  }
0xd: {  	s26 =	simm.s32 $0x0;
	s16 =	sadd.s32 $0x28, s16;
	s3 =	sand.u32 $0x1FF8, s4  }
0xe: {  	s12 =	sadd.s32 $0x3D400, s13;
	s16 =	sand.u32 $0x1FF8, s16;
	s5 =	smin.u32 s3, $0x990  }
0xf: {  	s29 =	smin.u32 s16, $0x990;
	s3 =	sadd.s32 $0x16200, s8;
	s6 =	sshll.u32 s5, $0x4  }
0x10: {  	s15 =	ssub.s32 s4, s5;
	s4 =	sadd.s32 $0x8B600, s13;
	s13 =	smax.u32 s14, $0x1  }
0x11: {  	s6 =	sadd.s32 s6, s8;
	s8 =	sadd.s32 $0x16080, s8;
	s25 =	sshll.u32 s15, $0x9  }
0x12: {  	s28 =	sadd.s32 $0x24, s15;
	s15 =	sshll.u32 s29, $0x9;
	s5 =	sadd.s32 $0x2800, s6  }
0x13: {  	s6 =	sadd.s32 $0xC480, s6;
	s9 =	sshra.s32 s25, $0x2;
	s30 =	sshll.u32 s28, $0x9  }
0x14: {  	s31 =	sshll.u32 s28, $0x7;
	s17 =	ssub.s32 s17, s15;
	s16 =	sshra.s32 s30, $0x2  }
0x15: {  	s25 =	simm.s32 $0x2;
	s15 =	sadd.s32 $0x1C00, s16;
	s16 =	sshra.s32 s17, $0x2  }
0x16: {  	s14 =	sor.u32 $0x80, s31;
	s17 =	sadd.s32 $0x1C80, s31;
	s18 =	sadd.s32 $0x1C00, s16  }
.LBB2_1:
0x17: {  	s28 =	sshrl.u32 @!p0 s1, $0x3;
	s29 =	simm.s32 @!p0 $0x1C03  }
0x18: {  	[spmem:s28], [sflag:s29] =	dma.local @!p0 [hbm:s4], $0x27100  }
0x19: {  	s29 =	simm.s32 @!p0 $0x3  }
0x1a: {  	_ =	swait.ge @!p0 [sflag:s29], $0x27100  }
0x1b: {  	[sflag:s29] =	ssyncset.done @!p0 $0x0  }
0x1c: {  	[sflag:s29] =	ssyncadd.s32 @!p0 $0xFFFD8F00  }
0x1d: {  	[tilespmem:s2], [sflag:$0x3] =	stream.linear.gather [hbm4b:s5+s2], $0x1800, $0x38;
	[tilespmem:$0x1F080] =	vst v63  }
0x1e: {  	_ =	swait.ge [sflag:s19], $0x1800  }
0x1f: {  	[sflag:s19] =	ssyncset.done $0x0  }
0x20: {  	[sflag:s19] =	ssyncadd.s32 $0xFFFFE800  }
0x21: {  	[tilespmem:s20], [sflag:$0x3] =	stream.linear.gather [hbm4b:s6+s2], $0x1800, $0x38;
	[tilespmem:$0x1F080] =	vst v63  }
0x22: {  	_ =	swait.ge [sflag:s19], $0x1800  }
0x23: {  	[sflag:s19] =	ssyncset.done $0x0  }
0x24: {  	s30 =	simm.s32 @!p1 $0x1800;
	s29 =	simm.s32 @!p1 $0x0;
	[sflag:s19] =	ssyncadd.s32 $0xFFFFE800  }
0x25: {  	[tilespmem:s30], [sflag:$0x3] =	stream.linear.gather @!p1 [hbm4b:s7+s29], $0x200, $0x38;
	[tilespmem:$0x1F080] =	vst v63  }
0x26: {  	s30 =	simm.s32 @!p1 $0x3  }
0x27: {  	_ =	swait.ge @!p1 [sflag:s30], $0x200  }
0x28: {  	[sflag:s30] =	ssyncset.done @!p1 $0x0  }
0x29: {  	s31 =	simm.s32 @!p1 $0x3400;
	[sflag:s30] =	ssyncadd.s32 @!p1 $0xFFFFFE00  }
0x2a: {  	[tilespmem:s31], [sflag:$0x3] =	stream.linear.gather @!p1 [hbm4b:s8+s29], $0x200, $0x38;
	[tilespmem:$0x1F080] =	vst v63  }
0x2b: {  	_ =	swait.ge @!p1 [sflag:s30], $0x200  }
0x2c: {  	[sflag:s30] =	ssyncset.done @!p1 $0x0  }
0x2d: {  	[sflag:s30] =	ssyncadd.s32 @!p1 $0xFFFFFE00  }
0x2e: {  	[bflag:$0x0] =	sbarrier.arrive $0xFFFF  }
0x2f: {  	[tilespmem:s22], [sflag:$0x1] =	stream.indirect.gather [hbm4b:s3+s21], $0x80, s9, s21, $0xb8;
	[tilespmem:$0x1F080] =	vst v63  }
0x30: {  	_ =	swait.ge [sflag:s23], $0x4000  }
0x31: {  	s29 =	sadd.s32 $0x0, s16;
	[sflag:s23] =	ssyncset.done $0x0  }
0x32: {  	s0 =	sadd.s32 $0x1480, s29;
	s30 =	sadd.s32 $0x0, s18;
	[sflag:s23] =	ssyncadd.s32 $0xFFFFC000  }
0x33: {  	[tilespmem:s24], [sflag:$0x2] =	stream.indirect.gather [hbm4b:s3+s21], $0x80, s0, s21, $0xb8;
	[tilespmem:$0x1F080] =	vst v63  }
0x34: {  	s0 =	sadd.s32 $0x1400, s30  }
0x35: {  	[spmem:s1] =	stream.indirect.scatter.add.f32 [tilespmem:s22], [sflag:$0x3], $0x80, s0, s21, $0xb8;
	[tilespmem:$0x1F080] =	vst v63  }
0x36: {  	_ =	swait.ge [sflag:s19], $0x4000  }
0x37: {  	[sflag:s19] =	ssyncset.done $0x0  }
0x38: {  	[sflag:s19] =	ssyncadd.s32 $0xFFFFC000  }
0x39: {  	_ =	swait.ge [sflag:s25], $0x4000  }
0x3a: {  	[sflag:s25] =	ssyncset.done $0x0  }
0x3b: {  	s29 =	sadd.s32 $0x1500, s29;
	[sflag:s25] =	ssyncadd.s32 $0xFFFFC000  }
0x3c: {  	[tilespmem:s22], [sflag:$0x1] =	stream.indirect.gather [hbm4b:s3+s21], $0x80, s29, s21, $0xb8;
	[tilespmem:$0x1F080] =	vst v63  }
0x3d: {  	s29 =	sadd.s32 $0x1480, s30  }
0x3e: {  	[spmem:s1] =	stream.indirect.scatter.add.f32 [tilespmem:s24], [sflag:$0x3], $0x80, s29, s21, $0xb8;
	[tilespmem:$0x1F080] =	vst v63  }
0x3f: {  	_ =	swait.ge [sflag:s19], $0x4000  }
0x40: {  	s29 =	simm.s32 $0x400;
	[sflag:s19] =	ssyncset.done $0x0  }
.LBB2_2:
0x41: {  	p2 =	sne.s32 s29, $0x4400  }
0x42: {  	[sflag:s19] =	ssyncadd.s32 $0xFFFFC000;
	s30 =	smov.u32 s29;
	s29 =	sadd.s32 $0x400, s29  }
0x43: {  	_ =	swait.ge [sflag:s23], $0x4000  }
0x44: {  	s30 =	sshra.s32 s30, $0x2  }
0x45: {  	s31 =	sadd.s32 s30, s16;
	s30 =	sadd.s32 s30, s18;
	[sflag:s23] =	ssyncset.done $0x0  }
0x46: {  	s0 =	sadd.s32 $0x1480, s31;
	[sflag:s23] =	ssyncadd.s32 $0xFFFFC000  }
0x47: {  	[tilespmem:s24], [sflag:$0x2] =	stream.indirect.gather [hbm4b:s3+s21], $0x80, s0, s21, $0xb8;
	[tilespmem:$0x1F080] =	vst v63  }
0x48: {  	s0 =	sadd.s32 $0x1400, s30  }
0x49: {  	[spmem:s1] =	stream.indirect.scatter.add.f32 [tilespmem:s22], [sflag:$0x3], $0x80, s0, s21, $0xb8;
	[tilespmem:$0x1F080] =	vst v63  }
0x4a: {  	_ =	swait.ge [sflag:s19], $0x4000  }
0x4b: {  	[sflag:s19] =	ssyncset.done $0x0  }
0x4c: {  	[sflag:s19] =	ssyncadd.s32 $0xFFFFC000  }
0x4d: {  	_ =	swait.ge [sflag:s25], $0x4000  }
0x4e: {  	[sflag:s25] =	ssyncset.done $0x0  }
0x4f: {  	s0 =	sadd.s32 $0x1500, s31;
	[sflag:s25] =	ssyncadd.s32 $0xFFFFC000  }
0x50: {  	[tilespmem:s22], [sflag:$0x1] =	stream.indirect.gather [hbm4b:s3+s21], $0x80, s0, s21, $0xb8;
	[tilespmem:$0x1F080] =	vst v63  }
.Ltmp0:
0x51: {  	_ = 	snop;
	(pc) =	sbr.rel @p2 .LBB2_2-.Ltmp0, $4  }
0x52: {  	s0 =	sadd.s32 $0x1480, s30  }
0x53: {  	[spmem:s1] =	stream.indirect.scatter.add.f32 [tilespmem:s24], [sflag:$0x3], $0x80, s0, s21, $0xb8;
	[tilespmem:$0x1F080] =	vst v63  }
0x54: {  	_ =	swait.ge [sflag:s19], $0x4000  }
0x55: {  	[sflag:s19] =	ssyncset.done $0x0  }
0x56: {  	[sflag:s19] =	ssyncadd.s32 $0xFFFFC000  }
0x57: {  	_ =	swait.ge [sflag:s23], $0x4000  }
0x58: {  	[sflag:s23] =	ssyncset.done $0x0  }
0x59: {  	[sflag:s23] =	ssyncadd.s32 $0xFFFFC000  }
0x5a: {  	[tilespmem:s24], [sflag:$0x2] =	stream.indirect.gather [hbm4b:s3+s21], $0x80, s14, s21, $0xb8;
	[tilespmem:$0x1F080] =	vst v63  }
0x5b: {  	_ = 	snop  }
0x5c: {  	[spmem:s1] =	stream.indirect.scatter.add.f32 [tilespmem:s22], [sflag:$0x3], $0x80, s15, s21, $0xb8;
	[tilespmem:$0x1F080] =	vst v63  }
0x5d: {  	_ =	swait.ge [sflag:s19], $0x4000  }
0x5e: {  	[sflag:s19] =	ssyncset.done $0x0  }
0x5f: {  	[sflag:s19] =	ssyncadd.s32 $0xFFFFC000  }
0x60: {  	_ =	swait.ge [sflag:s25], $0x4000  }
0x61: {  	[sflag:s25] =	ssyncset.done $0x0  }
0x62: {  	[sflag:s25] =	ssyncadd.s32 $0xFFFFC000  }
0x63: {  	[spmem:s1] =	stream.indirect.scatter.add.f32 [tilespmem:s24], [sflag:$0x3], $0x80, s17, s21, $0xb8;
	[tilespmem:$0x1F080] =	vst v63  }
0x64: {  	_ =	swait.ge [sflag:s19], $0x4000  }
0x65: {  	s0 =	simm.s32 @!p1 $0x80;
	[sflag:s19] =	ssyncset.done $0x0  }
0x66: {  	s29 =	simm.s32 @!p1 $0x3800;
	s30 =	simm.s32 @!p1 $0x3;
	[sflag:s19] =	ssyncadd.s32 $0xFFFFC000  }
0x67: {  	[tilespmem:s29], [sflag:$0x3] =	stream.indirect.gather @!p1 [hbm4b:s3+s0], $0x80, s10, s0, $0xb8;
	[tilespmem:$0x1F080] =	vst v63  }
0x68: {  	_ =	swait.ge @!p1 [sflag:s30], $0x4000  }
0x69: {  	[sflag:s30] =	ssyncset.done @!p1 $0x0  }
0x6a: {  	[sflag:s30] =	ssyncadd.s32 @!p1 $0xFFFFC000  }
0x6b: {  	[spmem:s1] =	stream.indirect.scatter.add.f32 @!p1 [tilespmem:s29], [sflag:$0x3], $0x80, s11, s0, $0xb8;
	[tilespmem:$0x1F080] =	vst v63  }
0x6c: {  	_ =	swait.ge @!p1 [sflag:s30], $0x4000  }
0x6d: {  	[sflag:s30] =	ssyncset.done @!p1 $0x0  }
0x6e: {  	s26 =	sadd.s32 $0x1, s26;
	[sflag:s30] =	ssyncadd.s32 @!p1 $0xFFFFC000  }
0x6f: {  	p2 =	sne.s32 s26, s13;
	s0 =	simm.s32 @!p0 $0x1C03;
	[bflag:$0x0] =	sbarrier.arrive $0xFFFF  }
0x70: {  	[hbm:s12], [sflag:s0] =	dma.local @!p0 [spmem:s28], $0x27100  }
.Ltmp1:
0x71: {  	_ = 	snop;
	(pc) =	sbr.rel @p2 .LBB2_1-.Ltmp1, $4  }
0x72: {  	s0 =	simm.s32 @!p0 $0x3  }
0x73: {  	_ =	swait.ge @!p0 [sflag:s0], $0x27100  }
0x74: {  	[sflag:s0] =	ssyncset.done @!p0 $0x0  }
0x75: {  	[sflag:s0] =	ssyncadd.s32 @!p0 $0xFFFD8F00  }
0x76: {  	_ =	sfence.sel $0x180000  }
0x77: {  	[bflag:$0x0] =	sbarrier.arrive $0xFFFF  }
0x78: {  	_ =	strace $0x9000004D  }
0x79: {  	[bflag:$0x2] =	sbarrier.arrive $0xFFFF  }
0x7a: {  	s0 =	rddreg [dreg:$0x2]  }
0x7b: {  	s0 =	sadd.s32 @!p0 $0x100000, s0  }
0x7c: {  	[sflag:s0] =	ssyncadd.tile.s32 @!p0 $0x1;
	_ =	shalt  }
.Lfunc_end2:
_tile_overlayer_lowered:
.L_overlay_start_2:
0x7d: {  	(tag) =	ssettag $0x2  }
0x7e: {  	s0 =	rddreg [dreg:$0x0];
	s2 =	stileid.u32  }
0x7f: {  	s1 =	rddreg [dreg:$0x1];
	p0 =	sne.s32 s2, $0x0  }
0x80: {  	s3 =	rddreg [dreg:$0x2];
	[bflag:$0x3] =	sbarrier.arrive $0xFFFF;
	s2 =	simm.s32 @!p0 $0x1C03  }
0x81: {  	[timem:s3], [sflag:s2] =	dma.local @!p0 [hbm:s0], s1  }
0x82: {  	s0 =	simm.s32 @!p0 $0x3  }
0x83: {  	_ =	swait.ge @!p0 [sflag:s0], s1  }
0x84: {  	s1 =	ssub.s32 @!p0 $0x0, s1;
	[sflag:s0] =	ssyncset.done @!p0 $0x0  }
0x85: {  	[sflag:s0] =	ssyncadd.s32 @!p0 s1  }
0x86: {  	[bflag:$0x3] =	sbarrier.arrive $0xFFFF  }
0x87: {  	_ =	shalt  }

// kernel: kernel.19.cloned.1.call-start
scs
__scs_entry_jumppad:
0x0: {  	(pc) =	sbr.rel $0x88, $3  }
0x1: {  	(tag) =	ssettag $0x0;
	lr =	simm.s32 $0x1  }
0x2: {  	[smem:$0x3F9A] =	sst lr;
	_ =	strace $0xD0000000  }
0x3: {  	_ = 	snop  }
0x4: {  	_ = 	snop  }
0x5: {  	_ = 	snop  }
0x6: {  	_ = 	snop  }
0x7: {  	_ = 	snop  }
__scs_overlays_trampoline_lowered:
0x8: {  	[smem:$0x3FA9] =	sst s0  }
0x9: {  	[smem:$0x3FAA] =	sst s1  }
0xa: {  	[smem:$0x3FAB] =	sst s2  }
0xb: {  	[smem:$0x3FAC] =	sst s3  }
0xc: {  	[smem:$0x3FAD] =	sst s4  }
0xd: {  	[smem:$0x3FAE] =	sst s5  }
0xe: {  	[smem:$0x3FAF] =	sst s6  }
0xf: {  	[smem:$0x3FB0] =	sst s7  }
0x10: {  	[smem:$0x3FB1] =	sst s8  }
0x11: {  	[smem:$0x3FB2] =	sst s9;
	s0 =	simm.s32 @!p0 $0x0  }
0x12: {  	s1 =	sld [smem:$0x3F98];
	s0 =	simm.s32 @p0 $0x1  }
0x13: {  	[smem:$0x3FB3] =	sst s0;
	s0 =	simm.s32 @!p1 $0x0  }
0x14: {  	s2 =	sld [smem:$0x3F97];
	s0 =	simm.s32 @p1 $0x1  }
0x15: {  	[smem:$0x3FB4] =	sst s0;
	s0 =	simm.s32 @!p2 $0x0  }
0x16: {  	s3 =	sld [smem:$0x3FDB];
	s0 =	simm.s32 @p2 $0x1  }
0x17: {  	s4 =	simm.s32 $0x1BF5;
	[smem:$0x3FB6] =	sst s0  }
0x18: {  	s0 =	sld [smem:$0x3F99];
	_ =	swait.ge [sflag:s4], $0x0  }
0x19: {  	s7 =	sld [smem:$0x3F9A]  }
0x1a: {  	s8 =	sadd.s32 $0xFFFFE003, lr  }
0x1b: {  	s9 =	sadd.s32 $0xFFFFFEF7, lr;
	s5 =	simm.s32 $0xFFFFFFFF;
	p2 =	slt.u32 s8, $0xFFFFF086  }
0x1c: {  	p1 =	slt.u32 s9, $0xF7A;
	s5 =	simm.s32 @!p2 $0x0  }
0x1d: {  	s5 =	simm.s32 @p1 $0x1;
	p0 =	seq.s32 s7, s2  }
0x1e: {  	s7 =	smul.u32 @!p0 $0xF7A, s2;
	p2 =	seq.s32 @!p0 s5, $0x0  }
0x1f: {  	s9 =	smul.u32 $0xF7A, s1;
	s8 =	simm.s32 @!p0 $0x1BF5;
	p2 =	por !p2, p0  }
0x20: {  	[sflag:s8] =	ssyncset.s32 @!p0 $0xFFFFF086;
	s6 =	sadd.s32 @!p0 s3, s7;
	s7 =	simm.s32 @!p0 $0x108  }
0x21: {  	s3 =	sadd.s32 s3, s9;
	s6 =	sadd.s32 @!p0 $0x88, s6;
	s7 =	simm.s32 @p2 $0x1082  }
0x22: {  	[simem:s7], [sflag:s8] =	dma.local @!p0 [hbm:s6], $0xF7A  }
0x23: {  	s9 =	sor.u32 $0xD0000000, s2;
	s6 =	simm.s32 $0x108;
	_ =	swait.ge @!p0 [sflag:s8], $0x0  }
0x24: {  	s3 =	sadd.s32 $0x88, s3;
	s6 =	simm.s32 @!p1 $0x1082;
	[sflag:s4] =	ssyncset.s32 $0xFFFFF086  }
0x25: {  	[simem:s6], [sflag:s4] =	dma.local [hbm:s3], $0xF7A  }
0x26: {  	[smem:$0x3F9A] =	sst s1;
	(tag) =	ssettag s2;
	_ =	strace s9  }
0x27: {  	s1 =	sld [smem:$0x3FAA]  }
0x28: {  	s2 =	sld [smem:$0x3FAB]  }
0x29: {  	s4 =	sld [smem:$0x3FAD]  }
0x2a: {  	p0 =	seq.s32 s5, $0x0;
	s5 =	sld [smem:$0x3FAE]  }
0x2b: {  	s6 =	sld [smem:$0x3FAF]  }
0x2c: {  	s7 =	sld [smem:$0x3FB0]  }
0x2d: {  	s3 =	simm.s32 $0x108;
	s8 =	sld [smem:$0x3FB1]  }
0x2e: {  	s3 =	simm.s32 @!p0 $0x1082;
	s9 =	sld [smem:$0x3FB2]  }
0x2f: {  	lr =	sadd.s32 s0, s3;
	s0 =	sld [smem:$0x3FA9]  }
0x30: {  	s3 =	sld [smem:$0x3FAC]  }
0x31: {  	[smem:$0x3FB5] =	sst s10  }
0x32: {  	s10 =	sld [smem:$0x3FB3];
	_ =	sdelay $0x3  }
0x33: {  	p0 =	seq.s32 s10, $0x1;
	s10 =	sld [smem:$0x3FB5];
	_ =	sdelay $0x3  }
0x34: {  	[smem:$0x3FB5] =	sst s10  }
0x35: {  	s10 =	sld [smem:$0x3FB4];
	_ =	sdelay $0x3  }
0x36: {  	p1 =	seq.s32 s10, $0x1;
	s10 =	sld [smem:$0x3FB5];
	_ =	sdelay $0x3  }
0x37: {  	[smem:$0x3FB5] =	sst s10  }
0x38: {  	s10 =	sld [smem:$0x3FB6]  }
0x39: {  	_ = 	snop;
	(pc) =	sbr.ind lr, $3  }
0x3a: {  	_ = 	snop  }
0x3b: {  	_ = 	snop  }
0x3c: {  	p2 =	seq.s32 s10, $0x1;
	s10 =	sld [smem:$0x3FB5]  }
0x3d: {  	_ =	shalt  }
0x3e: {  	_ =	shalt  }
0x3f: {  	_ =	shalt  }
0x40: {  	_ =	shalt  }
0x41: {  	_ =	shalt  }
0x42: {  	_ =	shalt  }
0x43: {  	_ =	shalt  }
0x44: {  	_ =	shalt  }
0x45: {  	_ =	shalt  }
0x46: {  	_ =	shalt  }
0x47: {  	_ =	shalt  }
0x48: {  	_ =	shalt  }
0x49: {  	_ =	shalt  }
0x4a: {  	_ =	shalt  }
0x4b: {  	_ =	shalt  }
0x4c: {  	_ =	shalt  }
0x4d: {  	_ =	shalt  }
0x4e: {  	_ =	shalt  }
0x4f: {  	_ =	shalt  }
0x50: {  	_ =	shalt  }
0x51: {  	_ =	shalt  }
0x52: {  	_ =	shalt  }
0x53: {  	_ =	shalt  }
0x54: {  	_ =	shalt  }
0x55: {  	_ =	shalt  }
0x56: {  	_ =	shalt  }
0x57: {  	_ =	shalt  }
0x58: {  	_ =	shalt  }
0x59: {  	_ =	shalt  }
0x5a: {  	_ =	shalt  }
0x5b: {  	_ =	shalt  }
0x5c: {  	_ =	shalt  }
0x5d: {  	_ =	shalt  }
0x5e: {  	_ =	shalt  }
0x5f: {  	_ =	shalt  }
0x60: {  	_ =	shalt  }
0x61: {  	_ =	shalt  }
0x62: {  	_ =	shalt  }
0x63: {  	_ =	shalt  }
0x64: {  	_ =	shalt  }
0x65: {  	_ =	shalt  }
0x66: {  	_ =	shalt  }
0x67: {  	_ =	shalt  }
0x68: {  	_ =	shalt  }
0x69: {  	_ =	shalt  }
0x6a: {  	_ =	shalt  }
0x6b: {  	_ =	shalt  }
0x6c: {  	_ =	shalt  }
0x6d: {  	_ =	shalt  }
0x6e: {  	_ =	shalt  }
0x6f: {  	_ =	shalt  }
0x70: {  	_ =	shalt  }
0x71: {  	_ =	shalt  }
0x72: {  	_ =	shalt  }
0x73: {  	_ =	shalt  }
0x74: {  	_ =	shalt  }
0x75: {  	_ =	shalt  }
0x76: {  	_ =	shalt  }
0x77: {  	_ =	shalt  }
0x78: {  	_ =	shalt  }
0x79: {  	_ =	shalt  }
0x7a: {  	_ =	shalt  }
0x7b: {  	_ =	shalt  }
0x7c: {  	_ =	shalt  }
0x7d: {  	_ =	shalt  }
0x7e: {  	_ =	shalt  }
0x7f: {  	_ =	shalt  }
0x80: {  	_ =	shalt  }
0x81: {  	_ =	shalt  }
0x82: {  	_ =	shalt  }
0x83: {  	_ =	shalt  }
0x84: {  	_ =	shalt  }
0x85: {  	_ =	shalt  }
0x86: {  	_ =	shalt  }
0x87: {  	_ =	shalt  }
.Lfunc_end0:
.L_simem_size_0:
called_computation.3_lowered:
.L_overlay_start_0:
0x88: {  	s2 =	sld [smem:$0x3FD9]  }
0x89: {  	s3 =	sld [smem:$0x3FFE];
	_ =	sdelay $0x1  }
0x8a: {  	s1 =	srdreg.scid  }
0x8b: {  	s0 =	sand.u32 $0x1, s1  }
0x8c: {  	s17 =	sshll.u32 s0, $0xA;
	s2 =	sadd.s32 s3, s2  }
0x8d: {  	s2 =	sadd.s32 s2, s17  }
0x8e: {  	[smem:$0x3FC1] =	sst s2  }
0x8f: {  	_ = 	snop  }
0x90: {  	s2 =	sld [smem:$0x3FD0];
	(tm) =	ssettm $0x1  }
0x91: {  	s18 =	sld [smem:$0x3FFB];
	_ =	sdelay $0x3  }
0x92: {  	_ =	strace s18  }
0x93: {  	s3 =	sld [smem:$0x3FFC];
	_ =	sdelay $0x3  }
0x94: {  	_ =	strace s3  }
0x95: {  	s3 =	sld [smem:$0x3FFD];
	_ =	sdelay $0x3  }
0x96: {  	_ =	strace s3  }
0x97: {  	_ =	strace $0x8FFFFFFF  }
0x98: {  	s19 =	sld [smem:$0x3FDB];
	_ =	sdelay $0x1  }
0x99: {  	s4 =	simm.s32 $_scs_section_size  }
0x9a: {  	s5 =	simm.s32 $_size__tile_overlayer_lowered;
	s6 =	simm.s32 $_tile_overlayer_lowered  }
0x9b: {  	s22 =	simm.s32 $0x1BFF;
	s21 =	sshll.u32 s6, $0x1;
	s3 =	sadd.s32 s4, s19  }
0x9c: {  	s7 =	simm.s32 $0x0;
	s20 =	sshll.u32 s5, $0x1;
	s5 =	sadd.s32 s21, s3  }
0x9d: {  	[timem:s7], [sflag:s22] =	dma.local [hbm:s5], s20  }
0x9e: {  	_ =	swait.ge [sflag:s22], s20  }
0x9f: {  	s4 =	ssub.s32 $0x0, s20;
	[sflag:s22] =	ssyncset.done $0x0  }
0xa0: {  	[sflag:s22] =	ssyncadd.s32 s4;
	_ =	sdelay $0x1  }
0xa1: {  	s23 =	simm.s32 $0x1B8B  }
0xa2: {  	_ =	swait.ge [sflag:s23], $0x1  }
0xa3: {  	[sflag:s23] =	ssyncset.done $0x0  }
0xa4: {  	s25 =	simm.s32 $0x1B8E;
	s24 =	sld [smem:$0x3FFE];
	[sflag:s23] =	ssyncadd.s32 $0xFFFFFFFF  }
0xa5: {  	s26 =	simm.s32 $execute0_lowered;
	[smem:$0x3FD2] =	sst s25  }
0xa6: {  	s5 =	sshll.u32 s26, $0x1;
	_ =	strace $0x8000004F;
	[dreg:$0x1] =	wrdreg $0xFFFFFFFF  }
0xa7: {  	s28 =	simm.s32 $_size_execute0_lowered;
	s3 =	sadd.s32 s3, s5;
	[dreg:$0x0] =	wrdreg $0x0  }
0xa8: {  	s5 =	sshll.u32 s28, $0x1;
	[dreg:$0x2] =	wrdreg s3  }
0xa9: {  	[dreg:$0x3] =	wrdreg s5  }
0xaa: {  	[dreg:$0x4] =	wrdreg $0xC0  }
0xab: {  	_ =	task [dreg:s7], $0x5FFFF  }
0xac: {  	[dreg:$0x1] =	wrdreg $0xFFFFFFFF  }
0xad: {  	[dreg:$0x0] =	wrdreg $0x60  }
0xae: {  	[dreg:$0x2] =	wrdreg s24  }
0xaf: {  	[dreg:$0x3] =	wrdreg s2  }
0xb0: {  	[dreg:$0x4] =	wrdreg $0x84000  }
0xb1: {  	[dreg:$0x5] =	wrdreg $0x9  }
0xb2: {  	_ =	task.clear_ibuf [dreg:s7], $0x6FFFF;
	_ =	strace $0x9000004F  }
0xb3: {  	s29 =	simm.s32 $0x9;
	_ =	strace $0x80000051  }
0xb4: {  	_ =	swait.ge [sflag:s29], $0x1  }
0xb5: {  	[sflag:s29] =	ssyncadd.s32 $0xFFFFFFFF  }
0xb6: {  	_ =	strace $0x90000051  }
0xb7: {  	_ =	sfence  }
0xb8: {  	s30 =	sld [smem:$0x0];
	_ =	sdelay $0x2  }
0xb9: {  	s31 =	sshll.u32 s1, $0xD;
	s1 =	sshrl.u32 s1, $0x2  }
0xba: {  	s3 =	sand.u32 $0x4000, s31;
	s1 =	sadd.s32 s1, s30  }
0xbb: {  	s0 =	sor.u32 s3, s0;
	s1 =	sshll.u32 s1, $0x11  }
0xbc: {  	s0 =	sor.u32 s1, s0  }
0xbd: {  	s0 =	sadd.s32 $0x8F2B, s0  }
0xbe: {  	[sflag:s0] =	ssyncadd.remote.s32 $0x1  }
0xbf: {  	_ =	sfence.sel $0xFFFF  }
0xc0: {  	[dreg:$0x0] =	wrdreg $0xFFFFFFFF;
	(pc) =	sbr.abs _section_cstart, $3  }
0xc1: {  	[dreg:$0x1] =	wrdreg $0xFFFFFFFF  }
0xc2: {  	_ =	task.clear_ibuf [dreg:s7], $0x2FFFF;
	_ =	strace $0x9FFFFFFF  }
0xc3: {  	(tm) =	ssettm $0x7FFFFFFF  }
tec
execute0_lowered:
.L_overlay_start_1:
0x0: {  	(tag) =	ssettag $0x1  }
0x1: {  	s24 =	rddreg [dreg:$0x0]  }
0x2: {  	s11 =	rddreg [dreg:$0x1]  }
0x3: {  	s2 =	rddreg [dreg:$0x2]  }
0x4: {  	s1 =	stileid.u32;
	s3 =	simm.s32 $0x0;
	s0 =	srdreg.scid  }
0x5: {  	s4 =	smul.u32 $0x2800, s1;
	[smem:$0x7FF] =	sst s3;
	s0 =	sand.u32 $0x1, s0  }
0x6: {  	s6 =	sshll.u32 s1, $0x9;
	s23 =	sadd.s32 $0x28000, s24;
	s7 =	smul.u32 $0x50000, s1  }
0x7: {  	p0 =	seq.s32 s1, $0xF;
	s5 =	sshll.u32 s0, $0xD;
	_ =	strace $0x80000050  }
0x8: {  	[dreg:$0x5] =	wrdreg s23;
	s4 =	sadd.s32 s4, s24;
	s15 =	sor.u32 s6, s5  }
0x9: {  	s8 =	rddreg [dreg:$0x5];
	s5 =	sadd.s32 $0x12C000, s2;
	s12 =	sshrl.u32 s15, $0x3  }
0xa: {  	s6 =	simm.s32 @p0 $0x3;
	s4 =	sadd.s32 $0x2800, s4;
	s25 =	sadd.s32 s12, s24  }
0xb: {  	s7 =	sshrl.u32 s7, $0x2;
	[dreg:$0x4] =	wrdreg s4;
	s26 =	sadd.s32 $0xD9800, s25  }
0xc: {  	s4 =	sshrl.u32 @p0 s5, $0x3;
	s5 =	simm.s32 @p0 $0x1FC3;
	[dreg:$0x6] =	wrdreg s26  }
0xd: {  	[spmem:s4], [sflag:s5] =	dma.local @p0 [hbm:s8], $0x1900  }
0xe: {  	s9 =	sadd.s32 s7, s2;
	s8 =	sshll.u32 @!p0 s1, $0x6;
	_ =	swait.ge @p0 [sflag:s6], $0x1900  }
0xf: {  	s7 =	sor.u32 @!p0 $0x1C03, s8;
	s8 =	sshrl.u32 @!p0 s9, $0x3;
	[sflag:s6] =	ssyncset.done @p0 $0x0  }
0x10: {  	s9 =	simm.s32 @!p0 $0x3;
	s10 =	rddreg [dreg:$0x4];
	[sflag:s6] =	ssyncadd.s32 @p0 $0xFFFFE700  }
0x11: {  	[spmem:s8], [sflag:s7] =	dma.local @!p0 [hbm:s10], $0x2800  }
0x12: {  	_ =	swait.ge @!p0 [sflag:s9], $0x2800  }
0x13: {  	[sflag:s9] =	ssyncset.done @!p0 $0x0  }
0x14: {  	s10 =	simm.s32 $0x3;
	s13 =	rddreg [dreg:$0x6];
	[sflag:s9] =	ssyncadd.s32 @!p0 $0xFFFFD800  }
0x15: {  	[tilespmem:s3], [sflag:$0x3] =	stream.linear.gather [hbm4b:s13+s3], $0x200, $0x38;
	[tilespmem:$0x1BC80] =	vst v63  }
0x16: {  	_ =	swait.ge [sflag:s10], $0x200  }
0x17: {  	[sflag:s10] =	ssyncset.done $0x0  }
0x18: {  	s11 =	sadd.s32 s11, s12;
	s12 =	simm.s32 $0x200;
	[sflag:s10] =	ssyncadd.s32 $0xFFFFFE00  }
0x19: {  	[tilespmem:s12], [sflag:$0x3] =	stream.linear.gather [hbm4b:s11+s3], $0x200, $0x38;
	[tilespmem:$0x1BC80] =	vst v63  }
0x1a: {  	_ =	swait.ge [sflag:s10], $0x200  }
0x1b: {  	[sflag:s10] =	ssyncset.done $0x0  }
0x1c: {  	[sflag:s10] =	ssyncadd.s32 $0xFFFFFE00  }
0x1d: {  	s14 =	simm.s32 $0x400;
	s13 =	simm.s32 $0x80;
	[bflag:$0x0] =	sbarrier.arrive $0xFFFF  }
0x1e: {  	[tilespmem:s14], [sflag:$0x3] =	stream.indirect.gather [spmem:s2], $0x80, s3, s13, $0xb8;
	[tilespmem:$0x1BC80] =	vst v63  }
0x1f: {  	_ =	swait.ge [sflag:s10], $0x4000  }
0x20: {  	s23 =	sadd.s32 $0x29A00, s24;
	s25 =	sshll.u32 s15, $0x4;
	[sflag:s10] =	ssyncset.done $0x0  }
0x21: {  	s15 =	sadd.s32 s23, s25;
	[sflag:s10] =	ssyncadd.s32 $0xFFFFC000  }
0x22: {  	[hbm4b:s15+s3] =	stream.linear.scatter [tilespmem:s14], [sflag:$0x1], $0x4000, $0x38;
	[tilespmem:$0x1BC80] =	vst v63  }
0x23: {  	s16 =	simm.s32 $0x4400  }
0x24: {  	[tilespmem:s16], [sflag:$0x3] =	stream.indirect.gather [spmem:s2], $0x80, s13, s13, $0xb8;
	[tilespmem:$0x1BC80] =	vst v63  }
0x25: {  	_ =	swait.ge [sflag:s10], $0x4000  }
0x26: {  	s26 =	sor.u32 $0x800, s25;
	[sflag:s10] =	ssyncset.done $0x0  }
0x27: {  	s18 =	simm.s32 $0x1;
	s17 =	sadd.s32 s23, s26;
	[sflag:s10] =	ssyncadd.s32 $0xFFFFC000  }
0x28: {  	[hbm4b:s17+s3] =	stream.linear.scatter [tilespmem:s16], [sflag:$0x2], $0x4000, $0x38;
	[tilespmem:$0x1BC80] =	vst v63  }
0x29: {  	_ =	swait.ge [sflag:s18], $0x4000  }
0x2a: {  	[sflag:s18] =	ssyncset.done $0x0  }
0x2b: {  	s19 =	simm.s32 $0x100;
	[sflag:s18] =	ssyncadd.s32 $0xFFFFC000  }
0x2c: {  	[tilespmem:s14], [sflag:$0x3] =	stream.indirect.gather [spmem:s2], $0x80, s19, s13, $0xb8;
	[tilespmem:$0x1BC80] =	vst v63  }
0x2d: {  	_ =	swait.ge [sflag:s10], $0x4000  }
0x2e: {  	s29 =	sor.u32 $0x1000, s25;
	[sflag:s10] =	ssyncset.done $0x0  }
0x2f: {  	s21 =	simm.s32 $0x2;
	s20 =	sadd.s32 s23, s29;
	[sflag:s10] =	ssyncadd.s32 $0xFFFFC000  }
0x30: {  	[hbm4b:s20+s3] =	stream.linear.scatter [tilespmem:s14], [sflag:$0x1], $0x4000, $0x38;
	[tilespmem:$0x1BC80] =	vst v63  }
0x31: {  	_ =	swait.ge [sflag:s21], $0x4000  }
0x32: {  	[sflag:s21] =	ssyncset.done $0x0  }
0x33: {  	s22 =	simm.s32 $0x180;
	[sflag:s21] =	ssyncadd.s32 $0xFFFFC000  }
0x34: {  	[tilespmem:s16], [sflag:$0x3] =	stream.indirect.gather [spmem:s2], $0x80, s22, s13, $0xb8;
	[tilespmem:$0x1BC80] =	vst v63  }
0x35: {  	_ =	swait.ge [sflag:s10], $0x4000  }
0x36: {  	s31 =	sor.u32 $0x1800, s25;
	[sflag:s10] =	ssyncset.done $0x0  }
0x37: {  	s23 =	sadd.s32 s23, s31;
	[sflag:s10] =	ssyncadd.s32 $0xFFFFC000  }
0x38: {  	[hbm4b:s23+s3] =	stream.linear.scatter [tilespmem:s16], [sflag:$0x2], $0x4000, $0x38;
	[tilespmem:$0x1BC80] =	vst v63  }
0x39: {  	_ =	swait.ge [sflag:s18], $0x4000  }
0x3a: {  	[sflag:s18] =	ssyncset.done $0x0  }
0x3b: {  	[sflag:s18] =	ssyncadd.s32 $0xFFFFC000  }
0x3c: {  	[tilespmem:s14], [sflag:$0x3] =	stream.indirect.gather [spmem:s2], $0x80, s12, s13, $0xb8;
	[tilespmem:$0x1BC80] =	vst v63  }
0x3d: {  	_ =	swait.ge [sflag:s10], $0x4000  }
0x3e: {  	s1 =	sadd.s32 $0x69A00, s24;
	[sflag:s10] =	ssyncset.done $0x0  }
0x3f: {  	s24 =	sadd.s32 s1, s25;
	[sflag:s10] =	ssyncadd.s32 $0xFFFFC000  }
0x40: {  	[hbm4b:s24+s3] =	stream.linear.scatter [tilespmem:s14], [sflag:$0x1], $0x4000, $0x38;
	[tilespmem:$0x1BC80] =	vst v63  }
0x41: {  	_ =	swait.ge [sflag:s21], $0x4000  }
0x42: {  	[sflag:s21] =	ssyncset.done $0x0  }
0x43: {  	s25 =	simm.s32 $0x280;
	[sflag:s21] =	ssyncadd.s32 $0xFFFFC000  }
0x44: {  	[tilespmem:s16], [sflag:$0x3] =	stream.indirect.gather [spmem:s2], $0x80, s25, s13, $0xb8;
	[tilespmem:$0x1BC80] =	vst v63  }
0x45: {  	_ =	swait.ge [sflag:s10], $0x4000  }
0x46: {  	[sflag:s10] =	ssyncset.done $0x0  }
0x47: {  	s26 =	sadd.s32 s1, s26;
	[sflag:s10] =	ssyncadd.s32 $0xFFFFC000  }
0x48: {  	[hbm4b:s26+s3] =	stream.linear.scatter [tilespmem:s16], [sflag:$0x2], $0x4000, $0x38;
	[tilespmem:$0x1BC80] =	vst v63  }
0x49: {  	_ =	swait.ge [sflag:s18], $0x4000  }
0x4a: {  	[sflag:s18] =	ssyncset.done $0x0  }
0x4b: {  	s28 =	simm.s32 $0x300;
	[sflag:s18] =	ssyncadd.s32 $0xFFFFC000  }
0x4c: {  	[tilespmem:s14], [sflag:$0x3] =	stream.indirect.gather [spmem:s2], $0x80, s28, s13, $0xb8;
	[tilespmem:$0x1BC80] =	vst v63  }
0x4d: {  	_ =	swait.ge [sflag:s10], $0x4000  }
0x4e: {  	[sflag:s10] =	ssyncset.done $0x0  }
0x4f: {  	s29 =	sadd.s32 s1, s29;
	[sflag:s10] =	ssyncadd.s32 $0xFFFFC000  }
0x50: {  	[hbm4b:s29+s3] =	stream.linear.scatter [tilespmem:s14], [sflag:$0x1], $0x4000, $0x38;
	[tilespmem:$0x1BC80] =	vst v63  }
0x51: {  	s0 =	ssub.s32 $0x2, s0;
	_ =	swait.ge [sflag:s21], $0x4000  }
0x52: {  	s31 =	sadd.s32 s1, s31;
	s1 =	sshrl.u32 s0, $0x1;
	[sflag:s21] =	ssyncset.done $0x0  }
0x53: {  	s30 =	simm.s32 $0x380;
	s0 =	ssub.s32 s0, s1;
	[sflag:s21] =	ssyncadd.s32 $0xFFFFC000  }
0x54: {  	[tilespmem:s16], [sflag:$0x3] =	stream.indirect.gather [spmem:s2], $0x80, s30, s13, $0xb8;
	[tilespmem:$0x1BC80] =	vst v63  }
0x55: {  	s0 =	smax.u32 s0, $0x1;
	_ =	swait.ge [sflag:s10], $0x4000  }
0x56: {  	s0 =	sadd.s32 $0xFFFFFFFF, s0;
	[sflag:s10] =	ssyncset.done $0x0  }
0x57: {  	p1 =	sne.s32 s0, $0x0;
	[sflag:s10] =	ssyncadd.s32 $0xFFFFC000  }
0x58: {  	[hbm4b:s31+s3] =	stream.linear.scatter [tilespmem:s16], [sflag:$0x2], $0x4000, $0x38;
	[tilespmem:$0x1BC80] =	vst v63  }
.Ltmp0:
0x59: {  	_ =	swait.ge [sflag:s18], $0x4000;
	(pc) =	sbr.rel @!p1 .LBB2_2-.Ltmp0, $4  }
0x5a: {  	[sflag:s18] =	ssyncset.done $0x0  }
0x5b: {  	[sflag:s18] =	ssyncadd.s32 $0xFFFFC000  }
0x5c: {  	_ =	swait.ge [sflag:s21], $0x4000  }
0x5d: {  	[sflag:s21] =	ssyncset.done $0x0  }
.LBB2_1:
0x5e: {  	s1 =	rddreg [dreg:$0x5];
	[sflag:s21] =	ssyncadd.s32 $0xFFFFC000  }
0x5f: {  	[spmem:s4], [sflag:s5] =	dma.local @p0 [hbm:s1], $0x1900  }
0x60: {  	_ =	swait.ge @p0 [sflag:s6], $0x1900  }
0x61: {  	[sflag:s6] =	ssyncset.done @p0 $0x0  }
0x62: {  	s1 =	rddreg [dreg:$0x4];
	[sflag:s6] =	ssyncadd.s32 @p0 $0xFFFFE700  }
0x63: {  	[spmem:s8], [sflag:s7] =	dma.local @!p0 [hbm:s1], $0x2800  }
0x64: {  	_ =	swait.ge @!p0 [sflag:s9], $0x2800  }
0x65: {  	[sflag:s9] =	ssyncset.done @!p0 $0x0  }
0x66: {  	s1 =	rddreg [dreg:$0x6];
	[sflag:s9] =	ssyncadd.s32 @!p0 $0xFFFFD800  }
0x67: {  	[tilespmem:s3], [sflag:$0x3] =	stream.linear.gather [hbm4b:s1+s3], $0x200, $0x38;
	[tilespmem:$0x1BC80] =	vst v63  }
0x68: {  	_ =	swait.ge [sflag:s10], $0x200  }
0x69: {  	[sflag:s10] =	ssyncset.done $0x0  }
0x6a: {  	[sflag:s10] =	ssyncadd.s32 $0xFFFFFE00  }
0x6b: {  	[tilespmem:s12], [sflag:$0x3] =	stream.linear.gather [hbm4b:s11+s3], $0x200, $0x38;
	[tilespmem:$0x1BC80] =	vst v63  }
0x6c: {  	_ =	swait.ge [sflag:s10], $0x200  }
0x6d: {  	[sflag:s10] =	ssyncset.done $0x0  }
0x6e: {  	[sflag:s10] =	ssyncadd.s32 $0xFFFFFE00  }
0x6f: {  	[bflag:$0x0] =	sbarrier.arrive $0xFFFF  }
0x70: {  	[tilespmem:s14], [sflag:$0x3] =	stream.indirect.gather [spmem:s2], $0x80, s3, s13, $0xb8;
	[tilespmem:$0x1BC80] =	vst v63  }
0x71: {  	_ =	swait.ge [sflag:s10], $0x4000  }
0x72: {  	[sflag:s10] =	ssyncset.done $0x0  }
0x73: {  	[sflag:s10] =	ssyncadd.s32 $0xFFFFC000  }
0x74: {  	[hbm4b:s15+s3] =	stream.linear.scatter [tilespmem:s14], [sflag:$0x1], $0x4000, $0x38;
	[tilespmem:$0x1BC80] =	vst v63  }
0x75: {  	_ = 	snop  }
0x76: {  	[tilespmem:s16], [sflag:$0x3] =	stream.indirect.gather [spmem:s2], $0x80, s13, s13, $0xb8;
	[tilespmem:$0x1BC80] =	vst v63  }
0x77: {  	_ =	swait.ge [sflag:s10], $0x4000  }
0x78: {  	[sflag:s10] =	ssyncset.done $0x0  }
0x79: {  	[sflag:s10] =	ssyncadd.s32 $0xFFFFC000  }
0x7a: {  	[hbm4b:s17+s3] =	stream.linear.scatter [tilespmem:s16], [sflag:$0x2], $0x4000, $0x38;
	[tilespmem:$0x1BC80] =	vst v63  }
0x7b: {  	_ =	swait.ge [sflag:s18], $0x4000  }
0x7c: {  	[sflag:s18] =	ssyncset.done $0x0  }
0x7d: {  	[sflag:s18] =	ssyncadd.s32 $0xFFFFC000  }
0x7e: {  	[tilespmem:s14], [sflag:$0x3] =	stream.indirect.gather [spmem:s2], $0x80, s19, s13, $0xb8;
	[tilespmem:$0x1BC80] =	vst v63  }
0x7f: {  	_ =	swait.ge [sflag:s10], $0x4000  }
0x80: {  	[sflag:s10] =	ssyncset.done $0x0  }
0x81: {  	[sflag:s10] =	ssyncadd.s32 $0xFFFFC000  }
0x82: {  	[hbm4b:s20+s3] =	stream.linear.scatter [tilespmem:s14], [sflag:$0x1], $0x4000, $0x38;
	[tilespmem:$0x1BC80] =	vst v63  }
0x83: {  	_ =	swait.ge [sflag:s21], $0x4000  }
0x84: {  	[sflag:s21] =	ssyncset.done $0x0  }
0x85: {  	[sflag:s21] =	ssyncadd.s32 $0xFFFFC000  }
0x86: {  	[tilespmem:s16], [sflag:$0x3] =	stream.indirect.gather [spmem:s2], $0x80, s22, s13, $0xb8;
	[tilespmem:$0x1BC80] =	vst v63  }
0x87: {  	_ =	swait.ge [sflag:s10], $0x4000  }
0x88: {  	[sflag:s10] =	ssyncset.done $0x0  }
0x89: {  	[sflag:s10] =	ssyncadd.s32 $0xFFFFC000  }
0x8a: {  	[hbm4b:s23+s3] =	stream.linear.scatter [tilespmem:s16], [sflag:$0x2], $0x4000, $0x38;
	[tilespmem:$0x1BC80] =	vst v63  }
0x8b: {  	_ =	swait.ge [sflag:s18], $0x4000  }
0x8c: {  	[sflag:s18] =	ssyncset.done $0x0  }
0x8d: {  	[sflag:s18] =	ssyncadd.s32 $0xFFFFC000  }
0x8e: {  	[tilespmem:s14], [sflag:$0x3] =	stream.indirect.gather [spmem:s2], $0x80, s12, s13, $0xb8;
	[tilespmem:$0x1BC80] =	vst v63  }
0x8f: {  	_ =	swait.ge [sflag:s10], $0x4000  }
0x90: {  	[sflag:s10] =	ssyncset.done $0x0  }
0x91: {  	[sflag:s10] =	ssyncadd.s32 $0xFFFFC000  }
0x92: {  	[hbm4b:s24+s3] =	stream.linear.scatter [tilespmem:s14], [sflag:$0x1], $0x4000, $0x38;
	[tilespmem:$0x1BC80] =	vst v63  }
0x93: {  	_ =	swait.ge [sflag:s21], $0x4000  }
0x94: {  	[sflag:s21] =	ssyncset.done $0x0  }
0x95: {  	[sflag:s21] =	ssyncadd.s32 $0xFFFFC000  }
0x96: {  	[tilespmem:s16], [sflag:$0x3] =	stream.indirect.gather [spmem:s2], $0x80, s25, s13, $0xb8;
	[tilespmem:$0x1BC80] =	vst v63  }
0x97: {  	_ =	swait.ge [sflag:s10], $0x4000  }
0x98: {  	[sflag:s10] =	ssyncset.done $0x0  }
0x99: {  	[sflag:s10] =	ssyncadd.s32 $0xFFFFC000  }
0x9a: {  	[hbm4b:s26+s3] =	stream.linear.scatter [tilespmem:s16], [sflag:$0x2], $0x4000, $0x38;
	[tilespmem:$0x1BC80] =	vst v63  }
0x9b: {  	_ =	swait.ge [sflag:s18], $0x4000  }
0x9c: {  	[sflag:s18] =	ssyncset.done $0x0  }
0x9d: {  	[sflag:s18] =	ssyncadd.s32 $0xFFFFC000  }
0x9e: {  	[tilespmem:s14], [sflag:$0x3] =	stream.indirect.gather [spmem:s2], $0x80, s28, s13, $0xb8;
	[tilespmem:$0x1BC80] =	vst v63  }
0x9f: {  	_ =	swait.ge [sflag:s10], $0x4000  }
0xa0: {  	[sflag:s10] =	ssyncset.done $0x0  }
0xa1: {  	[sflag:s10] =	ssyncadd.s32 $0xFFFFC000  }
0xa2: {  	[hbm4b:s29+s3] =	stream.linear.scatter [tilespmem:s14], [sflag:$0x1], $0x4000, $0x38;
	[tilespmem:$0x1BC80] =	vst v63  }
0xa3: {  	_ =	swait.ge [sflag:s21], $0x4000  }
0xa4: {  	[sflag:s21] =	ssyncset.done $0x0  }
0xa5: {  	[sflag:s21] =	ssyncadd.s32 $0xFFFFC000  }
0xa6: {  	[tilespmem:s16], [sflag:$0x3] =	stream.indirect.gather [spmem:s2], $0x80, s30, s13, $0xb8;
	[tilespmem:$0x1BC80] =	vst v63  }
0xa7: {  	_ =	swait.ge [sflag:s10], $0x4000  }
0xa8: {  	s0 =	sadd.s32 $0xFFFFFFFF, s0;
	[sflag:s10] =	ssyncset.done $0x0  }
0xa9: {  	p1 =	sne.s32 s0, $0x0;
	[sflag:s10] =	ssyncadd.s32 $0xFFFFC000  }
0xaa: {  	[hbm4b:s31+s3] =	stream.linear.scatter [tilespmem:s16], [sflag:$0x2], $0x4000, $0x38;
	[tilespmem:$0x1BC80] =	vst v63  }
.Ltmp1:
0xab: {  	_ =	swait.ge [sflag:s18], $0x4000;
	(pc) =	sbr.rel @p1 .LBB2_1-.Ltmp1, $4  }
0xac: {  	[sflag:s18] =	ssyncset.done $0x0  }
0xad: {  	[sflag:s18] =	ssyncadd.s32 $0xFFFFC000  }
0xae: {  	_ =	swait.ge [sflag:s21], $0x4000  }
0xaf: {  	[sflag:s21] =	ssyncset.done $0x0  }
.LBB2_2:
0xb0: {  	[sflag:s21] =	ssyncadd.s32 $0xFFFFC000  }
0xb1: {  	_ =	sfence.sel $0x180000  }
0xb2: {  	[bflag:$0x0] =	sbarrier.arrive $0xFFFF  }
0xb3: {  	_ =	strace $0x90000050  }
0xb4: {  	s0 =	stileid.u32;
	[bflag:$0x2] =	sbarrier.arrive $0xFFFF  }
0xb5: {  	p0 =	sne.s32 s0, $0x0;
	s0 =	rddreg [dreg:$0x3]  }
0xb6: {  	s0 =	sadd.s32 @!p0 $0x100000, s0  }
0xb7: {  	[sflag:s0] =	ssyncadd.tile.s32 @!p0 $0x1;
	_ =	shalt  }
.Lfunc_end2:
_tile_overlayer_lowered:
.L_overlay_start_2:
0xb8: {  	(tag) =	ssettag $0x2  }
0xb9: {  	s0 =	rddreg [dreg:$0x0];
	s2 =	stileid.u32  }
0xba: {  	s1 =	rddreg [dreg:$0x1];
	p0 =	sne.s32 s2, $0x0  }
0xbb: {  	s3 =	rddreg [dreg:$0x2];
	[bflag:$0x3] =	sbarrier.arrive $0xFFFF;
	s2 =	simm.s32 @!p0 $0x1C03  }
0xbc: {  	[timem:s3], [sflag:s2] =	dma.local @!p0 [hbm:s0], s1  }
0xbd: {  	s0 =	simm.s32 @!p0 $0x3  }
0xbe: {  	_ =	swait.ge @!p0 [sflag:s0], s1  }
0xbf: {  	s1 =	ssub.s32 @!p0 $0x0, s1;
	[sflag:s0] =	ssyncset.done @!p0 $0x0  }
0xc0: {  	[sflag:s0] =	ssyncadd.s32 @!p0 s1  }
0xc1: {  	[bflag:$0x3] =	sbarrier.arrive $0xFFFF  }
0xc2: {  	_ =	shalt  }

</sc_bundles>
